<compile_context>
chip_gen: v7x
topology: tpu7x:2x2x1
jax: 0.10.2.dev20260603
libtpu: 0.0.44.dev20260713+nightly
codegen_flags: <defaults>
</compile_context>

<pallas_src>
import functools

import jax
import jax.numpy as jnp
from jax import lax
from jax.experimental import pallas as pl
from jax.experimental.pallas import tpu as pltpu
from jax.experimental.pallas import tpu_sc as plsc

NC = 2
NS = 16
CK = 128


def _make_deg_kernel(N, E):
    EW = E // (NC * NS)
    NFULL = EW // CK
    REM = EW - NFULL * CK
    ZR = 80
    Q = ((N + NS - 1) // NS + ZR - 1) // ZR * ZR
    assert N % ZR == 0
    mesh = plsc.VectorSubcoreMesh(core_axis_name="c", subcore_axis_name="s")

    @functools.partial(
        pl.kernel,
        out_type=jax.ShapeDtypeStruct((2, NC, N, 16), jnp.float32),
        mesh=mesh,
        scratch_types=[
            pltpu.VMEM((CK,), jnp.int32),
            pltpu.VMEM((CK, 16), jnp.float32),
            pltpu.VMEM((ZR, 16), jnp.float32),
            pltpu.VMEM_SHARED((N, 16), jnp.float32),
            pltpu.VMEM_SHARED((N, 16), jnp.float32),
        ],
    )
    def deg(src_hbm, dst_hbm, out_hbm, idx_v, ones_v, zbuf_v, tsrc, tdst):
        cid = lax.axis_index("c")
        sid = lax.axis_index("s")
        w = cid * NS + sid
        r0 = sid * Q
        nk = (jnp.minimum(r0 + Q, N) - jnp.minimum(r0, N)) // ZR

        def fill(i, _):
            ones_v[i, :] = jnp.ones((16,), jnp.float32)
            return 0

        lax.fori_loop(0, CK, fill, 0)

        def zfill(i, _):
            zbuf_v[i, :] = jnp.zeros((16,), jnp.float32)
            return 0

        lax.fori_loop(0, ZR, zfill, 0)

        def zcopy(k, _):
            pltpu.sync_copy(zbuf_v, tsrc.at[pl.ds(r0 + k * ZR, ZR)])
            pltpu.sync_copy(zbuf_v, tdst.at[pl.ds(r0 + k * ZR, ZR)])
            return 0

        lax.fori_loop(0, nk, zcopy, 0)
        plsc.subcore_barrier()

        base = w * EW

        def body(i, _):
            off = base + i * CK
            pltpu.sync_copy(src_hbm.at[pl.ds(off, CK)], idx_v)
            pltpu.sync_copy(ones_v, tsrc.at[idx_v], add=True)
            pltpu.sync_copy(dst_hbm.at[pl.ds(off, CK)], idx_v)
            pltpu.sync_copy(ones_v, tdst.at[idx_v], add=True)
            return 0

        lax.fori_loop(0, NFULL, body, 0)
        if REM:
            off = base + NFULL * CK
            ridx = idx_v.at[pl.ds(0, REM)]
            pltpu.sync_copy(src_hbm.at[pl.ds(off, REM)], ridx)
            pltpu.sync_copy(ones_v.at[pl.ds(0, REM)], tsrc.at[ridx], add=True)
            pltpu.sync_copy(dst_hbm.at[pl.ds(off, REM)], ridx)
            pltpu.sync_copy(ones_v.at[pl.ds(0, REM)], tdst.at[ridx], add=True)
        plsc.subcore_barrier()

        def outcopy(k, _):
            rk = r0 + k * ZR
            pltpu.sync_copy(tsrc.at[pl.ds(rk, ZR)], zbuf_v)
            pltpu.sync_copy(zbuf_v, out_hbm.at[0, cid, pl.ds(rk, ZR)])
            pltpu.sync_copy(tdst.at[pl.ds(rk, ZR)], zbuf_v)
            pltpu.sync_copy(zbuf_v, out_hbm.at[1, cid, pl.ds(rk, ZR)])
            return 0

        lax.fori_loop(0, nk, outcopy, 0)

    return deg


def _make_prop_kernel(N, E, D):
    EW = E // (NC * NS)
    NFULL = EW // CK
    REM = EW - NFULL * CK
    ZR = 80
    Q = ((N + NS - 1) // NS + ZR - 1) // ZR * ZR
    assert N % ZR == 0
    mesh = plsc.VectorSubcoreMesh(core_axis_name="c", subcore_axis_name="s")

    @functools.partial(
        pl.kernel,
        out_type=jax.ShapeDtypeStruct((NC, N, D), jnp.float32),
        mesh=mesh,
        scratch_types=[
            pltpu.VMEM((CK,), jnp.int32),
            pltpu.VMEM((CK,), jnp.int32),
            pltpu.VMEM((CK, D), jnp.float32),
            pltpu.VMEM((ZR, D), jnp.float32),
            pltpu.VMEM_SHARED((N, D), jnp.float32),
            pltpu.SemaphoreType.DMA,
        ],
        compiler_params=pltpu.CompilerParams(use_tc_tiling_on_sc=False),
    )
    def prop(p_hbm, src_hbm, dst_hbm, out_hbm, sidx, didx, rows, zbuf, acc, sem):
        cid = lax.axis_index("c")
        sid = lax.axis_index("s")
        w = cid * NS + sid
        ng = D // 16
        r0 = sid * Q
        nk = (jnp.minimum(r0 + Q, N) - jnp.minimum(r0, N)) // ZR

        def zfill(i, _):
            for g in range(ng):
                zbuf[i, pl.ds(g * 16, 16)] = jnp.zeros((16,), jnp.float32)
            return 0

        lax.fori_loop(0, ZR, zfill, 0)

        def zcopy(k, _):
            pltpu.sync_copy(zbuf, acc.at[pl.ds(r0 + k * ZR, ZR)])
            return 0

        lax.fori_loop(0, nk, zcopy, 0)
        plsc.subcore_barrier()

        base = w * EW

        def body(i, _):
            off = base + i * CK
            pltpu.sync_copy(src_hbm.at[pl.ds(off, CK)], sidx)
            pltpu.sync_copy(dst_hbm.at[pl.ds(off, CK)], didx)
            pltpu.async_copy(p_hbm.at[sidx], rows, sem).wait()
            pltpu.sync_copy(rows, acc.at[didx], add=True)
            return 0

        lax.fori_loop(0, NFULL, body, 0)
        if REM:
            off = base + NFULL * CK
            rs = sidx.at[pl.ds(0, REM)]
            rd = didx.at[pl.ds(0, REM)]
            rr = rows.at[pl.ds(0, REM)]
            pltpu.sync_copy(src_hbm.at[pl.ds(off, REM)], rs)
            pltpu.sync_copy(dst_hbm.at[pl.ds(off, REM)], rd)
            pltpu.async_copy(p_hbm.at[rs], rr, sem).wait()
            pltpu.sync_copy(rr, acc.at[rd], add=True)
        plsc.subcore_barrier()

        def outcopy(k, _):
            rk = r0 + k * ZR
            pltpu.sync_copy(acc.at[pl.ds(rk, ZR)], zbuf)
            pltpu.sync_copy(zbuf, out_hbm.at[cid, pl.ds(rk, ZR)])
            return 0

        lax.fori_loop(0, nk, outcopy, 0)

    return prop


def _deg_a(cnt):
    return lax.rsqrt(cnt[0, 0, :, 0] + cnt[0, 1, :, 0] + 1.0)


def _deg_b(cnt):
    return lax.rsqrt(cnt[1, 0, :, 0] + cnt[1, 1, :, 0] + 1.0)


def _mm1_body(x_ref, w_ref, cnt_ref, o_ref):
    a = _deg_a(cnt_ref[...])
    o_ref[...] = jnp.dot(x_ref[...], w_ref[...],
                         preferred_element_type=jnp.float32) * a[:, None]


def _mm2_body(t_ref, w_ref, cnt_ref, o_ref):
    cnt = cnt_ref[...]
    s = t_ref[0] + t_ref[1]
    h = jnp.maximum(s * _deg_b(cnt)[:, None], 0.0)
    o_ref[...] = jnp.dot(h, w_ref[...],
                         preferred_element_type=jnp.float32) * _deg_a(cnt)[:, None]


def _decode_body(tr_ref, cr_ref, tc_ref, cc_ref, o_ref):
    zr = (tr_ref[0] + tr_ref[1]) * _deg_b(cr_ref[...])[:, None]
    zc = (tc_ref[0] + tc_ref[1]) * _deg_b(cc_ref[...])[:, None]
    logits = lax.dot_general(zr, zc, (((1,), (1,)), ((), ())),
                             preferred_element_type=jnp.float32)
    o_ref[...] = 1.0 / (1.0 + jnp.exp(-logits))


def kernel(x, edge_index, W1, W2):
    N, F = x.shape
    E = edge_index.shape[1]
    H1 = W1.shape[1]
    H2 = W2.shape[1]
    src = edge_index[0]
    dst = edge_index[1]

    cnt = _make_deg_kernel(N, E)(src, dst)

    BR = 400
    nb = N // BR
    cnt_spec = pl.BlockSpec((2, 2, BR, 16), lambda i: (0, 0, i, 0))

    p1 = pl.pallas_call(
        _mm1_body,
        grid=(nb,),
        in_specs=[pl.BlockSpec((BR, F), lambda i: (i, 0)),
                  pl.BlockSpec((F, H1), lambda i: (0, 0)),
                  cnt_spec],
        out_specs=pl.BlockSpec((BR, H1), lambda i: (i, 0)),
        out_shape=jax.ShapeDtypeStruct((N, H1), jnp.float32),
    )(x, W1, cnt)

    t1 = _make_prop_kernel(N, E, H1)(p1, src, dst)

    p2 = pl.pallas_call(
        _mm2_body,
        grid=(nb,),
        in_specs=[pl.BlockSpec((NC, BR, H1), lambda i: (0, i, 0)),
                  pl.BlockSpec((H1, H2), lambda i: (0, 0)),
                  cnt_spec],
        out_specs=pl.BlockSpec((BR, H2), lambda i: (i, 0)),
        out_shape=jax.ShapeDtypeStruct((N, H2), jnp.float32),
    )(t1, W2, cnt)

    t2 = _make_prop_kernel(N, E, H2)(p2, src, dst)

    BC = 2048
    nc_blocks = pl.cdiv(N, BC)
    a_pred = pl.pallas_call(
        _decode_body,
        grid=(nb, nc_blocks),
        in_specs=[pl.BlockSpec((NC, BR, H2), lambda i, j: (0, i, 0)),
                  pl.BlockSpec((2, 2, BR, 16), lambda i, j: (0, 0, i, 0)),
                  pl.BlockSpec((NC, BC, H2), lambda i, j: (0, j, 0)),
                  pl.BlockSpec((2, 2, BC, 16), lambda i, j: (0, 0, j, 0))],
        out_specs=pl.BlockSpec((BR, BC), lambda i, j: (i, j)),
        out_shape=jax.ShapeDtypeStruct((N, N), jnp.float32),
    )(t2, cnt, t2, cnt)

    return a_pred

# --- scband reference (transcript-rebuilt; emitter-appended) ---
"""Pipeline reference for scband-gae-22204980921073 (READ-ONLY COPY).

The authoritative reference and input builder live on the scoring server;
editing this copy changes nothing except your own understanding.
"""

import jax, jax.numpy as jnp
import numpy as np

N = 10000
E = 320000
F_IN = 128
H1 = 128
H2 = 16


def setup_inputs(seed: int = 0) -> dict:
    key = jax.random.key(seed)
    k1, k2, k3, k4 = jax.random.split(key, 4)
    x = jax.random.normal(k1, (N, F_IN), dtype=jnp.float32)
    edge_index = jax.random.randint(k2, (2, E), 0, N, dtype=jnp.int32)
    W1 = jax.random.normal(k3, (F_IN, H1), dtype=jnp.float32) * (1.0 / np.sqrt(F_IN))
    W2 = jax.random.normal(k4, (H1, H2), dtype=jnp.float32) * (1.0 / np.sqrt(H1))
    return {"x": x, "edge_index": edge_index, "W1": W1, "W2": W2}


def _edge_norm(edge_index):
    # symmetric GCN normalization 1/sqrt(deg_src * deg_dst), computed from the
    # (preprocessed, constant) adjacency the torch module stored at __init__.
    src, dst = edge_index[0], edge_index[1]
    deg_out = jnp.zeros((N,), dtype=jnp.float32).at[src].add(1.0) + 1.0
    deg_in = jnp.zeros((N,), dtype=jnp.float32).at[dst].add(1.0) + 1.0
    return jax.lax.rsqrt(deg_out[src] * deg_in[dst])


def _prop(h, src, dst, norm):
    # adj @ h  ==  gather source features, scale, scatter-add into dst rows
    msg = h[src] * norm[:, None]
    return jax.ops.segment_sum(msg, dst, num_segments=N)


def reference(x, edge_index, W1, W2):
    src, dst = edge_index[0], edge_index[1]
    norm = _edge_norm(edge_index)
    # GraphConv 1: support = x @ W1 ; out = adj @ support ; relu  (dropout=0.0)
    h = jax.nn.relu(_prop(x @ W1, src, dst, norm))
    # GraphConv 2: linear activation
    z = _prop(h @ W2, src, dst, norm)
    # InnerProductDecoder: sigmoid(z @ z.T)
    A_pred = jax.nn.sigmoid(z @ z.T)
    return A_pred

if __name__ == "__main__":
    import jax
    _d = setup_inputs()
    print(jax.jit(kernel)(*tuple(_d.values())))

</pallas_src>

<mosaic_0001>
#map = affine_map<(d0, d1) -> (0, 0)>
#map1 = affine_map<(d0, d1) -> (0)>
#map2 = affine_map<(d0, d1) -> (0, 0, 0)>
module attributes {stable_mosaic.version = 14 : i64} {
  func.func @prop(%arg0: i32, %arg1: i32, %arg2: memref<10000x128xf32, #tpu.memory_space<hbm>>, %arg3: memref<320000xi32, #tpu.memory_space<hbm>>, %arg4: memref<320000xi32, #tpu.memory_space<hbm>>, %arg5: memref<2x10000x128xf32, #tpu.memory_space<hbm>>, %arg6: memref<128xi32, #tpu.memory_space<vmem>>, %arg7: memref<128xi32, #tpu.memory_space<vmem>>, %arg8: memref<128x128xf32, #tpu.memory_space<vmem>>, %arg9: memref<80x128xf32, #tpu.memory_space<vmem>>, %arg10: memref<10000x128xf32, #tpu.memory_space<vmem_shared>>, %arg11: memref<!tpu.dma_semaphore, #tpu.memory_space<semaphore_mem>>) attributes {dimension_semantics = [#tpu.dimension_semantics<core_parallel>, #tpu.dimension_semantics<subcore_parallel>], iteration_bounds = array<i64: 2, 16>, scalar_prefetch = 0 : i64, scratch_operands = 6 : i64, tpu.core_type = #tpu.core_type<sc_vector_subcore>, window_params = [{transform_indices = #map}, {transform_indices = #map1}, {transform_indices = #map1}, {transform_indices = #map2}]} {
    %mul3A = arith.constant 16 : i32
    %mul3A_0 = arith.muli %arg0, %mul3A : i32
    %add3A = arith.addi %mul3A_0, %arg1 : i32
    %mul3A_1 = arith.constant 640 : i32
    %mul3A_2 = arith.muli %arg1, %mul3A_1 : i32
    %add3A_3 = arith.constant 640 : i32
    %add3A_4 = arith.addi %mul3A_2, %add3A_3 : i32
    %min3A = arith.constant 10000 : i32
    %min3A_5 = arith.minsi %add3A_4, %min3A : i32
    %min3A_6 = arith.constant 10000 : i32
    %min3A_7 = arith.minsi %mul3A_2, %min3A_6 : i32
    %sub3A = arith.subi %min3A_5, %min3A_7 : i32
    %jit3A = arith.constant 80 : i32
    %div3A = arith.divsi %sub3A, %jit3A : i32
    %sign3A = arith.constant 0 : i32
    %sign3A_8 = arith.cmpi sgt, %sub3A, %sign3A : i32
    %sign3A_9 = arith.extui %sign3A_8 : i1 to i32
    %sign3A_10 = arith.constant 0 : i32
    %sign3A_11 = arith.cmpi slt, %sub3A, %sign3A_10 : i32
    %sign3A_12 = arith.extui %sign3A_11 : i1 to i32
    %sign3A_13 = arith.subi %sign3A_9, %sign3A_12 : i32
    %sign3A_14 = arith.constant 0 : i32
    %sign3A_15 = arith.cmpi sgt, %jit3A, %sign3A_14 : i32
    %sign3A_16 = arith.extui %sign3A_15 : i1 to i32
    %sign3A_17 = arith.constant 0 : i32
    %sign3A_18 = arith.cmpi slt, %jit3A, %sign3A_17 : i32
    %sign3A_19 = arith.extui %sign3A_18 : i1 to i32
    %sign3A_20 = arith.subi %sign3A_16, %sign3A_19 : i32
    %ne3A = arith.cmpi ne, %sign3A_13, %sign3A_20 : i32
    %rem3A = arith.remsi %sub3A, %jit3A : i32
    %ne3A_21 = arith.constant 0 : i32
    %ne3A_22 = arith.cmpi ne, %rem3A, %ne3A_21 : i32
    %and3A = arith.andi %ne3A, %ne3A_22 : i1
    %sub3A_23 = arith.constant 1 : i32
    %sub3A_24 = arith.subi %div3A, %sub3A_23 : i32
    %select_n3A = arith.select %and3A, %sub3A_24, %div3A : i32
    %scan3A = arith.constant 0 : i32
    %scan3A_25 = arith.constant 0 : i32
    %scan3A_26 = arith.constant 80 : i32
    %scan3A_27 = arith.addi %scan3A_25, %scan3A_26 : i32
    %scan3A_28 = arith.constant 1 : i32
    %scan3A_29 = scf.for %scan3A_80 = %scan3A_25 to %scan3A_27 step %scan3A_28 iter_args(%scan3A_81 = %scan3A) -> (i32)  : i32 {
      %broadcast_in_dim3A = arith.constant 0.000000e+00 : f32
      %broadcast_in_dim3A_82 = vector.broadcast %broadcast_in_dim3A : f32 to vector<16xf32>
      %swap3A = arith.index_cast %scan3A_80 : i32 to index
      %swap3A_83 = arith.constant 0 : index
      %swap3A_84 = tpu.vector_load %arg9[%swap3A, %swap3A_83] {strides = array<i32>} : memref<80x128xf32, #tpu.memory_space<vmem>>, vector<1x16xf32>,
      %swap3A_85 = vector.shape_cast %swap3A_84 : vector<1x16xf32> to vector<16xf32>
      %swap3A_86 = vector.shape_cast %broadcast_in_dim3A_82 : vector<16xf32> to vector<1x16xf32>
      tpu.vector_store %arg9[%swap3A, %swap3A_83], %swap3A_86 {strides = array<i32>} : memref<80x128xf32, #tpu.memory_space<vmem>>, vector<1x16xf32>,
      %broadcast_in_dim3A_87 = arith.constant 0.000000e+00 : f32
      %broadcast_in_dim3A_88 = vector.broadcast %broadcast_in_dim3A_87 : f32 to vector<16xf32>
      %swap3A_89 = arith.index_cast %scan3A_80 : i32 to index
      %swap3A_90 = arith.constant 16 : index
      %swap3A_91 = tpu.vector_load %arg9[%swap3A_89, %swap3A_90] {strides = array<i32>} : memref<80x128xf32, #tpu.memory_space<vmem>>, vector<1x16xf32>,
      %swap3A_92 = vector.shape_cast %swap3A_91 : vector<1x16xf32> to vector<16xf32>
      %swap3A_93 = vector.shape_cast %broadcast_in_dim3A_88 : vector<16xf32> to vector<1x16xf32>
      tpu.vector_store %arg9[%swap3A_89, %swap3A_90], %swap3A_93 {strides = array<i32>} : memref<80x128xf32, #tpu.memory_space<vmem>>, vector<1x16xf32>,
      %broadcast_in_dim3A_94 = arith.constant 0.000000e+00 : f32
      %broadcast_in_dim3A_95 = vector.broadcast %broadcast_in_dim3A_94 : f32 to vector<16xf32>
      %swap3A_96 = arith.index_cast %scan3A_80 : i32 to index
      %swap3A_97 = arith.constant 32 : index
      %swap3A_98 = tpu.vector_load %arg9[%swap3A_96, %swap3A_97] {strides = array<i32>} : memref<80x128xf32, #tpu.memory_space<vmem>>, vector<1x16xf32>,
      %swap3A_99 = vector.shape_cast %swap3A_98 : vector<1x16xf32> to vector<16xf32>
      %swap3A_100 = vector.shape_cast %broadcast_in_dim3A_95 : vector<16xf32> to vector<1x16xf32>
      tpu.vector_store %arg9[%swap3A_96, %swap3A_97], %swap3A_100 {strides = array<i32>} : memref<80x128xf32, #tpu.memory_space<vmem>>, vector<1x16xf32>,
      %broadcast_in_dim3A_101 = arith.constant 0.000000e+00 : f32
      %broadcast_in_dim3A_102 = vector.broadcast %broadcast_in_dim3A_101 : f32 to vector<16xf32>
      %swap3A_103 = arith.index_cast %scan3A_80 : i32 to index
      %swap3A_104 = arith.constant 48 : index
      %swap3A_105 = tpu.vector_load %arg9[%swap3A_103, %swap3A_104] {strides = array<i32>} : memref<80x128xf32, #tpu.memory_space<vmem>>, vector<1x16xf32>,
      %swap3A_106 = vector.shape_cast %swap3A_105 : vector<1x16xf32> to vector<16xf32>
      %swap3A_107 = vector.shape_cast %broadcast_in_dim3A_102 : vector<16xf32> to vector<1x16xf32>
      tpu.vector_store %arg9[%swap3A_103, %swap3A_104], %swap3A_107 {strides = array<i32>} : memref<80x128xf32, #tpu.memory_space<vmem>>, vector<1x16xf32>,
      %broadcast_in_dim3A_108 = arith.constant 0.000000e+00 : f32
      %broadcast_in_dim3A_109 = vector.broadcast %broadcast_in_dim3A_108 : f32 to vector<16xf32>
      %swap3A_110 = arith.index_cast %scan3A_80 : i32 to index
      %swap3A_111 = arith.constant 64 : index
      %swap3A_112 = tpu.vector_load %arg9[%swap3A_110, %swap3A_111] {strides = array<i32>} : memref<80x128xf32, #tpu.memory_space<vmem>>, vector<1x16xf32>,
      %swap3A_113 = vector.shape_cast %swap3A_112 : vector<1x16xf32> to vector<16xf32>
      %swap3A_114 = vector.shape_cast %broadcast_in_dim3A_109 : vector<16xf32> to vector<1x16xf32>
      tpu.vector_store %arg9[%swap3A_110, %swap3A_111], %swap3A_114 {strides = array<i32>} : memref<80x128xf32, #tpu.memory_space<vmem>>, vector<1x16xf32>,
      %broadcast_in_dim3A_115 = arith.constant 0.000000e+00 : f32
      %broadcast_in_dim3A_116 = vector.broadcast %broadcast_in_dim3A_115 : f32 to vector<16xf32>
      %swap3A_117 = arith.index_cast %scan3A_80 : i32 to index
      %swap3A_118 = arith.constant 80 : index
      %swap3A_119 = tpu.vector_load %arg9[%swap3A_117, %swap3A_118] {strides = array<i32>} : memref<80x128xf32, #tpu.memory_space<vmem>>, vector<1x16xf32>,
      %swap3A_120 = vector.shape_cast %swap3A_119 : vector<1x16xf32> to vector<16xf32>
      %swap3A_121 = vector.shape_cast %broadcast_in_dim3A_116 : vector<16xf32> to vector<1x16xf32>
      tpu.vector_store %arg9[%swap3A_117, %swap3A_118], %swap3A_121 {strides = array<i32>} : memref<80x128xf32, #tpu.memory_space<vmem>>, vector<1x16xf32>,
      %broadcast_in_dim3A_122 = arith.constant 0.000000e+00 : f32
      %broadcast_in_dim3A_123 = vector.broadcast %broadcast_in_dim3A_122 : f32 to vector<16xf32>
      %swap3A_124 = arith.index_cast %scan3A_80 : i32 to index
      %swap3A_125 = arith.constant 96 : index
      %swap3A_126 = tpu.vector_load %arg9[%swap3A_124, %swap3A_125] {strides = array<i32>} : memref<80x128xf32, #tpu.memory_space<vmem>>, vector<1x16xf32>,
      %swap3A_127 = vector.shape_cast %swap3A_126 : vector<1x16xf32> to vector<16xf32>
      %swap3A_128 = vector.shape_cast %broadcast_in_dim3A_123 : vector<16xf32> to vector<1x16xf32>
      tpu.vector_store %arg9[%swap3A_124, %swap3A_125], %swap3A_128 {strides = array<i32>} : memref<80x128xf32, #tpu.memory_space<vmem>>, vector<1x16xf32>,
      %broadcast_in_dim3A_129 = arith.constant 0.000000e+00 : f32
      %broadcast_in_dim3A_130 = vector.broadcast %broadcast_in_dim3A_129 : f32 to vector<16xf32>
      %swap3A_131 = arith.index_cast %scan3A_80 : i32 to index
      %swap3A_132 = arith.constant 112 : index
      %swap3A_133 = tpu.vector_load %arg9[%swap3A_131, %swap3A_132] {strides = array<i32>} : memref<80x128xf32, #tpu.memory_space<vmem>>, vector<1x16xf32>,
      %swap3A_134 = vector.shape_cast %swap3A_133 : vector<1x16xf32> to vector<16xf32>
      %swap3A_135 = vector.shape_cast %broadcast_in_dim3A_130 : vector<16xf32> to vector<1x16xf32>
      tpu.vector_store %arg9[%swap3A_131, %swap3A_132], %swap3A_135 {strides = array<i32>} : memref<80x128xf32, #tpu.memory_space<vmem>>, vector<1x16xf32>,
      %scan3A_136 = arith.constant 0 : i32
      scf.yield %scan3A_136 : i32
    }
    %scan3A_30 = arith.constant 80 : i32
    %while3A = arith.constant 0 : i32
    %while3A_31 = arith.constant 0 : i32
    %while3A_32 = arith.subi %select_n3A, %while3A : i32
    %while3A_33 = arith.addi %while3A, %while3A_32 : i32
    %while3A_34 = arith.constant 1 : i32
    %while3A_35 = arith.divsi %while3A_32, %while3A_34 : i32
    %while3A_36 = arith.muli %while3A_35, %while3A_34 : i32
    %while3A_37 = arith.addi %while3A, %while3A_36 : i32
    %while3A_38 = arith.constant 1 : i32
    %while3A_39 = scf.for %while3A_80 = %while3A to %while3A_37 step %while3A_38 iter_args(%while3A_81 = %while3A_31) -> (i32)  : i32 {
      %mul3A_82 = arith.constant 80 : i32
      %mul3A_83 = arith.muli %while3A_80, %mul3A_82 : i32
      %add3A_84 = arith.addi %mul3A_2, %mul3A_83 : i32
      "tpu.region"() ({
        %run_scoped3A = tpu.sem_alloc : memref<!tpu.dma_semaphore, #tpu.memory_space<semaphore_mem>>
        %dma_start3A_86 = arith.constant 0 : i32
        %dma_start3A_87 = tpu.memref_slice %arg10[%add3A_84, %dma_start3A_86] : memref<10000x128xf32, #tpu.memory_space<vmem_shared>> -> memref<80x128xf32, #tpu.memory_space<vmem_shared>>
        %dma_start3A_88 = arith.constant 0 : i32
        %dma_start3A_89 = tpu.memref_slice %arg10[%add3A_84, %dma_start3A_88] : memref<10000x128xf32, #tpu.memory_space<vmem_shared>> -> memref<80x128xf32, #tpu.memory_space<vmem_shared>>
        tpu.enqueue_dma source(%arg9 : memref<80x128xf32, #tpu.memory_space<vmem>>) target(%dma_start3A_89 : memref<80x128xf32, #tpu.memory_space<vmem_shared>>) target_semaphore(%run_scoped3A : memref<!tpu.dma_semaphore, #tpu.memory_space<semaphore_mem>>)
        %dma_wait3A_90 = arith.constant 0 : i32
        %dma_wait3A_91 = tpu.memref_slice %arg10[%add3A_84, %dma_wait3A_90] : memref<10000x128xf32, #tpu.memory_space<vmem_shared>> -> memref<80x128xf32, #tpu.memory_space<vmem_shared>>
        %dma_wait3A_92 = arith.constant 0 : i32
        %dma_wait3A_93 = tpu.memref_slice %arg10[%add3A_84, %dma_wait3A_92] : memref<10000x128xf32, #tpu.memory_space<vmem_shared>> -> memref<80x128xf32, #tpu.memory_space<vmem_shared>>
        tpu.wait_dma2 semaphore(%run_scoped3A : memref<!tpu.dma_semaphore, #tpu.memory_space<semaphore_mem>>) src(%arg9 : memref<80x128xf32, #tpu.memory_space<vmem>>) dst(%dma_wait3A_93 : memref<80x128xf32, #tpu.memory_space<vmem_shared>>)
        tpu.yield
      }) : () -> ()
      %while3A_85 = arith.constant 0 : i32
      scf.yield %while3A_85 : i32
    }
    %while3A_40 = arith.constant 1 : i32
    %while3A_41 = scf.for %while3A_80 = %while3A_37 to %while3A_33 step %while3A_40 iter_args(%while3A_81 = %while3A_39) -> (i32)  : i32 {
      %mul3A_82 = arith.constant 80 : i32
      %mul3A_83 = arith.muli %while3A_80, %mul3A_82 : i32
      %add3A_84 = arith.addi %mul3A_2, %mul3A_83 : i32
      "tpu.region"() ({
        %run_scoped3A = tpu.sem_alloc : memref<!tpu.dma_semaphore, #tpu.memory_space<semaphore_mem>>
        %dma_start3A_86 = arith.constant 0 : i32
        %dma_start3A_87 = tpu.memref_slice %arg10[%add3A_84, %dma_start3A_86] : memref<10000x128xf32, #tpu.memory_space<vmem_shared>> -> memref<80x128xf32, #tpu.memory_space<vmem_shared>>
        %dma_start3A_88 = arith.constant 0 : i32
        %dma_start3A_89 = tpu.memref_slice %arg10[%add3A_84, %dma_start3A_88] : memref<10000x128xf32, #tpu.memory_space<vmem_shared>> -> memref<80x128xf32, #tpu.memory_space<vmem_shared>>
        tpu.enqueue_dma source(%arg9 : memref<80x128xf32, #tpu.memory_space<vmem>>) target(%dma_start3A_89 : memref<80x128xf32, #tpu.memory_space<vmem_shared>>) target_semaphore(%run_scoped3A : memref<!tpu.dma_semaphore, #tpu.memory_space<semaphore_mem>>)
        %dma_wait3A_90 = arith.constant 0 : i32
        %dma_wait3A_91 = tpu.memref_slice %arg10[%add3A_84, %dma_wait3A_90] : memref<10000x128xf32, #tpu.memory_space<vmem_shared>> -> memref<80x128xf32, #tpu.memory_space<vmem_shared>>
        %dma_wait3A_92 = arith.constant 0 : i32
        %dma_wait3A_93 = tpu.memref_slice %arg10[%add3A_84, %dma_wait3A_92] : memref<10000x128xf32, #tpu.memory_space<vmem_shared>> -> memref<80x128xf32, #tpu.memory_space<vmem_shared>>
        tpu.wait_dma2 semaphore(%run_scoped3A : memref<!tpu.dma_semaphore, #tpu.memory_space<semaphore_mem>>) src(%arg9 : memref<80x128xf32, #tpu.memory_space<vmem>>) dst(%dma_wait3A_93 : memref<80x128xf32, #tpu.memory_space<vmem_shared>>)
        tpu.yield
      }) : () -> ()
      %while3A_85 = arith.constant 0 : i32
      scf.yield %while3A_85 : i32
    }
    %barrier3A = arith.constant 0 : index
    tpu.barrier barrier_id(%barrier3A)
    %mul3A_42 = arith.constant 10000 : i32
    %mul3A_43 = arith.muli %add3A, %mul3A_42 : i32
    %scan3A_44 = arith.constant 0 : i32
    %scan3A_45 = arith.constant 0 : i32
    %scan3A_46 = arith.constant 78 : i32
    %scan3A_47 = arith.addi %scan3A_45, %scan3A_46 : i32
    %scan3A_48 = arith.constant 1 : i32
    %scan3A_49 = scf.for %scan3A_80 = %scan3A_45 to %scan3A_47 step %scan3A_48 iter_args(%scan3A_81 = %scan3A_44) -> (i32)  : i32 {
      %mul3A_82 = arith.constant 128 : i32
      %mul3A_83 = arith.muli %scan3A_80, %mul3A_82 : i32
      %add3A_84 = arith.addi %mul3A_43, %mul3A_83 : i32
      "tpu.region"() ({
        %run_scoped3A = tpu.sem_alloc : memref<!tpu.dma_semaphore, #tpu.memory_space<semaphore_mem>>
        %dma_start3A_92 = tpu.memref_slice %arg3[%add3A_84] : memref<320000xi32, #tpu.memory_space<hbm>> -> memref<128xi32, #tpu.memory_space<hbm>>
        %dma_start3A_93 = tpu.memref_slice %arg3[%add3A_84] : memref<320000xi32, #tpu.memory_space<hbm>> -> memref<128xi32, #tpu.memory_space<hbm>>
        tpu.enqueue_dma source(%dma_start3A_93 : memref<128xi32, #tpu.memory_space<hbm>>) target(%arg6 : memref<128xi32, #tpu.memory_space<vmem>>) target_semaphore(%run_scoped3A : memref<!tpu.dma_semaphore, #tpu.memory_space<semaphore_mem>>)
        %dma_wait3A_94 = tpu.memref_slice %arg3[%add3A_84] : memref<320000xi32, #tpu.memory_space<hbm>> -> memref<128xi32, #tpu.memory_space<hbm>>
        %dma_wait3A_95 = tpu.memref_slice %arg3[%add3A_84] : memref<320000xi32, #tpu.memory_space<hbm>> -> memref<128xi32, #tpu.memory_space<hbm>>
        tpu.wait_dma2 semaphore(%run_scoped3A : memref<!tpu.dma_semaphore, #tpu.memory_space<semaphore_mem>>) src(%dma_wait3A_95 : memref<128xi32, #tpu.memory_space<hbm>>) dst(%arg6 : memref<128xi32, #tpu.memory_space<vmem>>)
        tpu.yield
      }) : () -> ()
      "tpu.region"() ({
        %run_scoped3A = tpu.sem_alloc : memref<!tpu.dma_semaphore, #tpu.memory_space<semaphore_mem>>
        %dma_start3A_92 = tpu.memref_slice %arg4[%add3A_84] : memref<320000xi32, #tpu.memory_space<hbm>> -> memref<128xi32, #tpu.memory_space<hbm>>
        %dma_start3A_93 = tpu.memref_slice %arg4[%add3A_84] : memref<320000xi32, #tpu.memory_space<hbm>> -> memref<128xi32, #tpu.memory_space<hbm>>
        tpu.enqueue_dma source(%dma_start3A_93 : memref<128xi32, #tpu.memory_space<hbm>>) target(%arg7 : memref<128xi32, #tpu.memory_space<vmem>>) target_semaphore(%run_scoped3A : memref<!tpu.dma_semaphore, #tpu.memory_space<semaphore_mem>>)
        %dma_wait3A_94 = tpu.memref_slice %arg4[%add3A_84] : memref<320000xi32, #tpu.memory_space<hbm>> -> memref<128xi32, #tpu.memory_space<hbm>>
        %dma_wait3A_95 = tpu.memref_slice %arg4[%add3A_84] : memref<320000xi32, #tpu.memory_space<hbm>> -> memref<128xi32, #tpu.memory_space<hbm>>
        tpu.wait_dma2 semaphore(%run_scoped3A : memref<!tpu.dma_semaphore, #tpu.memory_space<semaphore_mem>>) src(%dma_wait3A_95 : memref<128xi32, #tpu.memory_space<hbm>>) dst(%arg7 : memref<128xi32, #tpu.memory_space<vmem>>)
        tpu.yield
      }) : () -> ()
      %dma_start3A_85 = arith.constant 0 : i32
      %dma_start3A_86 = arith.constant 0 : i32
      %dma_start3A_87 = tpu.memref_slice %arg2[%dma_start3A_85, %dma_start3A_86] : memref<10000x128xf32, #tpu.memory_space<hbm>> -> memref<10000x128xf32, #tpu.memory_space<hbm>>
      tpu.enqueue_indirect_dma source(%dma_start3A_87 : memref<10000x128xf32, #tpu.memory_space<hbm>>) target(%arg8 : memref<128x128xf32, #tpu.memory_space<vmem>>) offsets(%arg6 : memref<128xi32, #tpu.memory_space<vmem>>) semaphore(%arg11 : memref<!tpu.dma_semaphore, #tpu.memory_space<semaphore_mem>>)
      %dma_wait3A_88 = arith.constant 0 : i32
      %dma_wait3A_89 = arith.constant 0 : i32
      %dma_wait3A_90 = tpu.memref_slice %arg2[%dma_wait3A_88, %dma_wait3A_89] : memref<10000x128xf32, #tpu.memory_space<hbm>> -> memref<10000x128xf32, #tpu.memory_space<hbm>>
      tpu.wait_indirect_dma semaphore(%arg11 : memref<!tpu.dma_semaphore, #tpu.memory_space<semaphore_mem>>) src(%dma_wait3A_90 : memref<10000x128xf32, #tpu.memory_space<hbm>>) dst(%arg8 : memref<128x128xf32, #tpu.memory_space<vmem>>)
      "tpu.region"() ({
        %run_scoped3A = tpu.sem_alloc : memref<!tpu.dma_semaphore, #tpu.memory_space<semaphore_mem>>
        %dma_start3A_92 = arith.constant 0 : i32
        %dma_start3A_93 = arith.constant 0 : i32
        %dma_start3A_94 = tpu.memref_slice %arg10[%dma_start3A_92, %dma_start3A_93] : memref<10000x128xf32, #tpu.memory_space<vmem_shared>> -> memref<10000x128xf32, #tpu.memory_space<vmem_shared>>
        tpu.enqueue_indirect_dma source(%arg8 : memref<128x128xf32, #tpu.memory_space<vmem>>) target(%dma_start3A_94 : memref<10000x128xf32, #tpu.memory_space<vmem_shared>>) offsets(%arg7 : memref<128xi32, #tpu.memory_space<vmem>>) semaphore(%run_scoped3A : memref<!tpu.dma_semaphore, #tpu.memory_space<semaphore_mem>>) {add = true}
        %dma_wait3A_95 = arith.constant 0 : i32
        %dma_wait3A_96 = arith.constant 0 : i32
        %dma_wait3A_97 = tpu.memref_slice %arg10[%dma_wait3A_95, %dma_wait3A_96] : memref<10000x128xf32, #tpu.memory_space<vmem_shared>> -> memref<10000x128xf32, #tpu.memory_space<vmem_shared>>
        tpu.wait_indirect_dma semaphore(%run_scoped3A : memref<!tpu.dma_semaphore, #tpu.memory_space<semaphore_mem>>) src(%arg8 : memref<128x128xf32, #tpu.memory_space<vmem>>) dst(%dma_wait3A_97 : memref<10000x128xf32, #tpu.memory_space<vmem_shared>>)
        tpu.yield
      }) : () -> ()
      %scan3A_91 = arith.constant 0 : i32
      scf.yield %scan3A_91 : i32
    }
    %scan3A_50 = arith.constant 78 : i32
    %add3A_51 = arith.constant 9984 : i32
    %add3A_52 = arith.addi %mul3A_43, %add3A_51 : i32
    "tpu.region"() ({
      %run_scoped3A = tpu.sem_alloc : memref<!tpu.dma_semaphore, #tpu.memory_space<semaphore_mem>>
      %dma_start3A_80 = arith.constant 0 : i32
      %dma_start3A_81 = tpu.memref_slice %arg6[%dma_start3A_80] : memref<128xi32, #tpu.memory_space<vmem>> -> memref<16xi32, #tpu.memory_space<vmem>>
      %dma_start3A_82 = tpu.memref_slice %arg3[%add3A_52] : memref<320000xi32, #tpu.memory_space<hbm>> -> memref<16xi32, #tpu.memory_space<hbm>>
      %dma_start3A_83 = arith.constant 0 : i32
      %dma_start3A_84 = tpu.memref_slice %arg6[%dma_start3A_83] : memref<128xi32, #tpu.memory_space<vmem>> -> memref<16xi32, #tpu.memory_space<vmem>>
      %dma_start3A_85 = tpu.memref_slice %arg3[%add3A_52] : memref<320000xi32, #tpu.memory_space<hbm>> -> memref<16xi32, #tpu.memory_space<hbm>>
      tpu.enqueue_dma source(%dma_start3A_85 : memref<16xi32, #tpu.memory_space<hbm>>) target(%dma_start3A_84 : memref<16xi32, #tpu.memory_space<vmem>>) target_semaphore(%run_scoped3A : memref<!tpu.dma_semaphore, #tpu.memory_space<semaphore_mem>>)
      %dma_wait3A_86 = arith.constant 0 : i32
      %dma_wait3A_87 = tpu.memref_slice %arg6[%dma_wait3A_86] : memref<128xi32, #tpu.memory_space<vmem>> -> memref<16xi32, #tpu.memory_space<vmem>>
      %dma_wait3A_88 = tpu.memref_slice %arg3[%add3A_52] : memref<320000xi32, #tpu.memory_space<hbm>> -> memref<16xi32, #tpu.memory_space<hbm>>
      %dma_wait3A_89 = arith.constant 0 : i32
      %dma_wait3A_90 = tpu.memref_slice %arg6[%dma_wait3A_89] : memref<128xi32, #tpu.memory_space<vmem>> -> memref<16xi32, #tpu.memory_space<vmem>>
      %dma_wait3A_91 = tpu.memref_slice %arg3[%add3A_52] : memref<320000xi32, #tpu.memory_space<hbm>> -> memref<16xi32, #tpu.memory_space<hbm>>
      tpu.wait_dma2 semaphore(%run_scoped3A : memref<!tpu.dma_semaphore, #tpu.memory_space<semaphore_mem>>) src(%dma_wait3A_91 : memref<16xi32, #tpu.memory_space<hbm>>) dst(%dma_wait3A_90 : memref<16xi32, #tpu.memory_space<vmem>>)
      tpu.yield
    }) : () -> ()
    "tpu.region"() ({
      %run_scoped3A = tpu.sem_alloc : memref<!tpu.dma_semaphore, #tpu.memory_space<semaphore_mem>>
      %dma_start3A_80 = arith.constant 0 : i32
      %dma_start3A_81 = tpu.memref_slice %arg7[%dma_start3A_80] : memref<128xi32, #tpu.memory_space<vmem>> -> memref<16xi32, #tpu.memory_space<vmem>>
      %dma_start3A_82 = tpu.memref_slice %arg4[%add3A_52] : memref<320000xi32, #tpu.memory_space<hbm>> -> memref<16xi32, #tpu.memory_space<hbm>>
      %dma_start3A_83 = arith.constant 0 : i32
      %dma_start3A_84 = tpu.memref_slice %arg7[%dma_start3A_83] : memref<128xi32, #tpu.memory_space<vmem>> -> memref<16xi32, #tpu.memory_space<vmem>>
      %dma_start3A_85 = tpu.memref_slice %arg4[%add3A_52] : memref<320000xi32, #tpu.memory_space<hbm>> -> memref<16xi32, #tpu.memory_space<hbm>>
      tpu.enqueue_dma source(%dma_start3A_85 : memref<16xi32, #tpu.memory_space<hbm>>) target(%dma_start3A_84 : memref<16xi32, #tpu.memory_space<vmem>>) target_semaphore(%run_scoped3A : memref<!tpu.dma_semaphore, #tpu.memory_space<semaphore_mem>>)
      %dma_wait3A_86 = arith.constant 0 : i32
      %dma_wait3A_87 = tpu.memref_slice %arg7[%dma_wait3A_86] : memref<128xi32, #tpu.memory_space<vmem>> -> memref<16xi32, #tpu.memory_space<vmem>>
      %dma_wait3A_88 = tpu.memref_slice %arg4[%add3A_52] : memref<320000xi32, #tpu.memory_space<hbm>> -> memref<16xi32, #tpu.memory_space<hbm>>
      %dma_wait3A_89 = arith.constant 0 : i32
      %dma_wait3A_90 = tpu.memref_slice %arg7[%dma_wait3A_89] : memref<128xi32, #tpu.memory_space<vmem>> -> memref<16xi32, #tpu.memory_space<vmem>>
      %dma_wait3A_91 = tpu.memref_slice %arg4[%add3A_52] : memref<320000xi32, #tpu.memory_space<hbm>> -> memref<16xi32, #tpu.memory_space<hbm>>
      tpu.wait_dma2 semaphore(%run_scoped3A : memref<!tpu.dma_semaphore, #tpu.memory_space<semaphore_mem>>) src(%dma_wait3A_91 : memref<16xi32, #tpu.memory_space<hbm>>) dst(%dma_wait3A_90 : memref<16xi32, #tpu.memory_space<vmem>>)
      tpu.yield
    }) : () -> ()
    %dma_start3A = arith.constant 0 : i32
    %dma_start3A_53 = arith.constant 0 : i32
    %dma_start3A_54 = tpu.memref_slice %arg8[%dma_start3A, %dma_start3A_53] : memref<128x128xf32, #tpu.memory_space<vmem>> -> memref<16x128xf32, #tpu.memory_space<vmem>>
    %dma_start3A_55 = arith.constant 0 : i32
    %dma_start3A_56 = tpu.memref_slice %arg6[%dma_start3A_55] : memref<128xi32, #tpu.memory_space<vmem>> -> memref<16xi32, #tpu.memory_space<vmem>>
    %dma_start3A_57 = arith.constant 0 : i32
    %dma_start3A_58 = arith.constant 0 : i32
    %dma_start3A_59 = tpu.memref_slice %arg2[%dma_start3A_57, %dma_start3A_58] : memref<10000x128xf32, #tpu.memory_space<hbm>> -> memref<10000x128xf32, #tpu.memory_space<hbm>>
    tpu.enqueue_indirect_dma source(%dma_start3A_59 : memref<10000x128xf32, #tpu.memory_space<hbm>>) target(%dma_start3A_54 : memref<16x128xf32, #tpu.memory_space<vmem>>) offsets(%dma_start3A_56 : memref<16xi32, #tpu.memory_space<vmem>>) semaphore(%arg11 : memref<!tpu.dma_semaphore, #tpu.memory_space<semaphore_mem>>)
    %dma_wait3A = arith.constant 0 : i32
    %dma_wait3A_60 = arith.constant 0 : i32
    %dma_wait3A_61 = tpu.memref_slice %arg8[%dma_wait3A, %dma_wait3A_60] : memref<128x128xf32, #tpu.memory_space<vmem>> -> memref<16x128xf32, #tpu.memory_space<vmem>>
    %dma_wait3A_62 = arith.constant 0 : i32
    %dma_wait3A_63 = tpu.memref_slice %arg6[%dma_wait3A_62] : memref<128xi32, #tpu.memory_space<vmem>> -> memref<16xi32, #tpu.memory_space<vmem>>
    %dma_wait3A_64 = arith.constant 0 : i32
    %dma_wait3A_65 = arith.constant 0 : i32
    %dma_wait3A_66 = tpu.memref_slice %arg2[%dma_wait3A_64, %dma_wait3A_65] : memref<10000x128xf32, #tpu.memory_space<hbm>> -> memref<10000x128xf32, #tpu.memory_space<hbm>>
    tpu.wait_indirect_dma semaphore(%arg11 : memref<!tpu.dma_semaphore, #tpu.memory_space<semaphore_mem>>) src(%dma_wait3A_66 : memref<10000x128xf32, #tpu.memory_space<hbm>>) dst(%dma_wait3A_61 : memref<16x128xf32, #tpu.memory_space<vmem>>)
    "tpu.region"() ({
      %run_scoped3A = tpu.sem_alloc : memref<!tpu.dma_semaphore, #tpu.memory_space<semaphore_mem>>
      %dma_start3A_80 = arith.constant 0 : i32
      %dma_start3A_81 = arith.constant 0 : i32
      %dma_start3A_82 = tpu.memref_slice %arg8[%dma_start3A_80, %dma_start3A_81] : memref<128x128xf32, #tpu.memory_space<vmem>> -> memref<16x128xf32, #tpu.memory_space<vmem>>
      %dma_start3A_83 = arith.constant 0 : i32
      %dma_start3A_84 = tpu.memref_slice %arg7[%dma_start3A_83] : memref<128xi32, #tpu.memory_space<vmem>> -> memref<16xi32, #tpu.memory_space<vmem>>
      %dma_start3A_85 = arith.constant 0 : i32
      %dma_start3A_86 = arith.constant 0 : i32
      %dma_start3A_87 = tpu.memref_slice %arg10[%dma_start3A_85, %dma_start3A_86] : memref<10000x128xf32, #tpu.memory_space<vmem_shared>> -> memref<10000x128xf32, #tpu.memory_space<vmem_shared>>
      tpu.enqueue_indirect_dma source(%dma_start3A_82 : memref<16x128xf32, #tpu.memory_space<vmem>>) target(%dma_start3A_87 : memref<10000x128xf32, #tpu.memory_space<vmem_shared>>) offsets(%dma_start3A_84 : memref<16xi32, #tpu.memory_space<vmem>>) semaphore(%run_scoped3A : memref<!tpu.dma_semaphore, #tpu.memory_space<semaphore_mem>>) {add = true}
      %dma_wait3A_88 = arith.constant 0 : i32
      %dma_wait3A_89 = arith.constant 0 : i32
      %dma_wait3A_90 = tpu.memref_slice %arg8[%dma_wait3A_88, %dma_wait3A_89] : memref<128x128xf32, #tpu.memory_space<vmem>> -> memref<16x128xf32, #tpu.memory_space<vmem>>
      %dma_wait3A_91 = arith.constant 0 : i32
      %dma_wait3A_92 = tpu.memref_slice %arg7[%dma_wait3A_91] : memref<128xi32, #tpu.memory_space<vmem>> -> memref<16xi32, #tpu.memory_space<vmem>>
      %dma_wait3A_93 = arith.constant 0 : i32
      %dma_wait3A_94 = arith.constant 0 : i32
      %dma_wait3A_95 = tpu.memref_slice %arg10[%dma_wait3A_93, %dma_wait3A_94] : memref<10000x128xf32, #tpu.memory_space<vmem_shared>> -> memref<10000x128xf32, #tpu.memory_space<vmem_shared>>
      tpu.wait_indirect_dma semaphore(%run_scoped3A : memref<!tpu.dma_semaphore, #tpu.memory_space<semaphore_mem>>) src(%dma_wait3A_90 : memref<16x128xf32, #tpu.memory_space<vmem>>) dst(%dma_wait3A_95 : memref<10000x128xf32, #tpu.memory_space<vmem_shared>>)
      tpu.yield
    }) : () -> ()
    %barrier3A_67 = arith.constant 0 : index
    tpu.barrier barrier_id(%barrier3A_67)
    %while3A_68 = arith.constant 0 : i32
    %while3A_69 = arith.constant 0 : i32
    %while3A_70 = arith.subi %select_n3A, %while3A_68 : i32
    %while3A_71 = arith.addi %while3A_68, %while3A_70 : i32
    %while3A_72 = arith.constant 1 : i32
    %while3A_73 = arith.divsi %while3A_70, %while3A_72 : i32
    %while3A_74 = arith.muli %while3A_73, %while3A_72 : i32
    %while3A_75 = arith.addi %while3A_68, %while3A_74 : i32
    %while3A_76 = arith.constant 1 : i32
    %while3A_77 = scf.for %while3A_80 = %while3A_68 to %while3A_75 step %while3A_76 iter_args(%while3A_81 = %while3A_69) -> (i32)  : i32 {
      %mul3A_82 = arith.constant 80 : i32
      %mul3A_83 = arith.muli %while3A_80, %mul3A_82 : i32
      %add3A_84 = arith.addi %mul3A_2, %mul3A_83 : i32
      "tpu.region"() ({
        %run_scoped3A = tpu.sem_alloc : memref<!tpu.dma_semaphore, #tpu.memory_space<semaphore_mem>>
        %dma_start3A_86 = arith.constant 0 : i32
        %dma_start3A_87 = tpu.memref_slice %arg10[%add3A_84, %dma_start3A_86] : memref<10000x128xf32, #tpu.memory_space<vmem_shared>> -> memref<80x128xf32, #tpu.memory_space<vmem_shared>>
        %dma_start3A_88 = arith.constant 0 : i32
        %dma_start3A_89 = tpu.memref_slice %arg10[%add3A_84, %dma_start3A_88] : memref<10000x128xf32, #tpu.memory_space<vmem_shared>> -> memref<80x128xf32, #tpu.memory_space<vmem_shared>>
        tpu.enqueue_dma source(%dma_start3A_89 : memref<80x128xf32, #tpu.memory_space<vmem_shared>>) target(%arg9 : memref<80x128xf32, #tpu.memory_space<vmem>>) target_semaphore(%run_scoped3A : memref<!tpu.dma_semaphore, #tpu.memory_space<semaphore_mem>>)
        %dma_wait3A_90 = arith.constant 0 : i32
        %dma_wait3A_91 = tpu.memref_slice %arg10[%add3A_84, %dma_wait3A_90] : memref<10000x128xf32, #tpu.memory_space<vmem_shared>> -> memref<80x128xf32, #tpu.memory_space<vmem_shared>>
        %dma_wait3A_92 = arith.constant 0 : i32
        %dma_wait3A_93 = tpu.memref_slice %arg10[%add3A_84, %dma_wait3A_92] : memref<10000x128xf32, #tpu.memory_space<vmem_shared>> -> memref<80x128xf32, #tpu.memory_space<vmem_shared>>
        tpu.wait_dma2 semaphore(%run_scoped3A : memref<!tpu.dma_semaphore, #tpu.memory_space<semaphore_mem>>) src(%dma_wait3A_93 : memref<80x128xf32, #tpu.memory_space<vmem_shared>>) dst(%arg9 : memref<80x128xf32, #tpu.memory_space<vmem>>)
        tpu.yield
      }) : () -> ()
      "tpu.region"() ({
        %run_scoped3A = tpu.sem_alloc : memref<!tpu.dma_semaphore, #tpu.memory_space<semaphore_mem>>
        %dma_start3A_86 = arith.constant 0 : i32
        %dma_start3A_87 = tpu.memref_slice %arg5[%arg0, %add3A_84, %dma_start3A_86] : memref<2x10000x128xf32, #tpu.memory_space<hbm>> -> memref<1x80x128xf32, #tpu.memory_space<hbm>>
        %dma_start3A_88 = tpu.memref_squeeze %dma_start3A_87 : memref<1x80x128xf32, #tpu.memory_space<hbm>> -> memref<80x128xf32, #tpu.memory_space<hbm>>
        %dma_start3A_89 = arith.constant 0 : i32
        %dma_start3A_90 = tpu.memref_slice %arg5[%arg0, %add3A_84, %dma_start3A_89] : memref<2x10000x128xf32, #tpu.memory_space<hbm>> -> memref<1x80x128xf32, #tpu.memory_space<hbm>>
        %dma_start3A_91 = tpu.memref_squeeze %dma_start3A_90 : memref<1x80x128xf32, #tpu.memory_space<hbm>> -> memref<80x128xf32, #tpu.memory_space<hbm>>
        tpu.enqueue_dma source(%arg9 : memref<80x128xf32, #tpu.memory_space<vmem>>) target(%dma_start3A_91 : memref<80x128xf32, #tpu.memory_space<hbm>>) target_semaphore(%run_scoped3A : memref<!tpu.dma_semaphore, #tpu.memory_space<semaphore_mem>>)
        %dma_wait3A_92 = arith.constant 0 : i32
        %dma_wait3A_93 = tpu.memref_slice %arg5[%arg0, %add3A_84, %dma_wait3A_92] : memref<2x10000x128xf32, #tpu.memory_space<hbm>> -> memref<1x80x128xf32, #tpu.memory_space<hbm>>
        %dma_wait3A_94 = tpu.memref_squeeze %dma_wait3A_93 : memref<1x80x128xf32, #tpu.memory_space<hbm>> -> memref<80x128xf32, #tpu.memory_space<hbm>>
        %dma_wait3A_95 = arith.constant 0 : i32
        %dma_wait3A_96 = tpu.memref_slice %arg5[%arg0, %add3A_84, %dma_wait3A_95] : memref<2x10000x128xf32, #tpu.memory_space<hbm>> -> memref<1x80x128xf32, #tpu.memory_space<hbm>>
        %dma_wait3A_97 = tpu.memref_squeeze %dma_wait3A_96 : memref<1x80x128xf32, #tpu.memory_space<hbm>> -> memref<80x128xf32, #tpu.memory_space<hbm>>
        tpu.wait_dma2 semaphore(%run_scoped3A : memref<!tpu.dma_semaphore, #tpu.memory_space<semaphore_mem>>) src(%arg9 : memref<80x128xf32, #tpu.memory_space<vmem>>) dst(%dma_wait3A_97 : memref<80x128xf32, #tpu.memory_space<hbm>>)
        tpu.yield
      }) : () -> ()
      %while3A_85 = arith.constant 0 : i32
      scf.yield %while3A_85 : i32
    }
    %while3A_78 = arith.constant 1 : i32
    %while3A_79 = scf.for %while3A_80 = %while3A_75 to %while3A_71 step %while3A_78 iter_args(%while3A_81 = %while3A_77) -> (i32)  : i32 {
      %mul3A_82 = arith.constant 80 : i32
      %mul3A_83 = arith.muli %while3A_80, %mul3A_82 : i32
      %add3A_84 = arith.addi %mul3A_2, %mul3A_83 : i32
      "tpu.region"() ({
        %run_scoped3A = tpu.sem_alloc : memref<!tpu.dma_semaphore, #tpu.memory_space<semaphore_mem>>
        %dma_start3A_86 = arith.constant 0 : i32
        %dma_start3A_87 = tpu.memref_slice %arg10[%add3A_84, %dma_start3A_86] : memref<10000x128xf32, #tpu.memory_space<vmem_shared>> -> memref<80x128xf32, #tpu.memory_space<vmem_shared>>
        %dma_start3A_88 = arith.constant 0 : i32
        %dma_start3A_89 = tpu.memref_slice %arg10[%add3A_84, %dma_start3A_88] : memref<10000x128xf32, #tpu.memory_space<vmem_shared>> -> memref<80x128xf32, #tpu.memory_space<vmem_shared>>
        tpu.enqueue_dma source(%dma_start3A_89 : memref<80x128xf32, #tpu.memory_space<vmem_shared>>) target(%arg9 : memref<80x128xf32, #tpu.memory_space<vmem>>) target_semaphore(%run_scoped3A : memref<!tpu.dma_semaphore, #tpu.memory_space<semaphore_mem>>)
        %dma_wait3A_90 = arith.constant 0 : i32
        %dma_wait3A_91 = tpu.memref_slice %arg10[%add3A_84, %dma_wait3A_90] : memref<10000x128xf32, #tpu.memory_space<vmem_shared>> -> memref<80x128xf32, #tpu.memory_space<vmem_shared>>
        %dma_wait3A_92 = arith.constant 0 : i32
        %dma_wait3A_93 = tpu.memref_slice %arg10[%add3A_84, %dma_wait3A_92] : memref<10000x128xf32, #tpu.memory_space<vmem_shared>> -> memref<80x128xf32, #tpu.memory_space<vmem_shared>>
        tpu.wait_dma2 semaphore(%run_scoped3A : memref<!tpu.dma_semaphore, #tpu.memory_space<semaphore_mem>>) src(%dma_wait3A_93 : memref<80x128xf32, #tpu.memory_space<vmem_shared>>) dst(%arg9 : memref<80x128xf32, #tpu.memory_space<vmem>>)
        tpu.yield
      }) : () -> ()
      "tpu.region"() ({
        %run_scoped3A = tpu.sem_alloc : memref<!tpu.dma_semaphore, #tpu.memory_space<semaphore_mem>>
        %dma_start3A_86 = arith.constant 0 : i32
        %dma_start3A_87 = tpu.memref_slice %arg5[%arg0, %add3A_84, %dma_start3A_86] : memref<2x10000x128xf32, #tpu.memory_space<hbm>> -> memref<1x80x128xf32, #tpu.memory_space<hbm>>
        %dma_start3A_88 = tpu.memref_squeeze %dma_start3A_87 : memref<1x80x128xf32, #tpu.memory_space<hbm>> -> memref<80x128xf32, #tpu.memory_space<hbm>>
        %dma_start3A_89 = arith.constant 0 : i32
        %dma_start3A_90 = tpu.memref_slice %arg5[%arg0, %add3A_84, %dma_start3A_89] : memref<2x10000x128xf32, #tpu.memory_space<hbm>> -> memref<1x80x128xf32, #tpu.memory_space<hbm>>
        %dma_start3A_91 = tpu.memref_squeeze %dma_start3A_90 : memref<1x80x128xf32, #tpu.memory_space<hbm>> -> memref<80x128xf32, #tpu.memory_space<hbm>>
        tpu.enqueue_dma source(%arg9 : memref<80x128xf32, #tpu.memory_space<vmem>>) target(%dma_start3A_91 : memref<80x128xf32, #tpu.memory_space<hbm>>) target_semaphore(%run_scoped3A : memref<!tpu.dma_semaphore, #tpu.memory_space<semaphore_mem>>)
        %dma_wait3A_92 = arith.constant 0 : i32
        %dma_wait3A_93 = tpu.memref_slice %arg5[%arg0, %add3A_84, %dma_wait3A_92] : memref<2x10000x128xf32, #tpu.memory_space<hbm>> -> memref<1x80x128xf32, #tpu.memory_space<hbm>>
        %dma_wait3A_94 = tpu.memref_squeeze %dma_wait3A_93 : memref<1x80x128xf32, #tpu.memory_space<hbm>> -> memref<80x128xf32, #tpu.memory_space<hbm>>
        %dma_wait3A_95 = arith.constant 0 : i32
        %dma_wait3A_96 = tpu.memref_slice %arg5[%arg0, %add3A_84, %dma_wait3A_95] : memref<2x10000x128xf32, #tpu.memory_space<hbm>> -> memref<1x80x128xf32, #tpu.memory_space<hbm>>
        %dma_wait3A_97 = tpu.memref_squeeze %dma_wait3A_96 : memref<1x80x128xf32, #tpu.memory_space<hbm>> -> memref<80x128xf32, #tpu.memory_space<hbm>>
        tpu.wait_dma2 semaphore(%run_scoped3A : memref<!tpu.dma_semaphore, #tpu.memory_space<semaphore_mem>>) src(%arg9 : memref<80x128xf32, #tpu.memory_space<vmem>>) dst(%dma_wait3A_97 : memref<80x128xf32, #tpu.memory_space<hbm>>)
        tpu.yield
      }) : () -> ()
      %while3A_85 = arith.constant 0 : i32
      scf.yield %while3A_85 : i32
    }
    return
  }
}

#map = affine_map<(d0, d1) -> (0, 0)>
#map1 = affine_map<(d0, d1) -> (0)>
#map2 = affine_map<(d0, d1) -> (0, 0, 0)>
module attributes {stable_mosaic.version = 14 : i64} {
  func.func @prop(%arg0: i32, %arg1: i32, %arg2: memref<10000x16xf32, #tpu.memory_space<hbm>>, %arg3: memref<320000xi32, #tpu.memory_space<hbm>>, %arg4: memref<320000xi32, #tpu.memory_space<hbm>>, %arg5: memref<2x10000x16xf32, #tpu.memory_space<hbm>>, %arg6: memref<128xi32, #tpu.memory_space<vmem>>, %arg7: memref<128xi32, #tpu.memory_space<vmem>>, %arg8: memref<128x16xf32, #tpu.memory_space<vmem>>, %arg9: memref<80x16xf32, #tpu.memory_space<vmem>>, %arg10: memref<10000x16xf32, #tpu.memory_space<vmem_shared>>, %arg11: memref<!tpu.dma_semaphore, #tpu.memory_space<semaphore_mem>>) attributes {dimension_semantics = [#tpu.dimension_semantics<core_parallel>, #tpu.dimension_semantics<subcore_parallel>], iteration_bounds = array<i64: 2, 16>, scalar_prefetch = 0 : i64, scratch_operands = 6 : i64, tpu.core_type = #tpu.core_type<sc_vector_subcore>, window_params = [{transform_indices = #map}, {transform_indices = #map1}, {transform_indices = #map1}, {transform_indices = #map2}]} {
    %mul3A = arith.constant 16 : i32
    %mul3A_0 = arith.muli %arg0, %mul3A : i32
    %add3A = arith.addi %mul3A_0, %arg1 : i32
    %mul3A_1 = arith.constant 640 : i32
    %mul3A_2 = arith.muli %arg1, %mul3A_1 : i32
    %add3A_3 = arith.constant 640 : i32
    %add3A_4 = arith.addi %mul3A_2, %add3A_3 : i32
    %min3A = arith.constant 10000 : i32
    %min3A_5 = arith.minsi %add3A_4, %min3A : i32
    %min3A_6 = arith.constant 10000 : i32
    %min3A_7 = arith.minsi %mul3A_2, %min3A_6 : i32
    %sub3A = arith.subi %min3A_5, %min3A_7 : i32
    %jit3A = arith.constant 80 : i32
    %div3A = arith.divsi %sub3A, %jit3A : i32
    %sign3A = arith.constant 0 : i32
    %sign3A_8 = arith.cmpi sgt, %sub3A, %sign3A : i32
    %sign3A_9 = arith.extui %sign3A_8 : i1 to i32
    %sign3A_10 = arith.constant 0 : i32
    %sign3A_11 = arith.cmpi slt, %sub3A, %sign3A_10 : i32
    %sign3A_12 = arith.extui %sign3A_11 : i1 to i32
    %sign3A_13 = arith.subi %sign3A_9, %sign3A_12 : i32
    %sign3A_14 = arith.constant 0 : i32
    %sign3A_15 = arith.cmpi sgt, %jit3A, %sign3A_14 : i32
    %sign3A_16 = arith.extui %sign3A_15 : i1 to i32
    %sign3A_17 = arith.constant 0 : i32
    %sign3A_18 = arith.cmpi slt, %jit3A, %sign3A_17 : i32
    %sign3A_19 = arith.extui %sign3A_18 : i1 to i32
    %sign3A_20 = arith.subi %sign3A_16, %sign3A_19 : i32
    %ne3A = arith.cmpi ne, %sign3A_13, %sign3A_20 : i32
    %rem3A = arith.remsi %sub3A, %jit3A : i32
    %ne3A_21 = arith.constant 0 : i32
    %ne3A_22 = arith.cmpi ne, %rem3A, %ne3A_21 : i32
    %and3A = arith.andi %ne3A, %ne3A_22 : i1
    %sub3A_23 = arith.constant 1 : i32
    %sub3A_24 = arith.subi %div3A, %sub3A_23 : i32
    %select_n3A = arith.select %and3A, %sub3A_24, %div3A : i32
    %scan3A = arith.constant 0 : i32
    %scan3A_25 = arith.constant 0 : i32
    %scan3A_26 = arith.constant 80 : i32
    %scan3A_27 = arith.addi %scan3A_25, %scan3A_26 : i32
    %scan3A_28 = arith.constant 1 : i32
    %scan3A_29 = scf.for %scan3A_80 = %scan3A_25 to %scan3A_27 step %scan3A_28 iter_args(%scan3A_81 = %scan3A) -> (i32)  : i32 {
      %broadcast_in_dim3A = arith.constant 0.000000e+00 : f32
      %broadcast_in_dim3A_82 = vector.broadcast %broadcast_in_dim3A : f32 to vector<16xf32>
      %swap3A = arith.index_cast %scan3A_80 : i32 to index
      %swap3A_83 = arith.constant 0 : index
      %swap3A_84 = tpu.vector_load %arg9[%swap3A, %swap3A_83] {strides = array<i32>} : memref<80x16xf32, #tpu.memory_space<vmem>>, vector<1x16xf32>,
      %swap3A_85 = vector.shape_cast %swap3A_84 : vector<1x16xf32> to vector<16xf32>
      %swap3A_86 = vector.shape_cast %broadcast_in_dim3A_82 : vector<16xf32> to vector<1x16xf32>
      tpu.vector_store %arg9[%swap3A, %swap3A_83], %swap3A_86 {strides = array<i32>} : memref<80x16xf32, #tpu.memory_space<vmem>>, vector<1x16xf32>,
      %scan3A_87 = arith.constant 0 : i32
      scf.yield %scan3A_87 : i32
    }
    %scan3A_30 = arith.constant 80 : i32
    %while3A = arith.constant 0 : i32
    %while3A_31 = arith.constant 0 : i32
    %while3A_32 = arith.subi %select_n3A, %while3A : i32
    %while3A_33 = arith.addi %while3A, %while3A_32 : i32
    %while3A_34 = arith.constant 1 : i32
    %while3A_35 = arith.divsi %while3A_32, %while3A_34 : i32
    %while3A_36 = arith.muli %while3A_35, %while3A_34 : i32
    %while3A_37 = arith.addi %while3A, %while3A_36 : i32
    %while3A_38 = arith.constant 1 : i32
    %while3A_39 = scf.for %while3A_80 = %while3A to %while3A_37 step %while3A_38 iter_args(%while3A_81 = %while3A_31) -> (i32)  : i32 {
      %mul3A_82 = arith.constant 80 : i32
      %mul3A_83 = arith.muli %while3A_80, %mul3A_82 : i32
      %add3A_84 = arith.addi %mul3A_2, %mul3A_83 : i32
      "tpu.region"() ({
        %run_scoped3A = tpu.sem_alloc : memref<!tpu.dma_semaphore, #tpu.memory_space<semaphore_mem>>
        %dma_start3A_86 = arith.constant 0 : i32
        %dma_start3A_87 = tpu.memref_slice %arg10[%add3A_84, %dma_start3A_86] : memref<10000x16xf32, #tpu.memory_space<vmem_shared>> -> memref<80x16xf32, #tpu.memory_space<vmem_shared>>
        %dma_start3A_88 = arith.constant 0 : i32
        %dma_start3A_89 = tpu.memref_slice %arg10[%add3A_84, %dma_start3A_88] : memref<10000x16xf32, #tpu.memory_space<vmem_shared>> -> memref<80x16xf32, #tpu.memory_space<vmem_shared>>
        tpu.enqueue_dma source(%arg9 : memref<80x16xf32, #tpu.memory_space<vmem>>) target(%dma_start3A_89 : memref<80x16xf32, #tpu.memory_space<vmem_shared>>) target_semaphore(%run_scoped3A : memref<!tpu.dma_semaphore, #tpu.memory_space<semaphore_mem>>)
        %dma_wait3A_90 = arith.constant 0 : i32
        %dma_wait3A_91 = tpu.memref_slice %arg10[%add3A_84, %dma_wait3A_90] : memref<10000x16xf32, #tpu.memory_space<vmem_shared>> -> memref<80x16xf32, #tpu.memory_space<vmem_shared>>
        %dma_wait3A_92 = arith.constant 0 : i32
        %dma_wait3A_93 = tpu.memref_slice %arg10[%add3A_84, %dma_wait3A_92] : memref<10000x16xf32, #tpu.memory_space<vmem_shared>> -> memref<80x16xf32, #tpu.memory_space<vmem_shared>>
        tpu.wait_dma2 semaphore(%run_scoped3A : memref<!tpu.dma_semaphore, #tpu.memory_space<semaphore_mem>>) src(%arg9 : memref<80x16xf32, #tpu.memory_space<vmem>>) dst(%dma_wait3A_93 : memref<80x16xf32, #tpu.memory_space<vmem_shared>>)
        tpu.yield
      }) : () -> ()
      %while3A_85 = arith.constant 0 : i32
      scf.yield %while3A_85 : i32
    }
    %while3A_40 = arith.constant 1 : i32
    %while3A_41 = scf.for %while3A_80 = %while3A_37 to %while3A_33 step %while3A_40 iter_args(%while3A_81 = %while3A_39) -> (i32)  : i32 {
      %mul3A_82 = arith.constant 80 : i32
      %mul3A_83 = arith.muli %while3A_80, %mul3A_82 : i32
      %add3A_84 = arith.addi %mul3A_2, %mul3A_83 : i32
      "tpu.region"() ({
        %run_scoped3A = tpu.sem_alloc : memref<!tpu.dma_semaphore, #tpu.memory_space<semaphore_mem>>
        %dma_start3A_86 = arith.constant 0 : i32
        %dma_start3A_87 = tpu.memref_slice %arg10[%add3A_84, %dma_start3A_86] : memref<10000x16xf32, #tpu.memory_space<vmem_shared>> -> memref<80x16xf32, #tpu.memory_space<vmem_shared>>
        %dma_start3A_88 = arith.constant 0 : i32
        %dma_start3A_89 = tpu.memref_slice %arg10[%add3A_84, %dma_start3A_88] : memref<10000x16xf32, #tpu.memory_space<vmem_shared>> -> memref<80x16xf32, #tpu.memory_space<vmem_shared>>
        tpu.enqueue_dma source(%arg9 : memref<80x16xf32, #tpu.memory_space<vmem>>) target(%dma_start3A_89 : memref<80x16xf32, #tpu.memory_space<vmem_shared>>) target_semaphore(%run_scoped3A : memref<!tpu.dma_semaphore, #tpu.memory_space<semaphore_mem>>)
        %dma_wait3A_90 = arith.constant 0 : i32
        %dma_wait3A_91 = tpu.memref_slice %arg10[%add3A_84, %dma_wait3A_90] : memref<10000x16xf32, #tpu.memory_space<vmem_shared>> -> memref<80x16xf32, #tpu.memory_space<vmem_shared>>
        %dma_wait3A_92 = arith.constant 0 : i32
        %dma_wait3A_93 = tpu.memref_slice %arg10[%add3A_84, %dma_wait3A_92] : memref<10000x16xf32, #tpu.memory_space<vmem_shared>> -> memref<80x16xf32, #tpu.memory_space<vmem_shared>>
        tpu.wait_dma2 semaphore(%run_scoped3A : memref<!tpu.dma_semaphore, #tpu.memory_space<semaphore_mem>>) src(%arg9 : memref<80x16xf32, #tpu.memory_space<vmem>>) dst(%dma_wait3A_93 : memref<80x16xf32, #tpu.memory_space<vmem_shared>>)
        tpu.yield
      }) : () -> ()
      %while3A_85 = arith.constant 0 : i32
      scf.yield %while3A_85 : i32
    }
    %barrier3A = arith.constant 0 : index
    tpu.barrier barrier_id(%barrier3A)
    %mul3A_42 = arith.constant 10000 : i32
    %mul3A_43 = arith.muli %add3A, %mul3A_42 : i32
    %scan3A_44 = arith.constant 0 : i32
    %scan3A_45 = arith.constant 0 : i32
    %scan3A_46 = arith.constant 78 : i32
    %scan3A_47 = arith.addi %scan3A_45, %scan3A_46 : i32
    %scan3A_48 = arith.constant 1 : i32
    %scan3A_49 = scf.for %scan3A_80 = %scan3A_45 to %scan3A_47 step %scan3A_48 iter_args(%scan3A_81 = %scan3A_44) -> (i32)  : i32 {
      %mul3A_82 = arith.constant 128 : i32
      %mul3A_83 = arith.muli %scan3A_80, %mul3A_82 : i32
      %add3A_84 = arith.addi %mul3A_43, %mul3A_83 : i32
      "tpu.region"() ({
        %run_scoped3A = tpu.sem_alloc : memref<!tpu.dma_semaphore, #tpu.memory_space<semaphore_mem>>
        %dma_start3A_92 = tpu.memref_slice %arg3[%add3A_84] : memref<320000xi32, #tpu.memory_space<hbm>> -> memref<128xi32, #tpu.memory_space<hbm>>
        %dma_start3A_93 = tpu.memref_slice %arg3[%add3A_84] : memref<320000xi32, #tpu.memory_space<hbm>> -> memref<128xi32, #tpu.memory_space<hbm>>
        tpu.enqueue_dma source(%dma_start3A_93 : memref<128xi32, #tpu.memory_space<hbm>>) target(%arg6 : memref<128xi32, #tpu.memory_space<vmem>>) target_semaphore(%run_scoped3A : memref<!tpu.dma_semaphore, #tpu.memory_space<semaphore_mem>>)
        %dma_wait3A_94 = tpu.memref_slice %arg3[%add3A_84] : memref<320000xi32, #tpu.memory_space<hbm>> -> memref<128xi32, #tpu.memory_space<hbm>>
        %dma_wait3A_95 = tpu.memref_slice %arg3[%add3A_84] : memref<320000xi32, #tpu.memory_space<hbm>> -> memref<128xi32, #tpu.memory_space<hbm>>
        tpu.wait_dma2 semaphore(%run_scoped3A : memref<!tpu.dma_semaphore, #tpu.memory_space<semaphore_mem>>) src(%dma_wait3A_95 : memref<128xi32, #tpu.memory_space<hbm>>) dst(%arg6 : memref<128xi32, #tpu.memory_space<vmem>>)
        tpu.yield
      }) : () -> ()
      "tpu.region"() ({
        %run_scoped3A = tpu.sem_alloc : memref<!tpu.dma_semaphore, #tpu.memory_space<semaphore_mem>>
        %dma_start3A_92 = tpu.memref_slice %arg4[%add3A_84] : memref<320000xi32, #tpu.memory_space<hbm>> -> memref<128xi32, #tpu.memory_space<hbm>>
        %dma_start3A_93 = tpu.memref_slice %arg4[%add3A_84] : memref<320000xi32, #tpu.memory_space<hbm>> -> memref<128xi32, #tpu.memory_space<hbm>>
        tpu.enqueue_dma source(%dma_start3A_93 : memref<128xi32, #tpu.memory_space<hbm>>) target(%arg7 : memref<128xi32, #tpu.memory_space<vmem>>) target_semaphore(%run_scoped3A : memref<!tpu.dma_semaphore, #tpu.memory_space<semaphore_mem>>)
        %dma_wait3A_94 = tpu.memref_slice %arg4[%add3A_84] : memref<320000xi32, #tpu.memory_space<hbm>> -> memref<128xi32, #tpu.memory_space<hbm>>
        %dma_wait3A_95 = tpu.memref_slice %arg4[%add3A_84] : memref<320000xi32, #tpu.memory_space<hbm>> -> memref<128xi32, #tpu.memory_space<hbm>>
        tpu.wait_dma2 semaphore(%run_scoped3A : memref<!tpu.dma_semaphore, #tpu.memory_space<semaphore_mem>>) src(%dma_wait3A_95 : memref<128xi32, #tpu.memory_space<hbm>>) dst(%arg7 : memref<128xi32, #tpu.memory_space<vmem>>)
        tpu.yield
      }) : () -> ()
      %dma_start3A_85 = arith.constant 0 : i32
      %dma_start3A_86 = arith.constant 0 : i32
      %dma_start3A_87 = tpu.memref_slice %arg2[%dma_start3A_85, %dma_start3A_86] : memref<10000x16xf32, #tpu.memory_space<hbm>> -> memref<10000x16xf32, #tpu.memory_space<hbm>>
      tpu.enqueue_indirect_dma source(%dma_start3A_87 : memref<10000x16xf32, #tpu.memory_space<hbm>>) target(%arg8 : memref<128x16xf32, #tpu.memory_space<vmem>>) offsets(%arg6 : memref<128xi32, #tpu.memory_space<vmem>>) semaphore(%arg11 : memref<!tpu.dma_semaphore, #tpu.memory_space<semaphore_mem>>)
      %dma_wait3A_88 = arith.constant 0 : i32
      %dma_wait3A_89 = arith.constant 0 : i32
      %dma_wait3A_90 = tpu.memref_slice %arg2[%dma_wait3A_88, %dma_wait3A_89] : memref<10000x16xf32, #tpu.memory_space<hbm>> -> memref<10000x16xf32, #tpu.memory_space<hbm>>
      tpu.wait_indirect_dma semaphore(%arg11 : memref<!tpu.dma_semaphore, #tpu.memory_space<semaphore_mem>>) src(%dma_wait3A_90 : memref<10000x16xf32, #tpu.memory_space<hbm>>) dst(%arg8 : memref<128x16xf32, #tpu.memory_space<vmem>>)
      "tpu.region"() ({
        %run_scoped3A = tpu.sem_alloc : memref<!tpu.dma_semaphore, #tpu.memory_space<semaphore_mem>>
        %dma_start3A_92 = arith.constant 0 : i32
        %dma_start3A_93 = arith.constant 0 : i32
        %dma_start3A_94 = tpu.memref_slice %arg10[%dma_start3A_92, %dma_start3A_93] : memref<10000x16xf32, #tpu.memory_space<vmem_shared>> -> memref<10000x16xf32, #tpu.memory_space<vmem_shared>>
        tpu.enqueue_indirect_dma source(%arg8 : memref<128x16xf32, #tpu.memory_space<vmem>>) target(%dma_start3A_94 : memref<10000x16xf32, #tpu.memory_space<vmem_shared>>) offsets(%arg7 : memref<128xi32, #tpu.memory_space<vmem>>) semaphore(%run_scoped3A : memref<!tpu.dma_semaphore, #tpu.memory_space<semaphore_mem>>) {add = true}
        %dma_wait3A_95 = arith.constant 0 : i32
        %dma_wait3A_96 = arith.constant 0 : i32
        %dma_wait3A_97 = tpu.memref_slice %arg10[%dma_wait3A_95, %dma_wait3A_96] : memref<10000x16xf32, #tpu.memory_space<vmem_shared>> -> memref<10000x16xf32, #tpu.memory_space<vmem_shared>>
        tpu.wait_indirect_dma semaphore(%run_scoped3A : memref<!tpu.dma_semaphore, #tpu.memory_space<semaphore_mem>>) src(%arg8 : memref<128x16xf32, #tpu.memory_space<vmem>>) dst(%dma_wait3A_97 : memref<10000x16xf32, #tpu.memory_space<vmem_shared>>)
        tpu.yield
      }) : () -> ()
      %scan3A_91 = arith.constant 0 : i32
      scf.yield %scan3A_91 : i32
    }
    %scan3A_50 = arith.constant 78 : i32
    %add3A_51 = arith.constant 9984 : i32
    %add3A_52 = arith.addi %mul3A_43, %add3A_51 : i32
    "tpu.region"() ({
      %run_scoped3A = tpu.sem_alloc : memref<!tpu.dma_semaphore, #tpu.memory_space<semaphore_mem>>
      %dma_start3A_80 = arith.constant 0 : i32
      %dma_start3A_81 = tpu.memref_slice %arg6[%dma_start3A_80] : memref<128xi32, #tpu.memory_space<vmem>> -> memref<16xi32, #tpu.memory_space<vmem>>
      %dma_start3A_82 = tpu.memref_slice %arg3[%add3A_52] : memref<320000xi32, #tpu.memory_space<hbm>> -> memref<16xi32, #tpu.memory_space<hbm>>
      %dma_start3A_83 = arith.constant 0 : i32
      %dma_start3A_84 = tpu.memref_slice %arg6[%dma_start3A_83] : memref<128xi32, #tpu.memory_space<vmem>> -> memref<16xi32, #tpu.memory_space<vmem>>
      %dma_start3A_85 = tpu.memref_slice %arg3[%add3A_52] : memref<320000xi32, #tpu.memory_space<hbm>> -> memref<16xi32, #tpu.memory_space<hbm>>
      tpu.enqueue_dma source(%dma_start3A_85 : memref<16xi32, #tpu.memory_space<hbm>>) target(%dma_start3A_84 : memref<16xi32, #tpu.memory_space<vmem>>) target_semaphore(%run_scoped3A : memref<!tpu.dma_semaphore, #tpu.memory_space<semaphore_mem>>)
      %dma_wait3A_86 = arith.constant 0 : i32
      %dma_wait3A_87 = tpu.memref_slice %arg6[%dma_wait3A_86] : memref<128xi32, #tpu.memory_space<vmem>> -> memref<16xi32, #tpu.memory_space<vmem>>
      %dma_wait3A_88 = tpu.memref_slice %arg3[%add3A_52] : memref<320000xi32, #tpu.memory_space<hbm>> -> memref<16xi32, #tpu.memory_space<hbm>>
      %dma_wait3A_89 = arith.constant 0 : i32
      %dma_wait3A_90 = tpu.memref_slice %arg6[%dma_wait3A_89] : memref<128xi32, #tpu.memory_space<vmem>> -> memref<16xi32, #tpu.memory_space<vmem>>
      %dma_wait3A_91 = tpu.memref_slice %arg3[%add3A_52] : memref<320000xi32, #tpu.memory_space<hbm>> -> memref<16xi32, #tpu.memory_space<hbm>>
      tpu.wait_dma2 semaphore(%run_scoped3A : memref<!tpu.dma_semaphore, #tpu.memory_space<semaphore_mem>>) src(%dma_wait3A_91 : memref<16xi32, #tpu.memory_space<hbm>>) dst(%dma_wait3A_90 : memref<16xi32, #tpu.memory_space<vmem>>)
      tpu.yield
    }) : () -> ()
    "tpu.region"() ({
      %run_scoped3A = tpu.sem_alloc : memref<!tpu.dma_semaphore, #tpu.memory_space<semaphore_mem>>
      %dma_start3A_80 = arith.constant 0 : i32
      %dma_start3A_81 = tpu.memref_slice %arg7[%dma_start3A_80] : memref<128xi32, #tpu.memory_space<vmem>> -> memref<16xi32, #tpu.memory_space<vmem>>
      %dma_start3A_82 = tpu.memref_slice %arg4[%add3A_52] : memref<320000xi32, #tpu.memory_space<hbm>> -> memref<16xi32, #tpu.memory_space<hbm>>
      %dma_start3A_83 = arith.constant 0 : i32
      %dma_start3A_84 = tpu.memref_slice %arg7[%dma_start3A_83] : memref<128xi32, #tpu.memory_space<vmem>> -> memref<16xi32, #tpu.memory_space<vmem>>
      %dma_start3A_85 = tpu.memref_slice %arg4[%add3A_52] : memref<320000xi32, #tpu.memory_space<hbm>> -> memref<16xi32, #tpu.memory_space<hbm>>
      tpu.enqueue_dma source(%dma_start3A_85 : memref<16xi32, #tpu.memory_space<hbm>>) target(%dma_start3A_84 : memref<16xi32, #tpu.memory_space<vmem>>) target_semaphore(%run_scoped3A : memref<!tpu.dma_semaphore, #tpu.memory_space<semaphore_mem>>)
      %dma_wait3A_86 = arith.constant 0 : i32
      %dma_wait3A_87 = tpu.memref_slice %arg7[%dma_wait3A_86] : memref<128xi32, #tpu.memory_space<vmem>> -> memref<16xi32, #tpu.memory_space<vmem>>
      %dma_wait3A_88 = tpu.memref_slice %arg4[%add3A_52] : memref<320000xi32, #tpu.memory_space<hbm>> -> memref<16xi32, #tpu.memory_space<hbm>>
      %dma_wait3A_89 = arith.constant 0 : i32
      %dma_wait3A_90 = tpu.memref_slice %arg7[%dma_wait3A_89] : memref<128xi32, #tpu.memory_space<vmem>> -> memref<16xi32, #tpu.memory_space<vmem>>
      %dma_wait3A_91 = tpu.memref_slice %arg4[%add3A_52] : memref<320000xi32, #tpu.memory_space<hbm>> -> memref<16xi32, #tpu.memory_space<hbm>>
      tpu.wait_dma2 semaphore(%run_scoped3A : memref<!tpu.dma_semaphore, #tpu.memory_space<semaphore_mem>>) src(%dma_wait3A_91 : memref<16xi32, #tpu.memory_space<hbm>>) dst(%dma_wait3A_90 : memref<16xi32, #tpu.memory_space<vmem>>)
      tpu.yield
    }) : () -> ()
    %dma_start3A = arith.constant 0 : i32
    %dma_start3A_53 = arith.constant 0 : i32
    %dma_start3A_54 = tpu.memref_slice %arg8[%dma_start3A, %dma_start3A_53] : memref<128x16xf32, #tpu.memory_space<vmem>> -> memref<16x16xf32, #tpu.memory_space<vmem>>
    %dma_start3A_55 = arith.constant 0 : i32
    %dma_start3A_56 = tpu.memref_slice %arg6[%dma_start3A_55] : memref<128xi32, #tpu.memory_space<vmem>> -> memref<16xi32, #tpu.memory_space<vmem>>
    %dma_start3A_57 = arith.constant 0 : i32
    %dma_start3A_58 = arith.constant 0 : i32
    %dma_start3A_59 = tpu.memref_slice %arg2[%dma_start3A_57, %dma_start3A_58] : memref<10000x16xf32, #tpu.memory_space<hbm>> -> memref<10000x16xf32, #tpu.memory_space<hbm>>
    tpu.enqueue_indirect_dma source(%dma_start3A_59 : memref<10000x16xf32, #tpu.memory_space<hbm>>) target(%dma_start3A_54 : memref<16x16xf32, #tpu.memory_space<vmem>>) offsets(%dma_start3A_56 : memref<16xi32, #tpu.memory_space<vmem>>) semaphore(%arg11 : memref<!tpu.dma_semaphore, #tpu.memory_space<semaphore_mem>>)
    %dma_wait3A = arith.constant 0 : i32
    %dma_wait3A_60 = arith.constant 0 : i32
    %dma_wait3A_61 = tpu.memref_slice %arg8[%dma_wait3A, %dma_wait3A_60] : memref<128x16xf32, #tpu.memory_space<vmem>> -> memref<16x16xf32, #tpu.memory_space<vmem>>
    %dma_wait3A_62 = arith.constant 0 : i32
    %dma_wait3A_63 = tpu.memref_slice %arg6[%dma_wait3A_62] : memref<128xi32, #tpu.memory_space<vmem>> -> memref<16xi32, #tpu.memory_space<vmem>>
    %dma_wait3A_64 = arith.constant 0 : i32
    %dma_wait3A_65 = arith.constant 0 : i32
    %dma_wait3A_66 = tpu.memref_slice %arg2[%dma_wait3A_64, %dma_wait3A_65] : memref<10000x16xf32, #tpu.memory_space<hbm>> -> memref<10000x16xf32, #tpu.memory_space<hbm>>
    tpu.wait_indirect_dma semaphore(%arg11 : memref<!tpu.dma_semaphore, #tpu.memory_space<semaphore_mem>>) src(%dma_wait3A_66 : memref<10000x16xf32, #tpu.memory_space<hbm>>) dst(%dma_wait3A_61 : memref<16x16xf32, #tpu.memory_space<vmem>>)
    "tpu.region"() ({
      %run_scoped3A = tpu.sem_alloc : memref<!tpu.dma_semaphore, #tpu.memory_space<semaphore_mem>>
      %dma_start3A_80 = arith.constant 0 : i32
      %dma_start3A_81 = arith.constant 0 : i32
      %dma_start3A_82 = tpu.memref_slice %arg8[%dma_start3A_80, %dma_start3A_81] : memref<128x16xf32, #tpu.memory_space<vmem>> -> memref<16x16xf32, #tpu.memory_space<vmem>>
      %dma_start3A_83 = arith.constant 0 : i32
      %dma_start3A_84 = tpu.memref_slice %arg7[%dma_start3A_83] : memref<128xi32, #tpu.memory_space<vmem>> -> memref<16xi32, #tpu.memory_space<vmem>>
      %dma_start3A_85 = arith.constant 0 : i32
      %dma_start3A_86 = arith.constant 0 : i32
      %dma_start3A_87 = tpu.memref_slice %arg10[%dma_start3A_85, %dma_start3A_86] : memref<10000x16xf32, #tpu.memory_space<vmem_shared>> -> memref<10000x16xf32, #tpu.memory_space<vmem_shared>>
      tpu.enqueue_indirect_dma source(%dma_start3A_82 : memref<16x16xf32, #tpu.memory_space<vmem>>) target(%dma_start3A_87 : memref<10000x16xf32, #tpu.memory_space<vmem_shared>>) offsets(%dma_start3A_84 : memref<16xi32, #tpu.memory_space<vmem>>) semaphore(%run_scoped3A : memref<!tpu.dma_semaphore, #tpu.memory_space<semaphore_mem>>) {add = true}
      %dma_wait3A_88 = arith.constant 0 : i32
      %dma_wait3A_89 = arith.constant 0 : i32
      %dma_wait3A_90 = tpu.memref_slice %arg8[%dma_wait3A_88, %dma_wait3A_89] : memref<128x16xf32, #tpu.memory_space<vmem>> -> memref<16x16xf32, #tpu.memory_space<vmem>>
      %dma_wait3A_91 = arith.constant 0 : i32
      %dma_wait3A_92 = tpu.memref_slice %arg7[%dma_wait3A_91] : memref<128xi32, #tpu.memory_space<vmem>> -> memref<16xi32, #tpu.memory_space<vmem>>
      %dma_wait3A_93 = arith.constant 0 : i32
      %dma_wait3A_94 = arith.constant 0 : i32
      %dma_wait3A_95 = tpu.memref_slice %arg10[%dma_wait3A_93, %dma_wait3A_94] : memref<10000x16xf32, #tpu.memory_space<vmem_shared>> -> memref<10000x16xf32, #tpu.memory_space<vmem_shared>>
      tpu.wait_indirect_dma semaphore(%run_scoped3A : memref<!tpu.dma_semaphore, #tpu.memory_space<semaphore_mem>>) src(%dma_wait3A_90 : memref<16x16xf32, #tpu.memory_space<vmem>>) dst(%dma_wait3A_95 : memref<10000x16xf32, #tpu.memory_space<vmem_shared>>)
      tpu.yield
    }) : () -> ()
    %barrier3A_67 = arith.constant 0 : index
    tpu.barrier barrier_id(%barrier3A_67)
    %while3A_68 = arith.constant 0 : i32
    %while3A_69 = arith.constant 0 : i32
    %while3A_70 = arith.subi %select_n3A, %while3A_68 : i32
    %while3A_71 = arith.addi %while3A_68, %while3A_70 : i32
    %while3A_72 = arith.constant 1 : i32
    %while3A_73 = arith.divsi %while3A_70, %while3A_72 : i32
    %while3A_74 = arith.muli %while3A_73, %while3A_72 : i32
    %while3A_75 = arith.addi %while3A_68, %while3A_74 : i32
    %while3A_76 = arith.constant 1 : i32
    %while3A_77 = scf.for %while3A_80 = %while3A_68 to %while3A_75 step %while3A_76 iter_args(%while3A_81 = %while3A_69) -> (i32)  : i32 {
      %mul3A_82 = arith.constant 80 : i32
      %mul3A_83 = arith.muli %while3A_80, %mul3A_82 : i32
      %add3A_84 = arith.addi %mul3A_2, %mul3A_83 : i32
      "tpu.region"() ({
        %run_scoped3A = tpu.sem_alloc : memref<!tpu.dma_semaphore, #tpu.memory_space<semaphore_mem>>
        %dma_start3A_86 = arith.constant 0 : i32
        %dma_start3A_87 = tpu.memref_slice %arg10[%add3A_84, %dma_start3A_86] : memref<10000x16xf32, #tpu.memory_space<vmem_shared>> -> memref<80x16xf32, #tpu.memory_space<vmem_shared>>
        %dma_start3A_88 = arith.constant 0 : i32
        %dma_start3A_89 = tpu.memref_slice %arg10[%add3A_84, %dma_start3A_88] : memref<10000x16xf32, #tpu.memory_space<vmem_shared>> -> memref<80x16xf32, #tpu.memory_space<vmem_shared>>
        tpu.enqueue_dma source(%dma_start3A_89 : memref<80x16xf32, #tpu.memory_space<vmem_shared>>) target(%arg9 : memref<80x16xf32, #tpu.memory_space<vmem>>) target_semaphore(%run_scoped3A : memref<!tpu.dma_semaphore, #tpu.memory_space<semaphore_mem>>)
        %dma_wait3A_90 = arith.constant 0 : i32
        %dma_wait3A_91 = tpu.memref_slice %arg10[%add3A_84, %dma_wait3A_90] : memref<10000x16xf32, #tpu.memory_space<vmem_shared>> -> memref<80x16xf32, #tpu.memory_space<vmem_shared>>
        %dma_wait3A_92 = arith.constant 0 : i32
        %dma_wait3A_93 = tpu.memref_slice %arg10[%add3A_84, %dma_wait3A_92] : memref<10000x16xf32, #tpu.memory_space<vmem_shared>> -> memref<80x16xf32, #tpu.memory_space<vmem_shared>>
        tpu.wait_dma2 semaphore(%run_scoped3A : memref<!tpu.dma_semaphore, #tpu.memory_space<semaphore_mem>>) src(%dma_wait3A_93 : memref<80x16xf32, #tpu.memory_space<vmem_shared>>) dst(%arg9 : memref<80x16xf32, #tpu.memory_space<vmem>>)
        tpu.yield
      }) : () -> ()
      "tpu.region"() ({
        %run_scoped3A = tpu.sem_alloc : memref<!tpu.dma_semaphore, #tpu.memory_space<semaphore_mem>>
        %dma_start3A_86 = arith.constant 0 : i32
        %dma_start3A_87 = tpu.memref_slice %arg5[%arg0, %add3A_84, %dma_start3A_86] : memref<2x10000x16xf32, #tpu.memory_space<hbm>> -> memref<1x80x16xf32, #tpu.memory_space<hbm>>
        %dma_start3A_88 = tpu.memref_squeeze %dma_start3A_87 : memref<1x80x16xf32, #tpu.memory_space<hbm>> -> memref<80x16xf32, #tpu.memory_space<hbm>>
        %dma_start3A_89 = arith.constant 0 : i32
        %dma_start3A_90 = tpu.memref_slice %arg5[%arg0, %add3A_84, %dma_start3A_89] : memref<2x10000x16xf32, #tpu.memory_space<hbm>> -> memref<1x80x16xf32, #tpu.memory_space<hbm>>
        %dma_start3A_91 = tpu.memref_squeeze %dma_start3A_90 : memref<1x80x16xf32, #tpu.memory_space<hbm>> -> memref<80x16xf32, #tpu.memory_space<hbm>>
        tpu.enqueue_dma source(%arg9 : memref<80x16xf32, #tpu.memory_space<vmem>>) target(%dma_start3A_91 : memref<80x16xf32, #tpu.memory_space<hbm>>) target_semaphore(%run_scoped3A : memref<!tpu.dma_semaphore, #tpu.memory_space<semaphore_mem>>)
        %dma_wait3A_92 = arith.constant 0 : i32
        %dma_wait3A_93 = tpu.memref_slice %arg5[%arg0, %add3A_84, %dma_wait3A_92] : memref<2x10000x16xf32, #tpu.memory_space<hbm>> -> memref<1x80x16xf32, #tpu.memory_space<hbm>>
        %dma_wait3A_94 = tpu.memref_squeeze %dma_wait3A_93 : memref<1x80x16xf32, #tpu.memory_space<hbm>> -> memref<80x16xf32, #tpu.memory_space<hbm>>
        %dma_wait3A_95 = arith.constant 0 : i32
        %dma_wait3A_96 = tpu.memref_slice %arg5[%arg0, %add3A_84, %dma_wait3A_95] : memref<2x10000x16xf32, #tpu.memory_space<hbm>> -> memref<1x80x16xf32, #tpu.memory_space<hbm>>
        %dma_wait3A_97 = tpu.memref_squeeze %dma_wait3A_96 : memref<1x80x16xf32, #tpu.memory_space<hbm>> -> memref<80x16xf32, #tpu.memory_space<hbm>>
        tpu.wait_dma2 semaphore(%run_scoped3A : memref<!tpu.dma_semaphore, #tpu.memory_space<semaphore_mem>>) src(%arg9 : memref<80x16xf32, #tpu.memory_space<vmem>>) dst(%dma_wait3A_97 : memref<80x16xf32, #tpu.memory_space<hbm>>)
        tpu.yield
      }) : () -> ()
      %while3A_85 = arith.constant 0 : i32
      scf.yield %while3A_85 : i32
    }
    %while3A_78 = arith.constant 1 : i32
    %while3A_79 = scf.for %while3A_80 = %while3A_75 to %while3A_71 step %while3A_78 iter_args(%while3A_81 = %while3A_77) -> (i32)  : i32 {
      %mul3A_82 = arith.constant 80 : i32
      %mul3A_83 = arith.muli %while3A_80, %mul3A_82 : i32
      %add3A_84 = arith.addi %mul3A_2, %mul3A_83 : i32
      "tpu.region"() ({
        %run_scoped3A = tpu.sem_alloc : memref<!tpu.dma_semaphore, #tpu.memory_space<semaphore_mem>>
        %dma_start3A_86 = arith.constant 0 : i32
        %dma_start3A_87 = tpu.memref_slice %arg10[%add3A_84, %dma_start3A_86] : memref<10000x16xf32, #tpu.memory_space<vmem_shared>> -> memref<80x16xf32, #tpu.memory_space<vmem_shared>>
        %dma_start3A_88 = arith.constant 0 : i32
        %dma_start3A_89 = tpu.memref_slice %arg10[%add3A_84, %dma_start3A_88] : memref<10000x16xf32, #tpu.memory_space<vmem_shared>> -> memref<80x16xf32, #tpu.memory_space<vmem_shared>>
        tpu.enqueue_dma source(%dma_start3A_89 : memref<80x16xf32, #tpu.memory_space<vmem_shared>>) target(%arg9 : memref<80x16xf32, #tpu.memory_space<vmem>>) target_semaphore(%run_scoped3A : memref<!tpu.dma_semaphore, #tpu.memory_space<semaphore_mem>>)
        %dma_wait3A_90 = arith.constant 0 : i32
        %dma_wait3A_91 = tpu.memref_slice %arg10[%add3A_84, %dma_wait3A_90] : memref<10000x16xf32, #tpu.memory_space<vmem_shared>> -> memref<80x16xf32, #tpu.memory_space<vmem_shared>>
        %dma_wait3A_92 = arith.constant 0 : i32
        %dma_wait3A_93 = tpu.memref_slice %arg10[%add3A_84, %dma_wait3A_92] : memref<10000x16xf32, #tpu.memory_space<vmem_shared>> -> memref<80x16xf32, #tpu.memory_space<vmem_shared>>
        tpu.wait_dma2 semaphore(%run_scoped3A : memref<!tpu.dma_semaphore, #tpu.memory_space<semaphore_mem>>) src(%dma_wait3A_93 : memref<80x16xf32, #tpu.memory_space<vmem_shared>>) dst(%arg9 : memref<80x16xf32, #tpu.memory_space<vmem>>)
        tpu.yield
      }) : () -> ()
      "tpu.region"() ({
        %run_scoped3A = tpu.sem_alloc : memref<!tpu.dma_semaphore, #tpu.memory_space<semaphore_mem>>
        %dma_start3A_86 = arith.constant 0 : i32
        %dma_start3A_87 = tpu.memref_slice %arg5[%arg0, %add3A_84, %dma_start3A_86] : memref<2x10000x16xf32, #tpu.memory_space<hbm>> -> memref<1x80x16xf32, #tpu.memory_space<hbm>>
        %dma_start3A_88 = tpu.memref_squeeze %dma_start3A_87 : memref<1x80x16xf32, #tpu.memory_space<hbm>> -> memref<80x16xf32, #tpu.memory_space<hbm>>
        %dma_start3A_89 = arith.constant 0 : i32
        %dma_start3A_90 = tpu.memref_slice %arg5[%arg0, %add3A_84, %dma_start3A_89] : memref<2x10000x16xf32, #tpu.memory_space<hbm>> -> memref<1x80x16xf32, #tpu.memory_space<hbm>>
        %dma_start3A_91 = tpu.memref_squeeze %dma_start3A_90 : memref<1x80x16xf32, #tpu.memory_space<hbm>> -> memref<80x16xf32, #tpu.memory_space<hbm>>
        tpu.enqueue_dma source(%arg9 : memref<80x16xf32, #tpu.memory_space<vmem>>) target(%dma_start3A_91 : memref<80x16xf32, #tpu.memory_space<hbm>>) target_semaphore(%run_scoped3A : memref<!tpu.dma_semaphore, #tpu.memory_space<semaphore_mem>>)
        %dma_wait3A_92 = arith.constant 0 : i32
        %dma_wait3A_93 = tpu.memref_slice %arg5[%arg0, %add3A_84, %dma_wait3A_92] : memref<2x10000x16xf32, #tpu.memory_space<hbm>> -> memref<1x80x16xf32, #tpu.memory_space<hbm>>
        %dma_wait3A_94 = tpu.memref_squeeze %dma_wait3A_93 : memref<1x80x16xf32, #tpu.memory_space<hbm>> -> memref<80x16xf32, #tpu.memory_space<hbm>>
        %dma_wait3A_95 = arith.constant 0 : i32
        %dma_wait3A_96 = tpu.memref_slice %arg5[%arg0, %add3A_84, %dma_wait3A_95] : memref<2x10000x16xf32, #tpu.memory_space<hbm>> -> memref<1x80x16xf32, #tpu.memory_space<hbm>>
        %dma_wait3A_97 = tpu.memref_squeeze %dma_wait3A_96 : memref<1x80x16xf32, #tpu.memory_space<hbm>> -> memref<80x16xf32, #tpu.memory_space<hbm>>
        tpu.wait_dma2 semaphore(%run_scoped3A : memref<!tpu.dma_semaphore, #tpu.memory_space<semaphore_mem>>) src(%arg9 : memref<80x16xf32, #tpu.memory_space<vmem>>) dst(%dma_wait3A_97 : memref<80x16xf32, #tpu.memory_space<hbm>>)
        tpu.yield
      }) : () -> ()
      %while3A_85 = arith.constant 0 : i32
      scf.yield %while3A_85 : i32
    }
    return
  }
}

#map = affine_map<(d0, d1) -> (0)>
#map1 = affine_map<(d0, d1) -> (0, 0, 0, 0)>
module attributes {stable_mosaic.version = 14 : i64} {
  func.func @deg(%arg0: i32, %arg1: i32, %arg2: memref<320000xi32, #tpu.memory_space<hbm>>, %arg3: memref<320000xi32, #tpu.memory_space<hbm>>, %arg4: memref<2x2x10000x16xf32, #tpu.memory_space<hbm>>, %arg5: memref<128xi32, #tpu.memory_space<vmem>>, %arg6: memref<128x16xf32, #tpu.memory_space<vmem>>, %arg7: memref<80x16xf32, #tpu.memory_space<vmem>>, %arg8: memref<10000x16xf32, #tpu.memory_space<vmem_shared>>, %arg9: memref<10000x16xf32, #tpu.memory_space<vmem_shared>>) attributes {dimension_semantics = [#tpu.dimension_semantics<core_parallel>, #tpu.dimension_semantics<subcore_parallel>], iteration_bounds = array<i64: 2, 16>, scalar_prefetch = 0 : i64, scratch_operands = 5 : i64, tpu.core_type = #tpu.core_type<sc_vector_subcore>, window_params = [{transform_indices = #map}, {transform_indices = #map}, {transform_indices = #map1}]} {
    %mul3A = arith.constant 16 : i32
    %mul3A_0 = arith.muli %arg0, %mul3A : i32
    %add3A = arith.addi %mul3A_0, %arg1 : i32
    %mul3A_1 = arith.constant 640 : i32
    %mul3A_2 = arith.muli %arg1, %mul3A_1 : i32
    %add3A_3 = arith.constant 640 : i32
    %add3A_4 = arith.addi %mul3A_2, %add3A_3 : i32
    %min3A = arith.constant 10000 : i32
    %min3A_5 = arith.minsi %add3A_4, %min3A : i32
    %min3A_6 = arith.constant 10000 : i32
    %min3A_7 = arith.minsi %mul3A_2, %min3A_6 : i32
    %sub3A = arith.subi %min3A_5, %min3A_7 : i32
    %jit3A = arith.constant 80 : i32
    %div3A = arith.divsi %sub3A, %jit3A : i32
    %sign3A = arith.constant 0 : i32
    %sign3A_8 = arith.cmpi sgt, %sub3A, %sign3A : i32
    %sign3A_9 = arith.extui %sign3A_8 : i1 to i32
    %sign3A_10 = arith.constant 0 : i32
    %sign3A_11 = arith.cmpi slt, %sub3A, %sign3A_10 : i32
    %sign3A_12 = arith.extui %sign3A_11 : i1 to i32
    %sign3A_13 = arith.subi %sign3A_9, %sign3A_12 : i32
    %sign3A_14 = arith.constant 0 : i32
    %sign3A_15 = arith.cmpi sgt, %jit3A, %sign3A_14 : i32
    %sign3A_16 = arith.extui %sign3A_15 : i1 to i32
    %sign3A_17 = arith.constant 0 : i32
    %sign3A_18 = arith.cmpi slt, %jit3A, %sign3A_17 : i32
    %sign3A_19 = arith.extui %sign3A_18 : i1 to i32
    %sign3A_20 = arith.subi %sign3A_16, %sign3A_19 : i32
    %ne3A = arith.cmpi ne, %sign3A_13, %sign3A_20 : i32
    %rem3A = arith.remsi %sub3A, %jit3A : i32
    %ne3A_21 = arith.constant 0 : i32
    %ne3A_22 = arith.cmpi ne, %rem3A, %ne3A_21 : i32
    %and3A = arith.andi %ne3A, %ne3A_22 : i1
    %sub3A_23 = arith.constant 1 : i32
    %sub3A_24 = arith.subi %div3A, %sub3A_23 : i32
    %select_n3A = arith.select %and3A, %sub3A_24, %div3A : i32
    %scan3A = arith.constant 0 : i32
    %scan3A_25 = arith.constant 0 : i32
    %scan3A_26 = arith.constant 128 : i32
    %scan3A_27 = arith.addi %scan3A_25, %scan3A_26 : i32
    %scan3A_28 = arith.constant 1 : i32
    %scan3A_29 = scf.for %scan3A_73 = %scan3A_25 to %scan3A_27 step %scan3A_28 iter_args(%scan3A_74 = %scan3A) -> (i32)  : i32 {
      %broadcast_in_dim3A = arith.constant 1.000000e+00 : f32
      %broadcast_in_dim3A_75 = vector.broadcast %broadcast_in_dim3A : f32 to vector<16xf32>
      %swap3A = arith.index_cast %scan3A_73 : i32 to index
      %swap3A_76 = arith.constant 0 : index
      %swap3A_77 = tpu.vector_load %arg6[%swap3A, %swap3A_76] {strides = array<i32>} : memref<128x16xf32, #tpu.memory_space<vmem>>, vector<1x16xf32>,
      %swap3A_78 = vector.shape_cast %swap3A_77 : vector<1x16xf32> to vector<16xf32>
      %swap3A_79 = vector.shape_cast %broadcast_in_dim3A_75 : vector<16xf32> to vector<1x16xf32>
      tpu.vector_store %arg6[%swap3A, %swap3A_76], %swap3A_79 {strides = array<i32>} : memref<128x16xf32, #tpu.memory_space<vmem>>, vector<1x16xf32>,
      %scan3A_80 = arith.constant 0 : i32
      scf.yield %scan3A_80 : i32
    }
    %scan3A_30 = arith.constant 128 : i32
    %scan3A_31 = arith.constant 0 : i32
    %scan3A_32 = arith.constant 0 : i32
    %scan3A_33 = arith.constant 80 : i32
    %scan3A_34 = arith.addi %scan3A_32, %scan3A_33 : i32
    %scan3A_35 = arith.constant 1 : i32
    %scan3A_36 = scf.for %scan3A_73 = %scan3A_32 to %scan3A_34 step %scan3A_35 iter_args(%scan3A_74 = %scan3A_31) -> (i32)  : i32 {
      %broadcast_in_dim3A = arith.constant 0.000000e+00 : f32
      %broadcast_in_dim3A_75 = vector.broadcast %broadcast_in_dim3A : f32 to vector<16xf32>
      %swap3A = arith.index_cast %scan3A_73 : i32 to index
      %swap3A_76 = arith.constant 0 : index
      %swap3A_77 = tpu.vector_load %arg7[%swap3A, %swap3A_76] {strides = array<i32>} : memref<80x16xf32, #tpu.memory_space<vmem>>, vector<1x16xf32>,
      %swap3A_78 = vector.shape_cast %swap3A_77 : vector<1x16xf32> to vector<16xf32>
      %swap3A_79 = vector.shape_cast %broadcast_in_dim3A_75 : vector<16xf32> to vector<1x16xf32>
      tpu.vector_store %arg7[%swap3A, %swap3A_76], %swap3A_79 {strides = array<i32>} : memref<80x16xf32, #tpu.memory_space<vmem>>, vector<1x16xf32>,
      %scan3A_80 = arith.constant 0 : i32
      scf.yield %scan3A_80 : i32
    }
    %scan3A_37 = arith.constant 80 : i32
    %while3A = arith.constant 0 : i32
    %while3A_38 = arith.constant 0 : i32
    %while3A_39 = arith.subi %select_n3A, %while3A : i32
    %while3A_40 = arith.addi %while3A, %while3A_39 : i32
    %while3A_41 = arith.constant 1 : i32
    %while3A_42 = arith.divsi %while3A_39, %while3A_41 : i32
    %while3A_43 = arith.muli %while3A_42, %while3A_41 : i32
    %while3A_44 = arith.addi %while3A, %while3A_43 : i32
    %while3A_45 = arith.constant 1 : i32
    %while3A_46 = scf.for %while3A_73 = %while3A to %while3A_44 step %while3A_45 iter_args(%while3A_74 = %while3A_38) -> (i32)  : i32 {
      %mul3A_75 = arith.constant 80 : i32
      %mul3A_76 = arith.muli %while3A_73, %mul3A_75 : i32
      %add3A_77 = arith.addi %mul3A_2, %mul3A_76 : i32
      "tpu.region"() ({
        %run_scoped3A = tpu.sem_alloc : memref<!tpu.dma_semaphore, #tpu.memory_space<semaphore_mem>>
        %dma_start3A = arith.constant 0 : i32
        %dma_start3A_82 = tpu.memref_slice %arg8[%add3A_77, %dma_start3A] : memref<10000x16xf32, #tpu.memory_space<vmem_shared>> -> memref<80x16xf32, #tpu.memory_space<vmem_shared>>
        %dma_start3A_83 = arith.constant 0 : i32
        %dma_start3A_84 = tpu.memref_slice %arg8[%add3A_77, %dma_start3A_83] : memref<10000x16xf32, #tpu.memory_space<vmem_shared>> -> memref<80x16xf32, #tpu.memory_space<vmem_shared>>
        tpu.enqueue_dma source(%arg7 : memref<80x16xf32, #tpu.memory_space<vmem>>) target(%dma_start3A_84 : memref<80x16xf32, #tpu.memory_space<vmem_shared>>) target_semaphore(%run_scoped3A : memref<!tpu.dma_semaphore, #tpu.memory_space<semaphore_mem>>)
        %dma_wait3A = arith.constant 0 : i32
        %dma_wait3A_85 = tpu.memref_slice %arg8[%add3A_77, %dma_wait3A] : memref<10000x16xf32, #tpu.memory_space<vmem_shared>> -> memref<80x16xf32, #tpu.memory_space<vmem_shared>>
        %dma_wait3A_86 = arith.constant 0 : i32
        %dma_wait3A_87 = tpu.memref_slice %arg8[%add3A_77, %dma_wait3A_86] : memref<10000x16xf32, #tpu.memory_space<vmem_shared>> -> memref<80x16xf32, #tpu.memory_space<vmem_shared>>
        tpu.wait_dma2 semaphore(%run_scoped3A : memref<!tpu.dma_semaphore, #tpu.memory_space<semaphore_mem>>) src(%arg7 : memref<80x16xf32, #tpu.memory_space<vmem>>) dst(%dma_wait3A_87 : memref<80x16xf32, #tpu.memory_space<vmem_shared>>)
        tpu.yield
      }) : () -> ()
      %mul3A_78 = arith.constant 80 : i32
      %mul3A_79 = arith.muli %while3A_73, %mul3A_78 : i32
      %add3A_80 = arith.addi %mul3A_2, %mul3A_79 : i32
      "tpu.region"() ({
        %run_scoped3A = tpu.sem_alloc : memref<!tpu.dma_semaphore, #tpu.memory_space<semaphore_mem>>
        %dma_start3A = arith.constant 0 : i32
        %dma_start3A_82 = tpu.memref_slice %arg9[%add3A_80, %dma_start3A] : memref<10000x16xf32, #tpu.memory_space<vmem_shared>> -> memref<80x16xf32, #tpu.memory_space<vmem_shared>>
        %dma_start3A_83 = arith.constant 0 : i32
        %dma_start3A_84 = tpu.memref_slice %arg9[%add3A_80, %dma_start3A_83] : memref<10000x16xf32, #tpu.memory_space<vmem_shared>> -> memref<80x16xf32, #tpu.memory_space<vmem_shared>>
        tpu.enqueue_dma source(%arg7 : memref<80x16xf32, #tpu.memory_space<vmem>>) target(%dma_start3A_84 : memref<80x16xf32, #tpu.memory_space<vmem_shared>>) target_semaphore(%run_scoped3A : memref<!tpu.dma_semaphore, #tpu.memory_space<semaphore_mem>>)
        %dma_wait3A = arith.constant 0 : i32
        %dma_wait3A_85 = tpu.memref_slice %arg9[%add3A_80, %dma_wait3A] : memref<10000x16xf32, #tpu.memory_space<vmem_shared>> -> memref<80x16xf32, #tpu.memory_space<vmem_shared>>
        %dma_wait3A_86 = arith.constant 0 : i32
        %dma_wait3A_87 = tpu.memref_slice %arg9[%add3A_80, %dma_wait3A_86] : memref<10000x16xf32, #tpu.memory_space<vmem_shared>> -> memref<80x16xf32, #tpu.memory_space<vmem_shared>>
        tpu.wait_dma2 semaphore(%run_scoped3A : memref<!tpu.dma_semaphore, #tpu.memory_space<semaphore_mem>>) src(%arg7 : memref<80x16xf32, #tpu.memory_space<vmem>>) dst(%dma_wait3A_87 : memref<80x16xf32, #tpu.memory_space<vmem_shared>>)
        tpu.yield
      }) : () -> ()
      %while3A_81 = arith.constant 0 : i32
      scf.yield %while3A_81 : i32
    }
    %while3A_47 = arith.constant 1 : i32
    %while3A_48 = scf.for %while3A_73 = %while3A_44 to %while3A_40 step %while3A_47 iter_args(%while3A_74 = %while3A_46) -> (i32)  : i32 {
      %mul3A_75 = arith.constant 80 : i32
      %mul3A_76 = arith.muli %while3A_73, %mul3A_75 : i32
      %add3A_77 = arith.addi %mul3A_2, %mul3A_76 : i32
      "tpu.region"() ({
        %run_scoped3A = tpu.sem_alloc : memref<!tpu.dma_semaphore, #tpu.memory_space<semaphore_mem>>
        %dma_start3A = arith.constant 0 : i32
        %dma_start3A_82 = tpu.memref_slice %arg8[%add3A_77, %dma_start3A] : memref<10000x16xf32, #tpu.memory_space<vmem_shared>> -> memref<80x16xf32, #tpu.memory_space<vmem_shared>>
        %dma_start3A_83 = arith.constant 0 : i32
        %dma_start3A_84 = tpu.memref_slice %arg8[%add3A_77, %dma_start3A_83] : memref<10000x16xf32, #tpu.memory_space<vmem_shared>> -> memref<80x16xf32, #tpu.memory_space<vmem_shared>>
        tpu.enqueue_dma source(%arg7 : memref<80x16xf32, #tpu.memory_space<vmem>>) target(%dma_start3A_84 : memref<80x16xf32, #tpu.memory_space<vmem_shared>>) target_semaphore(%run_scoped3A : memref<!tpu.dma_semaphore, #tpu.memory_space<semaphore_mem>>)
        %dma_wait3A = arith.constant 0 : i32
        %dma_wait3A_85 = tpu.memref_slice %arg8[%add3A_77, %dma_wait3A] : memref<10000x16xf32, #tpu.memory_space<vmem_shared>> -> memref<80x16xf32, #tpu.memory_space<vmem_shared>>
        %dma_wait3A_86 = arith.constant 0 : i32
        %dma_wait3A_87 = tpu.memref_slice %arg8[%add3A_77, %dma_wait3A_86] : memref<10000x16xf32, #tpu.memory_space<vmem_shared>> -> memref<80x16xf32, #tpu.memory_space<vmem_shared>>
        tpu.wait_dma2 semaphore(%run_scoped3A : memref<!tpu.dma_semaphore, #tpu.memory_space<semaphore_mem>>) src(%arg7 : memref<80x16xf32, #tpu.memory_space<vmem>>) dst(%dma_wait3A_87 : memref<80x16xf32, #tpu.memory_space<vmem_shared>>)
        tpu.yield
      }) : () -> ()
      %mul3A_78 = arith.constant 80 : i32
      %mul3A_79 = arith.muli %while3A_73, %mul3A_78 : i32
      %add3A_80 = arith.addi %mul3A_2, %mul3A_79 : i32
      "tpu.region"() ({
        %run_scoped3A = tpu.sem_alloc : memref<!tpu.dma_semaphore, #tpu.memory_space<semaphore_mem>>
        %dma_start3A = arith.constant 0 : i32
        %dma_start3A_82 = tpu.memref_slice %arg9[%add3A_80, %dma_start3A] : memref<10000x16xf32, #tpu.memory_space<vmem_shared>> -> memref<80x16xf32, #tpu.memory_space<vmem_shared>>
        %dma_start3A_83 = arith.constant 0 : i32
        %dma_start3A_84 = tpu.memref_slice %arg9[%add3A_80, %dma_start3A_83] : memref<10000x16xf32, #tpu.memory_space<vmem_shared>> -> memref<80x16xf32, #tpu.memory_space<vmem_shared>>
        tpu.enqueue_dma source(%arg7 : memref<80x16xf32, #tpu.memory_space<vmem>>) target(%dma_start3A_84 : memref<80x16xf32, #tpu.memory_space<vmem_shared>>) target_semaphore(%run_scoped3A : memref<!tpu.dma_semaphore, #tpu.memory_space<semaphore_mem>>)
        %dma_wait3A = arith.constant 0 : i32
        %dma_wait3A_85 = tpu.memref_slice %arg9[%add3A_80, %dma_wait3A] : memref<10000x16xf32, #tpu.memory_space<vmem_shared>> -> memref<80x16xf32, #tpu.memory_space<vmem_shared>>
        %dma_wait3A_86 = arith.constant 0 : i32
        %dma_wait3A_87 = tpu.memref_slice %arg9[%add3A_80, %dma_wait3A_86] : memref<10000x16xf32, #tpu.memory_space<vmem_shared>> -> memref<80x16xf32, #tpu.memory_space<vmem_shared>>
        tpu.wait_dma2 semaphore(%run_scoped3A : memref<!tpu.dma_semaphore, #tpu.memory_space<semaphore_mem>>) src(%arg7 : memref<80x16xf32, #tpu.memory_space<vmem>>) dst(%dma_wait3A_87 : memref<80x16xf32, #tpu.memory_space<vmem_shared>>)
        tpu.yield
      }) : () -> ()
      %while3A_81 = arith.constant 0 : i32
      scf.yield %while3A_81 : i32
    }
    %barrier3A = arith.constant 0 : index
    tpu.barrier barrier_id(%barrier3A)
    %mul3A_49 = arith.constant 10000 : i32
    %mul3A_50 = arith.muli %add3A, %mul3A_49 : i32
    %scan3A_51 = arith.constant 0 : i32
    %scan3A_52 = arith.constant 0 : i32
    %scan3A_53 = arith.constant 78 : i32
    %scan3A_54 = arith.addi %scan3A_52, %scan3A_53 : i32
    %scan3A_55 = arith.constant 1 : i32
    %scan3A_56 = scf.for %scan3A_73 = %scan3A_52 to %scan3A_54 step %scan3A_55 iter_args(%scan3A_74 = %scan3A_51) -> (i32)  : i32 {
      %mul3A_75 = arith.constant 128 : i32
      %mul3A_76 = arith.muli %scan3A_73, %mul3A_75 : i32
      %add3A_77 = arith.addi %mul3A_50, %mul3A_76 : i32
      "tpu.region"() ({
        %run_scoped3A = tpu.sem_alloc : memref<!tpu.dma_semaphore, #tpu.memory_space<semaphore_mem>>
        %dma_start3A = tpu.memref_slice %arg2[%add3A_77] : memref<320000xi32, #tpu.memory_space<hbm>> -> memref<128xi32, #tpu.memory_space<hbm>>
        %dma_start3A_79 = tpu.memref_slice %arg2[%add3A_77] : memref<320000xi32, #tpu.memory_space<hbm>> -> memref<128xi32, #tpu.memory_space<hbm>>
        tpu.enqueue_dma source(%dma_start3A_79 : memref<128xi32, #tpu.memory_space<hbm>>) target(%arg5 : memref<128xi32, #tpu.memory_space<vmem>>) target_semaphore(%run_scoped3A : memref<!tpu.dma_semaphore, #tpu.memory_space<semaphore_mem>>)
        %dma_wait3A = tpu.memref_slice %arg2[%add3A_77] : memref<320000xi32, #tpu.memory_space<hbm>> -> memref<128xi32, #tpu.memory_space<hbm>>
        %dma_wait3A_80 = tpu.memref_slice %arg2[%add3A_77] : memref<320000xi32, #tpu.memory_space<hbm>> -> memref<128xi32, #tpu.memory_space<hbm>>
        tpu.wait_dma2 semaphore(%run_scoped3A : memref<!tpu.dma_semaphore, #tpu.memory_space<semaphore_mem>>) src(%dma_wait3A_80 : memref<128xi32, #tpu.memory_space<hbm>>) dst(%arg5 : memref<128xi32, #tpu.memory_space<vmem>>)
        tpu.yield
      }) : () -> ()
      "tpu.region"() ({
        %run_scoped3A = tpu.sem_alloc : memref<!tpu.dma_semaphore, #tpu.memory_space<semaphore_mem>>
        %dma_start3A = arith.constant 0 : i32
        %dma_start3A_79 = arith.constant 0 : i32
        %dma_start3A_80 = tpu.memref_slice %arg8[%dma_start3A, %dma_start3A_79] : memref<10000x16xf32, #tpu.memory_space<vmem_shared>> -> memref<10000x16xf32, #tpu.memory_space<vmem_shared>>
        tpu.enqueue_indirect_dma source(%arg6 : memref<128x16xf32, #tpu.memory_space<vmem>>) target(%dma_start3A_80 : memref<10000x16xf32, #tpu.memory_space<vmem_shared>>) offsets(%arg5 : memref<128xi32, #tpu.memory_space<vmem>>) semaphore(%run_scoped3A : memref<!tpu.dma_semaphore, #tpu.memory_space<semaphore_mem>>) {add = true}
        %dma_wait3A = arith.constant 0 : i32
        %dma_wait3A_81 = arith.constant 0 : i32
        %dma_wait3A_82 = tpu.memref_slice %arg8[%dma_wait3A, %dma_wait3A_81] : memref<10000x16xf32, #tpu.memory_space<vmem_shared>> -> memref<10000x16xf32, #tpu.memory_space<vmem_shared>>
        tpu.wait_indirect_dma semaphore(%run_scoped3A : memref<!tpu.dma_semaphore, #tpu.memory_space<semaphore_mem>>) src(%arg6 : memref<128x16xf32, #tpu.memory_space<vmem>>) dst(%dma_wait3A_82 : memref<10000x16xf32, #tpu.memory_space<vmem_shared>>)
        tpu.yield
      }) : () -> ()
      "tpu.region"() ({
        %run_scoped3A = tpu.sem_alloc : memref<!tpu.dma_semaphore, #tpu.memory_space<semaphore_mem>>
        %dma_start3A = tpu.memref_slice %arg3[%add3A_77] : memref<320000xi32, #tpu.memory_space<hbm>> -> memref<128xi32, #tpu.memory_space<hbm>>
        %dma_start3A_79 = tpu.memref_slice %arg3[%add3A_77] : memref<320000xi32, #tpu.memory_space<hbm>> -> memref<128xi32, #tpu.memory_space<hbm>>
        tpu.enqueue_dma source(%dma_start3A_79 : memref<128xi32, #tpu.memory_space<hbm>>) target(%arg5 : memref<128xi32, #tpu.memory_space<vmem>>) target_semaphore(%run_scoped3A : memref<!tpu.dma_semaphore, #tpu.memory_space<semaphore_mem>>)
        %dma_wait3A = tpu.memref_slice %arg3[%add3A_77] : memref<320000xi32, #tpu.memory_space<hbm>> -> memref<128xi32, #tpu.memory_space<hbm>>
        %dma_wait3A_80 = tpu.memref_slice %arg3[%add3A_77] : memref<320000xi32, #tpu.memory_space<hbm>> -> memref<128xi32, #tpu.memory_space<hbm>>
        tpu.wait_dma2 semaphore(%run_scoped3A : memref<!tpu.dma_semaphore, #tpu.memory_space<semaphore_mem>>) src(%dma_wait3A_80 : memref<128xi32, #tpu.memory_space<hbm>>) dst(%arg5 : memref<128xi32, #tpu.memory_space<vmem>>)
        tpu.yield
      }) : () -> ()
      "tpu.region"() ({
        %run_scoped3A = tpu.sem_alloc : memref<!tpu.dma_semaphore, #tpu.memory_space<semaphore_mem>>
        %dma_start3A = arith.constant 0 : i32
        %dma_start3A_79 = arith.constant 0 : i32
        %dma_start3A_80 = tpu.memref_slice %arg9[%dma_start3A, %dma_start3A_79] : memref<10000x16xf32, #tpu.memory_space<vmem_shared>> -> memref<10000x16xf32, #tpu.memory_space<vmem_shared>>
        tpu.enqueue_indirect_dma source(%arg6 : memref<128x16xf32, #tpu.memory_space<vmem>>) target(%dma_start3A_80 : memref<10000x16xf32, #tpu.memory_space<vmem_shared>>) offsets(%arg5 : memref<128xi32, #tpu.memory_space<vmem>>) semaphore(%run_scoped3A : memref<!tpu.dma_semaphore, #tpu.memory_space<semaphore_mem>>) {add = true}
        %dma_wait3A = arith.constant 0 : i32
        %dma_wait3A_81 = arith.constant 0 : i32
        %dma_wait3A_82 = tpu.memref_slice %arg9[%dma_wait3A, %dma_wait3A_81] : memref<10000x16xf32, #tpu.memory_space<vmem_shared>> -> memref<10000x16xf32, #tpu.memory_space<vmem_shared>>
        tpu.wait_indirect_dma semaphore(%run_scoped3A : memref<!tpu.dma_semaphore, #tpu.memory_space<semaphore_mem>>) src(%arg6 : memref<128x16xf32, #tpu.memory_space<vmem>>) dst(%dma_wait3A_82 : memref<10000x16xf32, #tpu.memory_space<vmem_shared>>)
        tpu.yield
      }) : () -> ()
      %scan3A_78 = arith.constant 0 : i32
      scf.yield %scan3A_78 : i32
    }
    %scan3A_57 = arith.constant 78 : i32
    %add3A_58 = arith.constant 9984 : i32
    %add3A_59 = arith.addi %mul3A_50, %add3A_58 : i32
    "tpu.region"() ({
      %run_scoped3A = tpu.sem_alloc : memref<!tpu.dma_semaphore, #tpu.memory_space<semaphore_mem>>
      %dma_start3A = arith.constant 0 : i32
      %dma_start3A_73 = tpu.memref_slice %arg5[%dma_start3A] : memref<128xi32, #tpu.memory_space<vmem>> -> memref<16xi32, #tpu.memory_space<vmem>>
      %dma_start3A_74 = tpu.memref_slice %arg2[%add3A_59] : memref<320000xi32, #tpu.memory_space<hbm>> -> memref<16xi32, #tpu.memory_space<hbm>>
      %dma_start3A_75 = arith.constant 0 : i32
      %dma_start3A_76 = tpu.memref_slice %arg5[%dma_start3A_75] : memref<128xi32, #tpu.memory_space<vmem>> -> memref<16xi32, #tpu.memory_space<vmem>>
      %dma_start3A_77 = tpu.memref_slice %arg2[%add3A_59] : memref<320000xi32, #tpu.memory_space<hbm>> -> memref<16xi32, #tpu.memory_space<hbm>>
      tpu.enqueue_dma source(%dma_start3A_77 : memref<16xi32, #tpu.memory_space<hbm>>) target(%dma_start3A_76 : memref<16xi32, #tpu.memory_space<vmem>>) target_semaphore(%run_scoped3A : memref<!tpu.dma_semaphore, #tpu.memory_space<semaphore_mem>>)
      %dma_wait3A = arith.constant 0 : i32
      %dma_wait3A_78 = tpu.memref_slice %arg5[%dma_wait3A] : memref<128xi32, #tpu.memory_space<vmem>> -> memref<16xi32, #tpu.memory_space<vmem>>
      %dma_wait3A_79 = tpu.memref_slice %arg2[%add3A_59] : memref<320000xi32, #tpu.memory_space<hbm>> -> memref<16xi32, #tpu.memory_space<hbm>>
      %dma_wait3A_80 = arith.constant 0 : i32
      %dma_wait3A_81 = tpu.memref_slice %arg5[%dma_wait3A_80] : memref<128xi32, #tpu.memory_space<vmem>> -> memref<16xi32, #tpu.memory_space<vmem>>
      %dma_wait3A_82 = tpu.memref_slice %arg2[%add3A_59] : memref<320000xi32, #tpu.memory_space<hbm>> -> memref<16xi32, #tpu.memory_space<hbm>>
      tpu.wait_dma2 semaphore(%run_scoped3A : memref<!tpu.dma_semaphore, #tpu.memory_space<semaphore_mem>>) src(%dma_wait3A_82 : memref<16xi32, #tpu.memory_space<hbm>>) dst(%dma_wait3A_81 : memref<16xi32, #tpu.memory_space<vmem>>)
      tpu.yield
    }) : () -> ()
    "tpu.region"() ({
      %run_scoped3A = tpu.sem_alloc : memref<!tpu.dma_semaphore, #tpu.memory_space<semaphore_mem>>
      %dma_start3A = arith.constant 0 : i32
      %dma_start3A_73 = arith.constant 0 : i32
      %dma_start3A_74 = tpu.memref_slice %arg6[%dma_start3A, %dma_start3A_73] : memref<128x16xf32, #tpu.memory_space<vmem>> -> memref<16x16xf32, #tpu.memory_space<vmem>>
      %dma_start3A_75 = arith.constant 0 : i32
      %dma_start3A_76 = tpu.memref_slice %arg5[%dma_start3A_75] : memref<128xi32, #tpu.memory_space<vmem>> -> memref<16xi32, #tpu.memory_space<vmem>>
      %dma_start3A_77 = arith.constant 0 : i32
      %dma_start3A_78 = arith.constant 0 : i32
      %dma_start3A_79 = tpu.memref_slice %arg8[%dma_start3A_77, %dma_start3A_78] : memref<10000x16xf32, #tpu.memory_space<vmem_shared>> -> memref<10000x16xf32, #tpu.memory_space<vmem_shared>>
      tpu.enqueue_indirect_dma source(%dma_start3A_74 : memref<16x16xf32, #tpu.memory_space<vmem>>) target(%dma_start3A_79 : memref<10000x16xf32, #tpu.memory_space<vmem_shared>>) offsets(%dma_start3A_76 : memref<16xi32, #tpu.memory_space<vmem>>) semaphore(%run_scoped3A : memref<!tpu.dma_semaphore, #tpu.memory_space<semaphore_mem>>) {add = true}
      %dma_wait3A = arith.constant 0 : i32
      %dma_wait3A_80 = arith.constant 0 : i32
      %dma_wait3A_81 = tpu.memref_slice %arg6[%dma_wait3A, %dma_wait3A_80] : memref<128x16xf32, #tpu.memory_space<vmem>> -> memref<16x16xf32, #tpu.memory_space<vmem>>
      %dma_wait3A_82 = arith.constant 0 : i32
      %dma_wait3A_83 = tpu.memref_slice %arg5[%dma_wait3A_82] : memref<128xi32, #tpu.memory_space<vmem>> -> memref<16xi32, #tpu.memory_space<vmem>>
      %dma_wait3A_84 = arith.constant 0 : i32
      %dma_wait3A_85 = arith.constant 0 : i32
      %dma_wait3A_86 = tpu.memref_slice %arg8[%dma_wait3A_84, %dma_wait3A_85] : memref<10000x16xf32, #tpu.memory_space<vmem_shared>> -> memref<10000x16xf32, #tpu.memory_space<vmem_shared>>
      tpu.wait_indirect_dma semaphore(%run_scoped3A : memref<!tpu.dma_semaphore, #tpu.memory_space<semaphore_mem>>) src(%dma_wait3A_81 : memref<16x16xf32, #tpu.memory_space<vmem>>) dst(%dma_wait3A_86 : memref<10000x16xf32, #tpu.memory_space<vmem_shared>>)
      tpu.yield
    }) : () -> ()
    "tpu.region"() ({
      %run_scoped3A = tpu.sem_alloc : memref<!tpu.dma_semaphore, #tpu.memory_space<semaphore_mem>>
      %dma_start3A = arith.constant 0 : i32
      %dma_start3A_73 = tpu.memref_slice %arg5[%dma_start3A] : memref<128xi32, #tpu.memory_space<vmem>> -> memref<16xi32, #tpu.memory_space<vmem>>
      %dma_start3A_74 = tpu.memref_slice %arg3[%add3A_59] : memref<320000xi32, #tpu.memory_space<hbm>> -> memref<16xi32, #tpu.memory_space<hbm>>
      %dma_start3A_75 = arith.constant 0 : i32
      %dma_start3A_76 = tpu.memref_slice %arg5[%dma_start3A_75] : memref<128xi32, #tpu.memory_space<vmem>> -> memref<16xi32, #tpu.memory_space<vmem>>
      %dma_start3A_77 = tpu.memref_slice %arg3[%add3A_59] : memref<320000xi32, #tpu.memory_space<hbm>> -> memref<16xi32, #tpu.memory_space<hbm>>
      tpu.enqueue_dma source(%dma_start3A_77 : memref<16xi32, #tpu.memory_space<hbm>>) target(%dma_start3A_76 : memref<16xi32, #tpu.memory_space<vmem>>) target_semaphore(%run_scoped3A : memref<!tpu.dma_semaphore, #tpu.memory_space<semaphore_mem>>)
      %dma_wait3A = arith.constant 0 : i32
      %dma_wait3A_78 = tpu.memref_slice %arg5[%dma_wait3A] : memref<128xi32, #tpu.memory_space<vmem>> -> memref<16xi32, #tpu.memory_space<vmem>>
      %dma_wait3A_79 = tpu.memref_slice %arg3[%add3A_59] : memref<320000xi32, #tpu.memory_space<hbm>> -> memref<16xi32, #tpu.memory_space<hbm>>
      %dma_wait3A_80 = arith.constant 0 : i32
      %dma_wait3A_81 = tpu.memref_slice %arg5[%dma_wait3A_80] : memref<128xi32, #tpu.memory_space<vmem>> -> memref<16xi32, #tpu.memory_space<vmem>>
      %dma_wait3A_82 = tpu.memref_slice %arg3[%add3A_59] : memref<320000xi32, #tpu.memory_space<hbm>> -> memref<16xi32, #tpu.memory_space<hbm>>
      tpu.wait_dma2 semaphore(%run_scoped3A : memref<!tpu.dma_semaphore, #tpu.memory_space<semaphore_mem>>) src(%dma_wait3A_82 : memref<16xi32, #tpu.memory_space<hbm>>) dst(%dma_wait3A_81 : memref<16xi32, #tpu.memory_space<vmem>>)
      tpu.yield
    }) : () -> ()
    "tpu.region"() ({
      %run_scoped3A = tpu.sem_alloc : memref<!tpu.dma_semaphore, #tpu.memory_space<semaphore_mem>>
      %dma_start3A = arith.constant 0 : i32
      %dma_start3A_73 = arith.constant 0 : i32
      %dma_start3A_74 = tpu.memref_slice %arg6[%dma_start3A, %dma_start3A_73] : memref<128x16xf32, #tpu.memory_space<vmem>> -> memref<16x16xf32, #tpu.memory_space<vmem>>
      %dma_start3A_75 = arith.constant 0 : i32
      %dma_start3A_76 = tpu.memref_slice %arg5[%dma_start3A_75] : memref<128xi32, #tpu.memory_space<vmem>> -> memref<16xi32, #tpu.memory_space<vmem>>
      %dma_start3A_77 = arith.constant 0 : i32
      %dma_start3A_78 = arith.constant 0 : i32
      %dma_start3A_79 = tpu.memref_slice %arg9[%dma_start3A_77, %dma_start3A_78] : memref<10000x16xf32, #tpu.memory_space<vmem_shared>> -> memref<10000x16xf32, #tpu.memory_space<vmem_shared>>
      tpu.enqueue_indirect_dma source(%dma_start3A_74 : memref<16x16xf32, #tpu.memory_space<vmem>>) target(%dma_start3A_79 : memref<10000x16xf32, #tpu.memory_space<vmem_shared>>) offsets(%dma_start3A_76 : memref<16xi32, #tpu.memory_space<vmem>>) semaphore(%run_scoped3A : memref<!tpu.dma_semaphore, #tpu.memory_space<semaphore_mem>>) {add = true}
      %dma_wait3A = arith.constant 0 : i32
      %dma_wait3A_80 = arith.constant 0 : i32
      %dma_wait3A_81 = tpu.memref_slice %arg6[%dma_wait3A, %dma_wait3A_80] : memref<128x16xf32, #tpu.memory_space<vmem>> -> memref<16x16xf32, #tpu.memory_space<vmem>>
      %dma_wait3A_82 = arith.constant 0 : i32
      %dma_wait3A_83 = tpu.memref_slice %arg5[%dma_wait3A_82] : memref<128xi32, #tpu.memory_space<vmem>> -> memref<16xi32, #tpu.memory_space<vmem>>
      %dma_wait3A_84 = arith.constant 0 : i32
      %dma_wait3A_85 = arith.constant 0 : i32
      %dma_wait3A_86 = tpu.memref_slice %arg9[%dma_wait3A_84, %dma_wait3A_85] : memref<10000x16xf32, #tpu.memory_space<vmem_shared>> -> memref<10000x16xf32, #tpu.memory_space<vmem_shared>>
      tpu.wait_indirect_dma semaphore(%run_scoped3A : memref<!tpu.dma_semaphore, #tpu.memory_space<semaphore_mem>>) src(%dma_wait3A_81 : memref<16x16xf32, #tpu.memory_space<vmem>>) dst(%dma_wait3A_86 : memref<10000x16xf32, #tpu.memory_space<vmem_shared>>)
      tpu.yield
    }) : () -> ()
    %barrier3A_60 = arith.constant 0 : index
    tpu.barrier barrier_id(%barrier3A_60)
    %while3A_61 = arith.constant 0 : i32
    %while3A_62 = arith.constant 0 : i32
    %while3A_63 = arith.subi %select_n3A, %while3A_61 : i32
    %while3A_64 = arith.addi %while3A_61, %while3A_63 : i32
    %while3A_65 = arith.constant 1 : i32
    %while3A_66 = arith.divsi %while3A_63, %while3A_65 : i32
    %while3A_67 = arith.muli %while3A_66, %while3A_65 : i32
    %while3A_68 = arith.addi %while3A_61, %while3A_67 : i32
    %while3A_69 = arith.constant 1 : i32
    %while3A_70 = scf.for %while3A_73 = %while3A_61 to %while3A_68 step %while3A_69 iter_args(%while3A_74 = %while3A_62) -> (i32)  : i32 {
      %mul3A_75 = arith.constant 80 : i32
      %mul3A_76 = arith.muli %while3A_73, %mul3A_75 : i32
      %add3A_77 = arith.addi %mul3A_2, %mul3A_76 : i32
      "tpu.region"() ({
        %run_scoped3A_80 = tpu.sem_alloc : memref<!tpu.dma_semaphore, #tpu.memory_space<semaphore_mem>>
        %dma_start3A = arith.constant 0 : i32
        %dma_start3A_81 = tpu.memref_slice %arg8[%add3A_77, %dma_start3A] : memref<10000x16xf32, #tpu.memory_space<vmem_shared>> -> memref<80x16xf32, #tpu.memory_space<vmem_shared>>
        %dma_start3A_82 = arith.constant 0 : i32
        %dma_start3A_83 = tpu.memref_slice %arg8[%add3A_77, %dma_start3A_82] : memref<10000x16xf32, #tpu.memory_space<vmem_shared>> -> memref<80x16xf32, #tpu.memory_space<vmem_shared>>
        tpu.enqueue_dma source(%dma_start3A_83 : memref<80x16xf32, #tpu.memory_space<vmem_shared>>) target(%arg7 : memref<80x16xf32, #tpu.memory_space<vmem>>) target_semaphore(%run_scoped3A_80 : memref<!tpu.dma_semaphore, #tpu.memory_space<semaphore_mem>>)
        %dma_wait3A = arith.constant 0 : i32
        %dma_wait3A_84 = tpu.memref_slice %arg8[%add3A_77, %dma_wait3A] : memref<10000x16xf32, #tpu.memory_space<vmem_shared>> -> memref<80x16xf32, #tpu.memory_space<vmem_shared>>
        %dma_wait3A_85 = arith.constant 0 : i32
        %dma_wait3A_86 = tpu.memref_slice %arg8[%add3A_77, %dma_wait3A_85] : memref<10000x16xf32, #tpu.memory_space<vmem_shared>> -> memref<80x16xf32, #tpu.memory_space<vmem_shared>>
        tpu.wait_dma2 semaphore(%run_scoped3A_80 : memref<!tpu.dma_semaphore, #tpu.memory_space<semaphore_mem>>) src(%dma_wait3A_86 : memref<80x16xf32, #tpu.memory_space<vmem_shared>>) dst(%arg7 : memref<80x16xf32, #tpu.memory_space<vmem>>)
        tpu.yield
      }) : () -> ()
      %run_scoped3A = arith.constant 0 : i32
      "tpu.region"() ({
        %run_scoped3A_80 = tpu.sem_alloc : memref<!tpu.dma_semaphore, #tpu.memory_space<semaphore_mem>>
        %dma_start3A = arith.constant 0 : i32
        %dma_start3A_81 = tpu.memref_slice %arg4[%run_scoped3A, %arg0, %add3A_77, %dma_start3A] : memref<2x2x10000x16xf32, #tpu.memory_space<hbm>> -> memref<1x1x80x16xf32, #tpu.memory_space<hbm>>
        %dma_start3A_82 = tpu.memref_squeeze %dma_start3A_81 : memref<1x1x80x16xf32, #tpu.memory_space<hbm>> -> memref<80x16xf32, #tpu.memory_space<hbm>>
        %dma_start3A_83 = arith.constant 0 : i32
        %dma_start3A_84 = tpu.memref_slice %arg4[%run_scoped3A, %arg0, %add3A_77, %dma_start3A_83] : memref<2x2x10000x16xf32, #tpu.memory_space<hbm>> -> memref<1x1x80x16xf32, #tpu.memory_space<hbm>>
        %dma_start3A_85 = tpu.memref_squeeze %dma_start3A_84 : memref<1x1x80x16xf32, #tpu.memory_space<hbm>> -> memref<80x16xf32, #tpu.memory_space<hbm>>
        tpu.enqueue_dma source(%arg7 : memref<80x16xf32, #tpu.memory_space<vmem>>) target(%dma_start3A_85 : memref<80x16xf32, #tpu.memory_space<hbm>>) target_semaphore(%run_scoped3A_80 : memref<!tpu.dma_semaphore, #tpu.memory_space<semaphore_mem>>)
        %dma_wait3A = arith.constant 0 : i32
        %dma_wait3A_86 = tpu.memref_slice %arg4[%run_scoped3A, %arg0, %add3A_77, %dma_wait3A] : memref<2x2x10000x16xf32, #tpu.memory_space<hbm>> -> memref<1x1x80x16xf32, #tpu.memory_space<hbm>>
        %dma_wait3A_87 = tpu.memref_squeeze %dma_wait3A_86 : memref<1x1x80x16xf32, #tpu.memory_space<hbm>> -> memref<80x16xf32, #tpu.memory_space<hbm>>
        %dma_wait3A_88 = arith.constant 0 : i32
        %dma_wait3A_89 = tpu.memref_slice %arg4[%run_scoped3A, %arg0, %add3A_77, %dma_wait3A_88] : memref<2x2x10000x16xf32, #tpu.memory_space<hbm>> -> memref<1x1x80x16xf32, #tpu.memory_space<hbm>>
        %dma_wait3A_90 = tpu.memref_squeeze %dma_wait3A_89 : memref<1x1x80x16xf32, #tpu.memory_space<hbm>> -> memref<80x16xf32, #tpu.memory_space<hbm>>
        tpu.wait_dma2 semaphore(%run_scoped3A_80 : memref<!tpu.dma_semaphore, #tpu.memory_space<semaphore_mem>>) src(%arg7 : memref<80x16xf32, #tpu.memory_space<vmem>>) dst(%dma_wait3A_90 : memref<80x16xf32, #tpu.memory_space<hbm>>)
        tpu.yield
      }) : () -> ()
      "tpu.region"() ({
        %run_scoped3A_80 = tpu.sem_alloc : memref<!tpu.dma_semaphore, #tpu.memory_space<semaphore_mem>>
        %dma_start3A = arith.constant 0 : i32
        %dma_start3A_81 = tpu.memref_slice %arg9[%add3A_77, %dma_start3A] : memref<10000x16xf32, #tpu.memory_space<vmem_shared>> -> memref<80x16xf32, #tpu.memory_space<vmem_shared>>
        %dma_start3A_82 = arith.constant 0 : i32
        %dma_start3A_83 = tpu.memref_slice %arg9[%add3A_77, %dma_start3A_82] : memref<10000x16xf32, #tpu.memory_space<vmem_shared>> -> memref<80x16xf32, #tpu.memory_space<vmem_shared>>
        tpu.enqueue_dma source(%dma_start3A_83 : memref<80x16xf32, #tpu.memory_space<vmem_shared>>) target(%arg7 : memref<80x16xf32, #tpu.memory_space<vmem>>) target_semaphore(%run_scoped3A_80 : memref<!tpu.dma_semaphore, #tpu.memory_space<semaphore_mem>>)
        %dma_wait3A = arith.constant 0 : i32
        %dma_wait3A_84 = tpu.memref_slice %arg9[%add3A_77, %dma_wait3A] : memref<10000x16xf32, #tpu.memory_space<vmem_shared>> -> memref<80x16xf32, #tpu.memory_space<vmem_shared>>
        %dma_wait3A_85 = arith.constant 0 : i32
        %dma_wait3A_86 = tpu.memref_slice %arg9[%add3A_77, %dma_wait3A_85] : memref<10000x16xf32, #tpu.memory_space<vmem_shared>> -> memref<80x16xf32, #tpu.memory_space<vmem_shared>>
        tpu.wait_dma2 semaphore(%run_scoped3A_80 : memref<!tpu.dma_semaphore, #tpu.memory_space<semaphore_mem>>) src(%dma_wait3A_86 : memref<80x16xf32, #tpu.memory_space<vmem_shared>>) dst(%arg7 : memref<80x16xf32, #tpu.memory_space<vmem>>)
        tpu.yield
      }) : () -> ()
      %run_scoped3A_78 = arith.constant 1 : i32
      "tpu.region"() ({
        %run_scoped3A_80 = tpu.sem_alloc : memref<!tpu.dma_semaphore, #tpu.memory_space<semaphore_mem>>
        %dma_start3A = arith.constant 0 : i32
        %dma_start3A_81 = tpu.memref_slice %arg4[%run_scoped3A_78, %arg0, %add3A_77, %dma_start3A] : memref<2x2x10000x16xf32, #tpu.memory_space<hbm>> -> memref<1x1x80x16xf32, #tpu.memory_space<hbm>>
        %dma_start3A_82 = tpu.memref_squeeze %dma_start3A_81 : memref<1x1x80x16xf32, #tpu.memory_space<hbm>> -> memref<80x16xf32, #tpu.memory_space<hbm>>
        %dma_start3A_83 = arith.constant 0 : i32
        %dma_start3A_84 = tpu.memref_slice %arg4[%run_scoped3A_78, %arg0, %add3A_77, %dma_start3A_83] : memref<2x2x10000x16xf32, #tpu.memory_space<hbm>> -> memref<1x1x80x16xf32, #tpu.memory_space<hbm>>
        %dma_start3A_85 = tpu.memref_squeeze %dma_start3A_84 : memref<1x1x80x16xf32, #tpu.memory_space<hbm>> -> memref<80x16xf32, #tpu.memory_space<hbm>>
        tpu.enqueue_dma source(%arg7 : memref<80x16xf32, #tpu.memory_space<vmem>>) target(%dma_start3A_85 : memref<80x16xf32, #tpu.memory_space<hbm>>) target_semaphore(%run_scoped3A_80 : memref<!tpu.dma_semaphore, #tpu.memory_space<semaphore_mem>>)
        %dma_wait3A = arith.constant 0 : i32
        %dma_wait3A_86 = tpu.memref_slice %arg4[%run_scoped3A_78, %arg0, %add3A_77, %dma_wait3A] : memref<2x2x10000x16xf32, #tpu.memory_space<hbm>> -> memref<1x1x80x16xf32, #tpu.memory_space<hbm>>
        %dma_wait3A_87 = tpu.memref_squeeze %dma_wait3A_86 : memref<1x1x80x16xf32, #tpu.memory_space<hbm>> -> memref<80x16xf32, #tpu.memory_space<hbm>>
        %dma_wait3A_88 = arith.constant 0 : i32
        %dma_wait3A_89 = tpu.memref_slice %arg4[%run_scoped3A_78, %arg0, %add3A_77, %dma_wait3A_88] : memref<2x2x10000x16xf32, #tpu.memory_space<hbm>> -> memref<1x1x80x16xf32, #tpu.memory_space<hbm>>
        %dma_wait3A_90 = tpu.memref_squeeze %dma_wait3A_89 : memref<1x1x80x16xf32, #tpu.memory_space<hbm>> -> memref<80x16xf32, #tpu.memory_space<hbm>>
        tpu.wait_dma2 semaphore(%run_scoped3A_80 : memref<!tpu.dma_semaphore, #tpu.memory_space<semaphore_mem>>) src(%arg7 : memref<80x16xf32, #tpu.memory_space<vmem>>) dst(%dma_wait3A_90 : memref<80x16xf32, #tpu.memory_space<hbm>>)
        tpu.yield
      }) : () -> ()
      %while3A_79 = arith.constant 0 : i32
      scf.yield %while3A_79 : i32
    }
    %while3A_71 = arith.constant 1 : i32
    %while3A_72 = scf.for %while3A_73 = %while3A_68 to %while3A_64 step %while3A_71 iter_args(%while3A_74 = %while3A_70) -> (i32)  : i32 {
      %mul3A_75 = arith.constant 80 : i32
      %mul3A_76 = arith.muli %while3A_73, %mul3A_75 : i32
      %add3A_77 = arith.addi %mul3A_2, %mul3A_76 : i32
      "tpu.region"() ({
        %run_scoped3A_80 = tpu.sem_alloc : memref<!tpu.dma_semaphore, #tpu.memory_space<semaphore_mem>>
        %dma_start3A = arith.constant 0 : i32
        %dma_start3A_81 = tpu.memref_slice %arg8[%add3A_77, %dma_start3A] : memref<10000x16xf32, #tpu.memory_space<vmem_shared>> -> memref<80x16xf32, #tpu.memory_space<vmem_shared>>
        %dma_start3A_82 = arith.constant 0 : i32
        %dma_start3A_83 = tpu.memref_slice %arg8[%add3A_77, %dma_start3A_82] : memref<10000x16xf32, #tpu.memory_space<vmem_shared>> -> memref<80x16xf32, #tpu.memory_space<vmem_shared>>
        tpu.enqueue_dma source(%dma_start3A_83 : memref<80x16xf32, #tpu.memory_space<vmem_shared>>) target(%arg7 : memref<80x16xf32, #tpu.memory_space<vmem>>) target_semaphore(%run_scoped3A_80 : memref<!tpu.dma_semaphore, #tpu.memory_space<semaphore_mem>>)
        %dma_wait3A = arith.constant 0 : i32
        %dma_wait3A_84 = tpu.memref_slice %arg8[%add3A_77, %dma_wait3A] : memref<10000x16xf32, #tpu.memory_space<vmem_shared>> -> memref<80x16xf32, #tpu.memory_space<vmem_shared>>
        %dma_wait3A_85 = arith.constant 0 : i32
        %dma_wait3A_86 = tpu.memref_slice %arg8[%add3A_77, %dma_wait3A_85] : memref<10000x16xf32, #tpu.memory_space<vmem_shared>> -> memref<80x16xf32, #tpu.memory_space<vmem_shared>>
        tpu.wait_dma2 semaphore(%run_scoped3A_80 : memref<!tpu.dma_semaphore, #tpu.memory_space<semaphore_mem>>) src(%dma_wait3A_86 : memref<80x16xf32, #tpu.memory_space<vmem_shared>>) dst(%arg7 : memref<80x16xf32, #tpu.memory_space<vmem>>)
        tpu.yield
      }) : () -> ()
      %run_scoped3A = arith.constant 0 : i32
      "tpu.region"() ({
        %run_scoped3A_80 = tpu.sem_alloc : memref<!tpu.dma_semaphore, #tpu.memory_space<semaphore_mem>>
        %dma_start3A = arith.constant 0 : i32
        %dma_start3A_81 = tpu.memref_slice %arg4[%run_scoped3A, %arg0, %add3A_77, %dma_start3A] : memref<2x2x10000x16xf32, #tpu.memory_space<hbm>> -> memref<1x1x80x16xf32, #tpu.memory_space<hbm>>
        %dma_start3A_82 = tpu.memref_squeeze %dma_start3A_81 : memref<1x1x80x16xf32, #tpu.memory_space<hbm>> -> memref<80x16xf32, #tpu.memory_space<hbm>>
        %dma_start3A_83 = arith.constant 0 : i32
        %dma_start3A_84 = tpu.memref_slice %arg4[%run_scoped3A, %arg0, %add3A_77, %dma_start3A_83] : memref<2x2x10000x16xf32, #tpu.memory_space<hbm>> -> memref<1x1x80x16xf32, #tpu.memory_space<hbm>>
        %dma_start3A_85 = tpu.memref_squeeze %dma_start3A_84 : memref<1x1x80x16xf32, #tpu.memory_space<hbm>> -> memref<80x16xf32, #tpu.memory_space<hbm>>
        tpu.enqueue_dma source(%arg7 : memref<80x16xf32, #tpu.memory_space<vmem>>) target(%dma_start3A_85 : memref<80x16xf32, #tpu.memory_space<hbm>>) target_semaphore(%run_scoped3A_80 : memref<!tpu.dma_semaphore, #tpu.memory_space<semaphore_mem>>)
        %dma_wait3A = arith.constant 0 : i32
        %dma_wait3A_86 = tpu.memref_slice %arg4[%run_scoped3A, %arg0, %add3A_77, %dma_wait3A] : memref<2x2x10000x16xf32, #tpu.memory_space<hbm>> -> memref<1x1x80x16xf32, #tpu.memory_space<hbm>>
        %dma_wait3A_87 = tpu.memref_squeeze %dma_wait3A_86 : memref<1x1x80x16xf32, #tpu.memory_space<hbm>> -> memref<80x16xf32, #tpu.memory_space<hbm>>
        %dma_wait3A_88 = arith.constant 0 : i32
        %dma_wait3A_89 = tpu.memref_slice %arg4[%run_scoped3A, %arg0, %add3A_77, %dma_wait3A_88] : memref<2x2x10000x16xf32, #tpu.memory_space<hbm>> -> memref<1x1x80x16xf32, #tpu.memory_space<hbm>>
        %dma_wait3A_90 = tpu.memref_squeeze %dma_wait3A_89 : memref<1x1x80x16xf32, #tpu.memory_space<hbm>> -> memref<80x16xf32, #tpu.memory_space<hbm>>
        tpu.wait_dma2 semaphore(%run_scoped3A_80 : memref<!tpu.dma_semaphore, #tpu.memory_space<semaphore_mem>>) src(%arg7 : memref<80x16xf32, #tpu.memory_space<vmem>>) dst(%dma_wait3A_90 : memref<80x16xf32, #tpu.memory_space<hbm>>)
        tpu.yield
      }) : () -> ()
      "tpu.region"() ({
        %run_scoped3A_80 = tpu.sem_alloc : memref<!tpu.dma_semaphore, #tpu.memory_space<semaphore_mem>>
        %dma_start3A = arith.constant 0 : i32
        %dma_start3A_81 = tpu.memref_slice %arg9[%add3A_77, %dma_start3A] : memref<10000x16xf32, #tpu.memory_space<vmem_shared>> -> memref<80x16xf32, #tpu.memory_space<vmem_shared>>
        %dma_start3A_82 = arith.constant 0 : i32
        %dma_start3A_83 = tpu.memref_slice %arg9[%add3A_77, %dma_start3A_82] : memref<10000x16xf32, #tpu.memory_space<vmem_shared>> -> memref<80x16xf32, #tpu.memory_space<vmem_shared>>
        tpu.enqueue_dma source(%dma_start3A_83 : memref<80x16xf32, #tpu.memory_space<vmem_shared>>) target(%arg7 : memref<80x16xf32, #tpu.memory_space<vmem>>) target_semaphore(%run_scoped3A_80 : memref<!tpu.dma_semaphore, #tpu.memory_space<semaphore_mem>>)
        %dma_wait3A = arith.constant 0 : i32
        %dma_wait3A_84 = tpu.memref_slice %arg9[%add3A_77, %dma_wait3A] : memref<10000x16xf32, #tpu.memory_space<vmem_shared>> -> memref<80x16xf32, #tpu.memory_space<vmem_shared>>
        %dma_wait3A_85 = arith.constant 0 : i32
        %dma_wait3A_86 = tpu.memref_slice %arg9[%add3A_77, %dma_wait3A_85] : memref<10000x16xf32, #tpu.memory_space<vmem_shared>> -> memref<80x16xf32, #tpu.memory_space<vmem_shared>>
        tpu.wait_dma2 semaphore(%run_scoped3A_80 : memref<!tpu.dma_semaphore, #tpu.memory_space<semaphore_mem>>) src(%dma_wait3A_86 : memref<80x16xf32, #tpu.memory_space<vmem_shared>>) dst(%arg7 : memref<80x16xf32, #tpu.memory_space<vmem>>)
        tpu.yield
      }) : () -> ()
      %run_scoped3A_78 = arith.constant 1 : i32
      "tpu.region"() ({
        %run_scoped3A_80 = tpu.sem_alloc : memref<!tpu.dma_semaphore, #tpu.memory_space<semaphore_mem>>
        %dma_start3A = arith.constant 0 : i32
        %dma_start3A_81 = tpu.memref_slice %arg4[%run_scoped3A_78, %arg0, %add3A_77, %dma_start3A] : memref<2x2x10000x16xf32, #tpu.memory_space<hbm>> -> memref<1x1x80x16xf32, #tpu.memory_space<hbm>>
        %dma_start3A_82 = tpu.memref_squeeze %dma_start3A_81 : memref<1x1x80x16xf32, #tpu.memory_space<hbm>> -> memref<80x16xf32, #tpu.memory_space<hbm>>
        %dma_start3A_83 = arith.constant 0 : i32
        %dma_start3A_84 = tpu.memref_slice %arg4[%run_scoped3A_78, %arg0, %add3A_77, %dma_start3A_83] : memref<2x2x10000x16xf32, #tpu.memory_space<hbm>> -> memref<1x1x80x16xf32, #tpu.memory_space<hbm>>
        %dma_start3A_85 = tpu.memref_squeeze %dma_start3A_84 : memref<1x1x80x16xf32, #tpu.memory_space<hbm>> -> memref<80x16xf32, #tpu.memory_space<hbm>>
        tpu.enqueue_dma source(%arg7 : memref<80x16xf32, #tpu.memory_space<vmem>>) target(%dma_start3A_85 : memref<80x16xf32, #tpu.memory_space<hbm>>) target_semaphore(%run_scoped3A_80 : memref<!tpu.dma_semaphore, #tpu.memory_space<semaphore_mem>>)
        %dma_wait3A = arith.constant 0 : i32
        %dma_wait3A_86 = tpu.memref_slice %arg4[%run_scoped3A_78, %arg0, %add3A_77, %dma_wait3A] : memref<2x2x10000x16xf32, #tpu.memory_space<hbm>> -> memref<1x1x80x16xf32, #tpu.memory_space<hbm>>
        %dma_wait3A_87 = tpu.memref_squeeze %dma_wait3A_86 : memref<1x1x80x16xf32, #tpu.memory_space<hbm>> -> memref<80x16xf32, #tpu.memory_space<hbm>>
        %dma_wait3A_88 = arith.constant 0 : i32
        %dma_wait3A_89 = tpu.memref_slice %arg4[%run_scoped3A_78, %arg0, %add3A_77, %dma_wait3A_88] : memref<2x2x10000x16xf32, #tpu.memory_space<hbm>> -> memref<1x1x80x16xf32, #tpu.memory_space<hbm>>
        %dma_wait3A_90 = tpu.memref_squeeze %dma_wait3A_89 : memref<1x1x80x16xf32, #tpu.memory_space<hbm>> -> memref<80x16xf32, #tpu.memory_space<hbm>>
        tpu.wait_dma2 semaphore(%run_scoped3A_80 : memref<!tpu.dma_semaphore, #tpu.memory_space<semaphore_mem>>) src(%arg7 : memref<80x16xf32, #tpu.memory_space<vmem>>) dst(%dma_wait3A_90 : memref<80x16xf32, #tpu.memory_space<hbm>>)
        tpu.yield
      }) : () -> ()
      %while3A_79 = arith.constant 0 : i32
      scf.yield %while3A_79 : i32
    }
    return
  }
}

module attributes {stable_mosaic.version = 14 : i64} {
  func.func @_mm2_body(%arg0: i32, %arg1: memref<2x400x128xf32, #tpu.memory_space<vmem>>, %arg2: memref<128x16xf32, #tpu.memory_space<vmem>>, %arg3: memref<2x2x400x16xf32, #tpu.memory_space<vmem>>, %arg4: memref<400x16xf32, #tpu.memory_space<vmem>>) attributes {dimension_semantics = [#tpu.dimension_semantics<arbitrary>], iteration_bounds = array<i64: 25>, scalar_prefetch = 0 : i64, scratch_operands = 0 : i64, tpu.core_type = #tpu.core_type<tc>, window_params = [{transform_indices = @transform_0, window_bounds = array<i64: 2, 400, 128>}, {pipeline_mode = #tpu.pipeline_mode<synchronous>, transform_indices = @transform_1, window_bounds = array<i64: 128, 16>}, {transform_indices = @transform_2, window_bounds = array<i64: 2, 2, 400, 16>}, {transform_indices = @transform_3, window_bounds = array<i64: 400, 16>}]} {
    %get3A = arith.constant 0 : index
    %get3A_0 = arith.constant 0 : index
    %get3A_1 = arith.constant 0 : index
    %get3A_2 = arith.constant 0 : index
    %get3A_3 = vector.load %arg3[%get3A, %get3A_0, %get3A_1, %get3A_2] : memref<2x2x400x16xf32, #tpu.memory_space<vmem>>, vector<2x2x400x16xf32>
    %get3A_4 = arith.constant 0 : index
    %get3A_5 = arith.constant 0 : index
    %get3A_6 = arith.constant 0 : index
    %get3A_7 = vector.load %arg1[%get3A_4, %get3A_5, %get3A_6] : memref<2x400x128xf32, #tpu.memory_space<vmem>>, vector<1x400x128xf32>
    %get3A_8 = vector.shape_cast %get3A_7 : vector<1x400x128xf32> to vector<400x128xf32>
    %get3A_9 = arith.constant 1 : index
    %get3A_10 = arith.constant 0 : index
    %get3A_11 = arith.constant 0 : index
    %get3A_12 = vector.load %arg1[%get3A_9, %get3A_10, %get3A_11] : memref<2x400x128xf32, #tpu.memory_space<vmem>>, vector<1x400x128xf32>
    %get3A_13 = vector.shape_cast %get3A_12 : vector<1x400x128xf32> to vector<400x128xf32>
    %add3A = arith.addf %get3A_8, %get3A_13 : vector<400x128xf32>
    %slice3A = vector.extract_strided_slice %get3A_3 {offsets = [1, 0, 0, 0], sizes = [1, 1, 400, 1], strides = [1, 1, 1, 1]} : vector<2x2x400x16xf32> to vector<1x1x400x1xf32>
    %squeeze3A = vector.shape_cast %slice3A : vector<1x1x400x1xf32> to vector<400xf32>
    %slice3A_14 = vector.extract_strided_slice %get3A_3 {offsets = [1, 1, 0, 0], sizes = [1, 1, 400, 1], strides = [1, 1, 1, 1]} : vector<2x2x400x16xf32> to vector<1x1x400x1xf32>
    %squeeze3A_15 = vector.shape_cast %slice3A_14 : vector<1x1x400x1xf32> to vector<400xf32>
    %add3A_16 = arith.addf %squeeze3A, %squeeze3A_15 : vector<400xf32>
    %add3A_17 = arith.constant 1.000000e+00 : f32
    %add3A_18 = vector.broadcast %add3A_17 : f32 to vector<400xf32>
    %add3A_19 = arith.addf %add3A_16, %add3A_18 : vector<400xf32>
    %rsqrt3A = math.rsqrt %add3A_19 : vector<400xf32>
    %broadcast_in_dim3A = vector.shape_cast %rsqrt3A : vector<400xf32> to vector<400x1xf32>
    %mul3A = vector.broadcast %broadcast_in_dim3A : vector<400x1xf32> to vector<400x128xf32>
    %mul3A_20 = arith.mulf %add3A, %mul3A : vector<400x128xf32>
    %max3A = arith.constant 0.000000e+00 : f32
    %max3A_21 = vector.broadcast %max3A : f32 to vector<400x128xf32>
    %max3A_22 = arith.maximumf %mul3A_20, %max3A_21 : vector<400x128xf32>
    %get3A_23 = arith.constant 0 : index
    %get3A_24 = arith.constant 0 : index
    %get3A_25 = vector.load %arg2[%get3A_23, %get3A_24] : memref<128x16xf32, #tpu.memory_space<vmem>>, vector<128x16xf32>
    %dot_general3A = arith.constant dense<0.000000e+00> : vector<400x16xf32>
    %dot_general3A_26 = tpu.matmul %max3A_22, %get3A_25, %dot_general3A {dimension_numbers = #tpu.dot_dimension_numbers<[1], [0], [0], [1], [0, 0, 1, 1], [], []>, transpose_lhs_hint = false} : vector<400x128xf32>, vector<128x16xf32>, vector<400x16xf32> -> vector<400x16xf32>
    %slice3A_27 = vector.extract_strided_slice %get3A_3 {offsets = [0, 0, 0, 0], sizes = [1, 1, 400, 1], strides = [1, 1, 1, 1]} : vector<2x2x400x16xf32> to vector<1x1x400x1xf32>
    %squeeze3A_28 = vector.shape_cast %slice3A_27 : vector<1x1x400x1xf32> to vector<400xf32>
    %slice3A_29 = vector.extract_strided_slice %get3A_3 {offsets = [0, 1, 0, 0], sizes = [1, 1, 400, 1], strides = [1, 1, 1, 1]} : vector<2x2x400x16xf32> to vector<1x1x400x1xf32>
    %squeeze3A_30 = vector.shape_cast %slice3A_29 : vector<1x1x400x1xf32> to vector<400xf32>
    %add3A_31 = arith.addf %squeeze3A_28, %squeeze3A_30 : vector<400xf32>
    %add3A_32 = arith.constant 1.000000e+00 : f32
    %add3A_33 = vector.broadcast %add3A_32 : f32 to vector<400xf32>
    %add3A_34 = arith.addf %add3A_31, %add3A_33 : vector<400xf32>
    %rsqrt3A_35 = math.rsqrt %add3A_34 : vector<400xf32>
    %broadcast_in_dim3A_36 = vector.shape_cast %rsqrt3A_35 : vector<400xf32> to vector<400x1xf32>
    %mul3A_37 = vector.broadcast %broadcast_in_dim3A_36 : vector<400x1xf32> to vector<400x16xf32>
    %mul3A_38 = arith.mulf %dot_general3A_26, %mul3A_37 : vector<400x16xf32>
    %swap3A = arith.constant 0 : index
    %swap3A_39 = arith.constant 0 : index
    %swap3A_40 = vector.load %arg4[%swap3A, %swap3A_39] : memref<400x16xf32, #tpu.memory_space<vmem>>, vector<400x16xf32>
    tpu.vector_store %arg4[%swap3A, %swap3A_39], %mul3A_38 {strides = array<i32>} : memref<400x16xf32, #tpu.memory_space<vmem>>, vector<400x16xf32>,
    return
  }
  func.func @transform_0(%arg0: i32) -> (i32, i32, i32) {
    %c0_i32 = arith.constant 0 : i32
    %c0_i32_0 = arith.constant 0 : i32
    %c0_i32_1 = arith.constant 0 : i32
    return %c0_i32, %arg0, %c0_i32_0 : i32, i32, i32
  }
  func.func @transform_1(%arg0: i32) -> (i32, i32) {
    %c0_i32 = arith.constant 0 : i32
    %c0_i32_0 = arith.constant 0 : i32
    %c0_i32_1 = arith.constant 0 : i32
    return %c0_i32, %c0_i32_0 : i32, i32
  }
  func.func @transform_2(%arg0: i32) -> (i32, i32, i32, i32) {
    %c0_i32 = arith.constant 0 : i32
    %c0_i32_0 = arith.constant 0 : i32
    %c0_i32_1 = arith.constant 0 : i32
    %c0_i32_2 = arith.constant 0 : i32
    return %c0_i32, %c0_i32_0, %arg0, %c0_i32_1 : i32, i32, i32, i32
  }
  func.func @transform_3(%arg0: i32) -> (i32, i32) {
    %c0_i32 = arith.constant 0 : i32
    %c0_i32_0 = arith.constant 0 : i32
    return %arg0, %c0_i32 : i32, i32
  }
}

module attributes {stable_mosaic.version = 14 : i64} {
  func.func @_mm1_body(%arg0: i32, %arg1: memref<400x128xf32, #tpu.memory_space<vmem>>, %arg2: memref<128x128xf32, #tpu.memory_space<vmem>>, %arg3: memref<2x2x400x16xf32, #tpu.memory_space<vmem>>, %arg4: memref<400x128xf32, #tpu.memory_space<vmem>>) attributes {dimension_semantics = [#tpu.dimension_semantics<arbitrary>], iteration_bounds = array<i64: 25>, scalar_prefetch = 0 : i64, scratch_operands = 0 : i64, tpu.core_type = #tpu.core_type<tc>, window_params = [{transform_indices = @transform_0, window_bounds = array<i64: 400, 128>}, {pipeline_mode = #tpu.pipeline_mode<synchronous>, transform_indices = @transform_1, window_bounds = array<i64: 128, 128>}, {transform_indices = @transform_2, window_bounds = array<i64: 2, 2, 400, 16>}, {transform_indices = @transform_3, window_bounds = array<i64: 400, 128>}]} {
    %get3A = arith.constant 0 : index
    %get3A_0 = arith.constant 0 : index
    %get3A_1 = arith.constant 0 : index
    %get3A_2 = arith.constant 0 : index
    %get3A_3 = vector.load %arg3[%get3A, %get3A_0, %get3A_1, %get3A_2] : memref<2x2x400x16xf32, #tpu.memory_space<vmem>>, vector<2x2x400x16xf32>
    %slice3A = vector.extract_strided_slice %get3A_3 {offsets = [0, 0, 0, 0], sizes = [1, 1, 400, 1], strides = [1, 1, 1, 1]} : vector<2x2x400x16xf32> to vector<1x1x400x1xf32>
    %squeeze3A = vector.shape_cast %slice3A : vector<1x1x400x1xf32> to vector<400xf32>
    %slice3A_4 = vector.extract_strided_slice %get3A_3 {offsets = [0, 1, 0, 0], sizes = [1, 1, 400, 1], strides = [1, 1, 1, 1]} : vector<2x2x400x16xf32> to vector<1x1x400x1xf32>
    %squeeze3A_5 = vector.shape_cast %slice3A_4 : vector<1x1x400x1xf32> to vector<400xf32>
    %add3A = arith.addf %squeeze3A, %squeeze3A_5 : vector<400xf32>
    %add3A_6 = arith.constant 1.000000e+00 : f32
    %add3A_7 = vector.broadcast %add3A_6 : f32 to vector<400xf32>
    %add3A_8 = arith.addf %add3A, %add3A_7 : vector<400xf32>
    %rsqrt3A = math.rsqrt %add3A_8 : vector<400xf32>
    %get3A_9 = arith.constant 0 : index
    %get3A_10 = arith.constant 0 : index
    %get3A_11 = vector.load %arg1[%get3A_9, %get3A_10] : memref<400x128xf32, #tpu.memory_space<vmem>>, vector<400x128xf32>
    %get3A_12 = arith.constant 0 : index
    %get3A_13 = arith.constant 0 : index
    %get3A_14 = vector.load %arg2[%get3A_12, %get3A_13] : memref<128x128xf32, #tpu.memory_space<vmem>>, vector<128x128xf32>
    %dot_general3A = arith.constant dense<0.000000e+00> : vector<400x128xf32>
    %dot_general3A_15 = tpu.matmul %get3A_11, %get3A_14, %dot_general3A {dimension_numbers = #tpu.dot_dimension_numbers<[1], [0], [0], [1], [0, 0, 1, 1], [], []>, transpose_lhs_hint = false} : vector<400x128xf32>, vector<128x128xf32>, vector<400x128xf32> -> vector<400x128xf32>
    %broadcast_in_dim3A = vector.shape_cast %rsqrt3A : vector<400xf32> to vector<400x1xf32>
    %mul3A = vector.broadcast %broadcast_in_dim3A : vector<400x1xf32> to vector<400x128xf32>
    %mul3A_16 = arith.mulf %dot_general3A_15, %mul3A : vector<400x128xf32>
    %swap3A = arith.constant 0 : index
    %swap3A_17 = arith.constant 0 : index
    %swap3A_18 = vector.load %arg4[%swap3A, %swap3A_17] : memref<400x128xf32, #tpu.memory_space<vmem>>, vector<400x128xf32>
    tpu.vector_store %arg4[%swap3A, %swap3A_17], %mul3A_16 {strides = array<i32>} : memref<400x128xf32, #tpu.memory_space<vmem>>, vector<400x128xf32>,
    return
  }
  func.func @transform_0(%arg0: i32) -> (i32, i32) {
    %c0_i32 = arith.constant 0 : i32
    %c0_i32_0 = arith.constant 0 : i32
    return %arg0, %c0_i32 : i32, i32
  }
  func.func @transform_1(%arg0: i32) -> (i32, i32) {
    %c0_i32 = arith.constant 0 : i32
    %c0_i32_0 = arith.constant 0 : i32
    %c0_i32_1 = arith.constant 0 : i32
    return %c0_i32, %c0_i32_0 : i32, i32
  }
  func.func @transform_2(%arg0: i32) -> (i32, i32, i32, i32) {
    %c0_i32 = arith.constant 0 : i32
    %c0_i32_0 = arith.constant 0 : i32
    %c0_i32_1 = arith.constant 0 : i32
    %c0_i32_2 = arith.constant 0 : i32
    return %c0_i32, %c0_i32_0, %arg0, %c0_i32_1 : i32, i32, i32, i32
  }
  func.func @transform_3(%arg0: i32) -> (i32, i32) {
    %c0_i32 = arith.constant 0 : i32
    %c0_i32_0 = arith.constant 0 : i32
    return %arg0, %c0_i32 : i32, i32
  }
}

module attributes {stable_mosaic.version = 14 : i64} {
  func.func @_decode_body(%arg0: i32, %arg1: i32, %arg2: memref<2x400x16xf32, #tpu.memory_space<vmem>>, %arg3: memref<2x2x400x16xf32, #tpu.memory_space<vmem>>, %arg4: memref<2x2048x16xf32, #tpu.memory_space<vmem>>, %arg5: memref<2x2x2048x16xf32, #tpu.memory_space<vmem>>, %arg6: memref<400x2048xf32, #tpu.memory_space<vmem>>) attributes {dimension_semantics = [#tpu.dimension_semantics<arbitrary>, #tpu.dimension_semantics<arbitrary>], iteration_bounds = array<i64: 25, 5>, scalar_prefetch = 0 : i64, scratch_operands = 0 : i64, tpu.core_type = #tpu.core_type<tc>, window_params = [{transform_indices = @transform_0, window_bounds = array<i64: 2, 400, 16>}, {transform_indices = @transform_1, window_bounds = array<i64: 2, 2, 400, 16>}, {transform_indices = @transform_2, window_bounds = array<i64: 2, 2048, 16>}, {transform_indices = @transform_3, window_bounds = array<i64: 2, 2, 2048, 16>}, {transform_indices = @transform_4, window_bounds = array<i64: 400, 2048>}]} {
    %get3A = arith.constant 0 : index
    %get3A_0 = arith.constant 0 : index
    %get3A_1 = arith.constant 0 : index
    %get3A_2 = vector.load %arg2[%get3A, %get3A_0, %get3A_1] : memref<2x400x16xf32, #tpu.memory_space<vmem>>, vector<1x400x16xf32>
    %get3A_3 = vector.shape_cast %get3A_2 : vector<1x400x16xf32> to vector<400x16xf32>
    %get3A_4 = arith.constant 1 : index
    %get3A_5 = arith.constant 0 : index
    %get3A_6 = arith.constant 0 : index
    %get3A_7 = vector.load %arg2[%get3A_4, %get3A_5, %get3A_6] : memref<2x400x16xf32, #tpu.memory_space<vmem>>, vector<1x400x16xf32>
    %get3A_8 = vector.shape_cast %get3A_7 : vector<1x400x16xf32> to vector<400x16xf32>
    %add3A = arith.addf %get3A_3, %get3A_8 : vector<400x16xf32>
    %get3A_9 = arith.constant 0 : index
    %get3A_10 = arith.constant 0 : index
    %get3A_11 = arith.constant 0 : index
    %get3A_12 = arith.constant 0 : index
    %get3A_13 = vector.load %arg3[%get3A_9, %get3A_10, %get3A_11, %get3A_12] : memref<2x2x400x16xf32, #tpu.memory_space<vmem>>, vector<2x2x400x16xf32>
    %slice3A = vector.extract_strided_slice %get3A_13 {offsets = [1, 0, 0, 0], sizes = [1, 1, 400, 1], strides = [1, 1, 1, 1]} : vector<2x2x400x16xf32> to vector<1x1x400x1xf32>
    %squeeze3A = vector.shape_cast %slice3A : vector<1x1x400x1xf32> to vector<400xf32>
    %slice3A_14 = vector.extract_strided_slice %get3A_13 {offsets = [1, 1, 0, 0], sizes = [1, 1, 400, 1], strides = [1, 1, 1, 1]} : vector<2x2x400x16xf32> to vector<1x1x400x1xf32>
    %squeeze3A_15 = vector.shape_cast %slice3A_14 : vector<1x1x400x1xf32> to vector<400xf32>
    %add3A_16 = arith.addf %squeeze3A, %squeeze3A_15 : vector<400xf32>
    %add3A_17 = arith.constant 1.000000e+00 : f32
    %add3A_18 = vector.broadcast %add3A_17 : f32 to vector<400xf32>
    %add3A_19 = arith.addf %add3A_16, %add3A_18 : vector<400xf32>
    %rsqrt3A = math.rsqrt %add3A_19 : vector<400xf32>
    %broadcast_in_dim3A = vector.shape_cast %rsqrt3A : vector<400xf32> to vector<400x1xf32>
    %mul3A = vector.broadcast %broadcast_in_dim3A : vector<400x1xf32> to vector<400x16xf32>
    %mul3A_20 = arith.mulf %add3A, %mul3A : vector<400x16xf32>
    %get3A_21 = arith.constant 0 : index
    %get3A_22 = arith.constant 0 : index
    %get3A_23 = arith.constant 0 : index
    %get3A_24 = vector.load %arg4[%get3A_21, %get3A_22, %get3A_23] : memref<2x2048x16xf32, #tpu.memory_space<vmem>>, vector<1x2048x16xf32>
    %get3A_25 = vector.shape_cast %get3A_24 : vector<1x2048x16xf32> to vector<2048x16xf32>
    %get3A_26 = arith.constant 1 : index
    %get3A_27 = arith.constant 0 : index
    %get3A_28 = arith.constant 0 : index
    %get3A_29 = vector.load %arg4[%get3A_26, %get3A_27, %get3A_28] : memref<2x2048x16xf32, #tpu.memory_space<vmem>>, vector<1x2048x16xf32>
    %get3A_30 = vector.shape_cast %get3A_29 : vector<1x2048x16xf32> to vector<2048x16xf32>
    %add3A_31 = arith.addf %get3A_25, %get3A_30 : vector<2048x16xf32>
    %get3A_32 = arith.constant 0 : index
    %get3A_33 = arith.constant 0 : index
    %get3A_34 = arith.constant 0 : index
    %get3A_35 = arith.constant 0 : index
    %get3A_36 = vector.load %arg5[%get3A_32, %get3A_33, %get3A_34, %get3A_35] : memref<2x2x2048x16xf32, #tpu.memory_space<vmem>>, vector<2x2x2048x16xf32>
    %slice3A_37 = vector.extract_strided_slice %get3A_36 {offsets = [1, 0, 0, 0], sizes = [1, 1, 2048, 1], strides = [1, 1, 1, 1]} : vector<2x2x2048x16xf32> to vector<1x1x2048x1xf32>
    %squeeze3A_38 = vector.shape_cast %slice3A_37 : vector<1x1x2048x1xf32> to vector<2048xf32>
    %slice3A_39 = vector.extract_strided_slice %get3A_36 {offsets = [1, 1, 0, 0], sizes = [1, 1, 2048, 1], strides = [1, 1, 1, 1]} : vector<2x2x2048x16xf32> to vector<1x1x2048x1xf32>
    %squeeze3A_40 = vector.shape_cast %slice3A_39 : vector<1x1x2048x1xf32> to vector<2048xf32>
    %add3A_41 = arith.addf %squeeze3A_38, %squeeze3A_40 : vector<2048xf32>
    %add3A_42 = arith.constant 1.000000e+00 : f32
    %add3A_43 = vector.broadcast %add3A_42 : f32 to vector<2048xf32>
    %add3A_44 = arith.addf %add3A_41, %add3A_43 : vector<2048xf32>
    %rsqrt3A_45 = math.rsqrt %add3A_44 : vector<2048xf32>
    %broadcast_in_dim3A_46 = vector.shape_cast %rsqrt3A_45 : vector<2048xf32> to vector<2048x1xf32>
    %mul3A_47 = vector.broadcast %broadcast_in_dim3A_46 : vector<2048x1xf32> to vector<2048x16xf32>
    %mul3A_48 = arith.mulf %add3A_31, %mul3A_47 : vector<2048x16xf32>
    %dot_general3A = arith.constant dense<0.000000e+00> : vector<400x2048xf32>
    %dot_general3A_49 = tpu.matmul %mul3A_20, %mul3A_48, %dot_general3A {dimension_numbers = #tpu.dot_dimension_numbers<[1], [1], [0], [0], [0, 0, 1, 0], [], []>, transpose_lhs_hint = false} : vector<400x16xf32>, vector<2048x16xf32>, vector<400x2048xf32> -> vector<400x2048xf32>
    %neg3A = arith.constant 0.000000e+00 : f32
    %neg3A_50 = vector.broadcast %neg3A : f32 to vector<400x2048xf32>
    %neg3A_51 = arith.subf %neg3A_50, %dot_general3A_49 : vector<400x2048xf32>
    %exp3A = math.exp %neg3A_51 : vector<400x2048xf32>
    %add3A_52 = arith.constant 1.000000e+00 : f32
    %add3A_53 = vector.broadcast %add3A_52 : f32 to vector<400x2048xf32>
    %add3A_54 = arith.addf %add3A_53, %exp3A : vector<400x2048xf32>
    %div3A = arith.constant 1.000000e+00 : f32
    %div3A_55 = vector.broadcast %div3A : f32 to vector<400x2048xf32>
    %div3A_56 = arith.divf %div3A_55, %add3A_54 : vector<400x2048xf32>
    %swap3A = arith.constant 0 : index
    %swap3A_57 = arith.constant 0 : index
    %swap3A_58 = vector.load %arg6[%swap3A, %swap3A_57] : memref<400x2048xf32, #tpu.memory_space<vmem>>, vector<400x2048xf32>
    tpu.vector_store %arg6[%swap3A, %swap3A_57], %div3A_56 {strides = array<i32>} : memref<400x2048xf32, #tpu.memory_space<vmem>>, vector<400x2048xf32>,
    return
  }
  func.func @transform_0(%arg0: i32, %arg1: i32) -> (i32, i32, i32) {
    %c0_i32 = arith.constant 0 : i32
    %c0_i32_0 = arith.constant 0 : i32
    %c0_i32_1 = arith.constant 0 : i32
    return %c0_i32, %arg0, %c0_i32_0 : i32, i32, i32
  }
  func.func @transform_1(%arg0: i32, %arg1: i32) -> (i32, i32, i32, i32) {
    %c0_i32 = arith.constant 0 : i32
    %c0_i32_0 = arith.constant 0 : i32
    %c0_i32_1 = arith.constant 0 : i32
    %c0_i32_2 = arith.constant 0 : i32
    return %c0_i32, %c0_i32_0, %arg0, %c0_i32_1 : i32, i32, i32, i32
  }
  func.func @transform_2(%arg0: i32, %arg1: i32) -> (i32, i32, i32) {
    %c0_i32 = arith.constant 0 : i32
    %c0_i32_0 = arith.constant 0 : i32
    %c0_i32_1 = arith.constant 0 : i32
    return %c0_i32, %arg1, %c0_i32_0 : i32, i32, i32
  }
  func.func @transform_3(%arg0: i32, %arg1: i32) -> (i32, i32, i32, i32) {
    %c0_i32 = arith.constant 0 : i32
    %c0_i32_0 = arith.constant 0 : i32
    %c0_i32_1 = arith.constant 0 : i32
    %c0_i32_2 = arith.constant 0 : i32
    return %c0_i32, %c0_i32_0, %arg1, %c0_i32_1 : i32, i32, i32, i32
  }
  func.func @transform_4(%arg0: i32, %arg1: i32) -> (i32, i32) {
    %c0_i32 = arith.constant 0 : i32
    return %arg0, %arg1 : i32, i32
  }
}

</mosaic_0001>

<sc_bundles>
// kernel: kernel.11.cloned.1.call-start
scs
__scs_entry_jumppad:
0x0: {  	(pc) =	sbr.rel $0x88, $3  }
0x1: {  	(tag) =	ssettag $0x0;
	lr =	simm.s32 $0x1  }
0x2: {  	[smem:$0x3F9D] =	sst lr;
	_ =	strace $0xD0000000  }
0x3: {  	_ = 	snop  }
0x4: {  	_ = 	snop  }
0x5: {  	_ = 	snop  }
0x6: {  	_ = 	snop  }
0x7: {  	_ = 	snop  }
__scs_overlays_trampoline_lowered:
0x8: {  	[smem:$0x3FAC] =	sst s0  }
0x9: {  	[smem:$0x3FAD] =	sst s1  }
0xa: {  	[smem:$0x3FAE] =	sst s2  }
0xb: {  	[smem:$0x3FAF] =	sst s3  }
0xc: {  	[smem:$0x3FB0] =	sst s4  }
0xd: {  	[smem:$0x3FB1] =	sst s5  }
0xe: {  	[smem:$0x3FB2] =	sst s6  }
0xf: {  	[smem:$0x3FB3] =	sst s7  }
0x10: {  	[smem:$0x3FB4] =	sst s8  }
0x11: {  	[smem:$0x3FB5] =	sst s9;
	s0 =	simm.s32 @!p0 $0x0  }
0x12: {  	s1 =	sld [smem:$0x3F9B];
	s0 =	simm.s32 @p0 $0x1  }
0x13: {  	[smem:$0x3FB6] =	sst s0;
	s0 =	simm.s32 @!p1 $0x0  }
0x14: {  	s2 =	sld [smem:$0x3F9A];
	s0 =	simm.s32 @p1 $0x1  }
0x15: {  	[smem:$0x3FB7] =	sst s0;
	s0 =	simm.s32 @!p2 $0x0  }
0x16: {  	s3 =	sld [smem:$0x3FDB];
	s0 =	simm.s32 @p2 $0x1  }
0x17: {  	s4 =	simm.s32 $0x1BF5;
	[smem:$0x3FB9] =	sst s0  }
0x18: {  	s0 =	sld [smem:$0x3F9C];
	_ =	swait.ge [sflag:s4], $0x0  }
0x19: {  	s7 =	sld [smem:$0x3F9D]  }
0x1a: {  	s8 =	sadd.s32 $0xFFFFE003, lr  }
0x1b: {  	s9 =	sadd.s32 $0xFFFFFEF7, lr;
	s5 =	simm.s32 $0xFFFFFFFF;
	p2 =	slt.u32 s8, $0xFFFFF086  }
0x1c: {  	p1 =	slt.u32 s9, $0xF7A;
	s5 =	simm.s32 @!p2 $0x0  }
0x1d: {  	s5 =	simm.s32 @p1 $0x1;
	p0 =	seq.s32 s7, s2  }
0x1e: {  	s7 =	smul.u32 @!p0 $0xF7A, s2;
	p2 =	seq.s32 @!p0 s5, $0x0  }
0x1f: {  	s9 =	smul.u32 $0xF7A, s1;
	s8 =	simm.s32 @!p0 $0x1BF5;
	p2 =	por !p2, p0  }
0x20: {  	[sflag:s8] =	ssyncset.s32 @!p0 $0xFFFFF086;
	s6 =	sadd.s32 @!p0 s3, s7;
	s7 =	simm.s32 @!p0 $0x108  }
0x21: {  	s3 =	sadd.s32 s3, s9;
	s6 =	sadd.s32 @!p0 $0x88, s6;
	s7 =	simm.s32 @p2 $0x1082  }
0x22: {  	[simem:s7], [sflag:s8] =	dma.local @!p0 [hbm:s6], $0xF7A  }
0x23: {  	s9 =	sor.u32 $0xD0000000, s2;
	s6 =	simm.s32 $0x108;
	_ =	swait.ge @!p0 [sflag:s8], $0x0  }
0x24: {  	s3 =	sadd.s32 $0x88, s3;
	s6 =	simm.s32 @!p1 $0x1082;
	[sflag:s4] =	ssyncset.s32 $0xFFFFF086  }
0x25: {  	[simem:s6], [sflag:s4] =	dma.local [hbm:s3], $0xF7A  }
0x26: {  	[smem:$0x3F9D] =	sst s1;
	(tag) =	ssettag s2;
	_ =	strace s9  }
0x27: {  	s1 =	sld [smem:$0x3FAD]  }
0x28: {  	s2 =	sld [smem:$0x3FAE]  }
0x29: {  	s4 =	sld [smem:$0x3FB0]  }
0x2a: {  	p0 =	seq.s32 s5, $0x0;
	s5 =	sld [smem:$0x3FB1]  }
0x2b: {  	s6 =	sld [smem:$0x3FB2]  }
0x2c: {  	s7 =	sld [smem:$0x3FB3]  }
0x2d: {  	s3 =	simm.s32 $0x108;
	s8 =	sld [smem:$0x3FB4]  }
0x2e: {  	s3 =	simm.s32 @!p0 $0x1082;
	s9 =	sld [smem:$0x3FB5]  }
0x2f: {  	lr =	sadd.s32 s0, s3;
	s0 =	sld [smem:$0x3FAC]  }
0x30: {  	s3 =	sld [smem:$0x3FAF]  }
0x31: {  	[smem:$0x3FB8] =	sst s10  }
0x32: {  	s10 =	sld [smem:$0x3FB6];
	_ =	sdelay $0x3  }
0x33: {  	p0 =	seq.s32 s10, $0x1;
	s10 =	sld [smem:$0x3FB8];
	_ =	sdelay $0x3  }
0x34: {  	[smem:$0x3FB8] =	sst s10  }
0x35: {  	s10 =	sld [smem:$0x3FB7];
	_ =	sdelay $0x3  }
0x36: {  	p1 =	seq.s32 s10, $0x1;
	s10 =	sld [smem:$0x3FB8];
	_ =	sdelay $0x3  }
0x37: {  	[smem:$0x3FB8] =	sst s10  }
0x38: {  	s10 =	sld [smem:$0x3FB9]  }
0x39: {  	_ = 	snop;
	(pc) =	sbr.ind lr, $3  }
0x3a: {  	_ = 	snop  }
0x3b: {  	_ = 	snop  }
0x3c: {  	p2 =	seq.s32 s10, $0x1;
	s10 =	sld [smem:$0x3FB8]  }
0x3d: {  	_ =	shalt  }
0x3e: {  	_ =	shalt  }
0x3f: {  	_ =	shalt  }
0x40: {  	_ =	shalt  }
0x41: {  	_ =	shalt  }
0x42: {  	_ =	shalt  }
0x43: {  	_ =	shalt  }
0x44: {  	_ =	shalt  }
0x45: {  	_ =	shalt  }
0x46: {  	_ =	shalt  }
0x47: {  	_ =	shalt  }
0x48: {  	_ =	shalt  }
0x49: {  	_ =	shalt  }
0x4a: {  	_ =	shalt  }
0x4b: {  	_ =	shalt  }
0x4c: {  	_ =	shalt  }
0x4d: {  	_ =	shalt  }
0x4e: {  	_ =	shalt  }
0x4f: {  	_ =	shalt  }
0x50: {  	_ =	shalt  }
0x51: {  	_ =	shalt  }
0x52: {  	_ =	shalt  }
0x53: {  	_ =	shalt  }
0x54: {  	_ =	shalt  }
0x55: {  	_ =	shalt  }
0x56: {  	_ =	shalt  }
0x57: {  	_ =	shalt  }
0x58: {  	_ =	shalt  }
0x59: {  	_ =	shalt  }
0x5a: {  	_ =	shalt  }
0x5b: {  	_ =	shalt  }
0x5c: {  	_ =	shalt  }
0x5d: {  	_ =	shalt  }
0x5e: {  	_ =	shalt  }
0x5f: {  	_ =	shalt  }
0x60: {  	_ =	shalt  }
0x61: {  	_ =	shalt  }
0x62: {  	_ =	shalt  }
0x63: {  	_ =	shalt  }
0x64: {  	_ =	shalt  }
0x65: {  	_ =	shalt  }
0x66: {  	_ =	shalt  }
0x67: {  	_ =	shalt  }
0x68: {  	_ =	shalt  }
0x69: {  	_ =	shalt  }
0x6a: {  	_ =	shalt  }
0x6b: {  	_ =	shalt  }
0x6c: {  	_ =	shalt  }
0x6d: {  	_ =	shalt  }
0x6e: {  	_ =	shalt  }
0x6f: {  	_ =	shalt  }
0x70: {  	_ =	shalt  }
0x71: {  	_ =	shalt  }
0x72: {  	_ =	shalt  }
0x73: {  	_ =	shalt  }
0x74: {  	_ =	shalt  }
0x75: {  	_ =	shalt  }
0x76: {  	_ =	shalt  }
0x77: {  	_ =	shalt  }
0x78: {  	_ =	shalt  }
0x79: {  	_ =	shalt  }
0x7a: {  	_ =	shalt  }
0x7b: {  	_ =	shalt  }
0x7c: {  	_ =	shalt  }
0x7d: {  	_ =	shalt  }
0x7e: {  	_ =	shalt  }
0x7f: {  	_ =	shalt  }
0x80: {  	_ =	shalt  }
0x81: {  	_ =	shalt  }
0x82: {  	_ =	shalt  }
0x83: {  	_ =	shalt  }
0x84: {  	_ =	shalt  }
0x85: {  	_ =	shalt  }
0x86: {  	_ =	shalt  }
0x87: {  	_ =	shalt  }
.Lfunc_end0:
.L_simem_size_0:
called_computation.1_lowered:
.L_overlay_start_0:
0x88: {  	s2 =	sld [smem:$0x3FD9]  }
0x89: {  	s3 =	sld [smem:$0x3FFE];
	_ =	sdelay $0x1  }
0x8a: {  	s1 =	srdreg.scid  }
0x8b: {  	s0 =	sand.u32 $0x1, s1  }
0x8c: {  	s17 =	sshll.u32 s0, $0xA;
	s2 =	sadd.s32 s3, s2  }
0x8d: {  	s2 =	sadd.s32 s2, s17  }
0x8e: {  	[smem:$0x3FC4] =	sst s2  }
0x8f: {  	_ = 	snop  }
0x90: {  	s2 =	sld [smem:$0x3FD0];
	(tm) =	ssettm $0x1  }
0x91: {  	s18 =	sld [smem:$0x3FFB];
	_ =	sdelay $0x3  }
0x92: {  	_ =	strace s18  }
0x93: {  	s3 =	sld [smem:$0x3FFC];
	_ =	sdelay $0x3  }
0x94: {  	_ =	strace s3  }
0x95: {  	s3 =	sld [smem:$0x3FFD];
	_ =	sdelay $0x3  }
0x96: {  	_ =	strace s3  }
0x97: {  	_ =	strace $0x8FFFFFFF  }
0x98: {  	s19 =	sld [smem:$0x3FDB];
	_ =	sdelay $0x1  }
0x99: {  	s4 =	simm.s32 $_scs_section_size  }
0x9a: {  	s5 =	simm.s32 $_size__tile_overlayer_lowered;
	s6 =	simm.s32 $_tile_overlayer_lowered  }
0x9b: {  	s22 =	simm.s32 $0x1BFF;
	s21 =	sshll.u32 s6, $0x1;
	s3 =	sadd.s32 s4, s19  }
0x9c: {  	s7 =	simm.s32 $0x0;
	s20 =	sshll.u32 s5, $0x1;
	s5 =	sadd.s32 s21, s3  }
0x9d: {  	[timem:s7], [sflag:s22] =	dma.local [hbm:s5], s20  }
0x9e: {  	_ =	swait.ge [sflag:s22], s20  }
0x9f: {  	s4 =	ssub.s32 $0x0, s20;
	[sflag:s22] =	ssyncset.done $0x0  }
0xa0: {  	[sflag:s22] =	ssyncadd.s32 s4;
	_ =	sdelay $0x1  }
0xa1: {  	s23 =	simm.s32 $0x1B8B  }
0xa2: {  	_ =	swait.ge [sflag:s23], $0x1  }
0xa3: {  	[sflag:s23] =	ssyncset.done $0x0  }
0xa4: {  	s25 =	simm.s32 $0x1B8E;
	s24 =	sld [smem:$0x3FFE];
	[sflag:s23] =	ssyncadd.s32 $0xFFFFFFFF  }
0xa5: {  	s26 =	simm.s32 $execute0_lowered;
	[smem:$0x3FD2] =	sst s25  }
0xa6: {  	s5 =	sshll.u32 s26, $0x1;
	_ =	strace $0x80000049;
	[dreg:$0x1] =	wrdreg $0xFFFFFFFF  }
0xa7: {  	s28 =	simm.s32 $_size_execute0_lowered;
	s3 =	sadd.s32 s3, s5;
	[dreg:$0x0] =	wrdreg $0x0  }
0xa8: {  	s5 =	sshll.u32 s28, $0x1;
	[dreg:$0x2] =	wrdreg s3  }
0xa9: {  	[dreg:$0x3] =	wrdreg s5  }
0xaa: {  	[dreg:$0x4] =	wrdreg $0xC0  }
0xab: {  	_ =	task [dreg:s7], $0x5FFFF  }
0xac: {  	[dreg:$0x1] =	wrdreg $0xFFFFFFFF  }
0xad: {  	[dreg:$0x0] =	wrdreg $0x60  }
0xae: {  	[dreg:$0x2] =	wrdreg s24  }
0xaf: {  	[dreg:$0x3] =	wrdreg s2  }
0xb0: {  	[dreg:$0x4] =	wrdreg $0x69000  }
0xb1: {  	[dreg:$0x5] =	wrdreg $0x9  }
0xb2: {  	_ =	task.clear_ibuf [dreg:s7], $0x6FFFF;
	_ =	strace $0x90000049  }
0xb3: {  	s29 =	simm.s32 $0x9;
	_ =	strace $0x8000004B  }
0xb4: {  	_ =	swait.ge [sflag:s29], $0x1  }
0xb5: {  	[sflag:s29] =	ssyncadd.s32 $0xFFFFFFFF  }
0xb6: {  	_ =	strace $0x9000004B  }
0xb7: {  	_ =	sfence  }
0xb8: {  	s30 =	sld [smem:$0x0];
	_ =	sdelay $0x2  }
0xb9: {  	s31 =	sshll.u32 s1, $0xD;
	s1 =	sshrl.u32 s1, $0x2  }
0xba: {  	s3 =	sand.u32 $0x4000, s31;
	s1 =	sadd.s32 s1, s30  }
0xbb: {  	s0 =	sor.u32 s3, s0;
	s1 =	sshll.u32 s1, $0x11  }
0xbc: {  	s0 =	sor.u32 s1, s0  }
0xbd: {  	s0 =	sadd.s32 $0x8F2B, s0  }
0xbe: {  	[sflag:s0] =	ssyncadd.remote.s32 $0x1  }
0xbf: {  	_ =	sfence.sel $0xFFFF  }
0xc0: {  	[dreg:$0x0] =	wrdreg $0xFFFFFFFF;
	(pc) =	sbr.abs _section_cstart, $3  }
0xc1: {  	[dreg:$0x1] =	wrdreg $0xFFFFFFFF  }
0xc2: {  	_ =	task.clear_ibuf [dreg:s7], $0x2FFFF;
	_ =	strace $0x9FFFFFFF  }
0xc3: {  	(tm) =	ssettm $0x7FFFFFFF  }
tec
execute0_lowered:
.L_overlay_start_1:
0x0: {  	(tag) =	ssettag $0x1  }
0x1: {  	s0 =	stileid.u32;
	s6 =	rddreg [dreg:$0x0]  }
0x2: {  	s13 =	rddreg [dreg:$0x1];
	s5 =	smul.u32 $0x280, s0  }
0x3: {  	s2 =	rddreg [dreg:$0x2];
	s3 =	simm.s32 $0x0;
	s28 =	smul.u32 $0x50000, s0  }
0x4: {  	s9 =	srdreg.scid;
	s19 =	simm.s32 $0x0;
	s18 =	smul.u32 $0x2710, s0  }
0x5: {  	[smem:$0x7FF] =	sst s3;
	s9 =	sand.u32 $0x1, s9;
	s30 =	smul.u32 $0x14000, s0  }
0x6: {  	s12 =	sadd.s32 $0xB200, s6;
	s11 =	sadd.s32 $0x1400, s6;
	s26 =	smul.u32 $0x138800, s9  }
0x7: {  	s21 =	ssub.s32 $0x2, s9;
	s14 =	sshll.u32 s9, $0x4;
	s17 =	smul.u32 $0x27100, s9  }
0x8: {  	s1 =	smin.u32 s5, $0x2490;
	s16 =	sshrl.u32 s21, $0x1;
	s14 =	sor.u32 s0, s14  }
0x9: {  	s7 =	sadd.s32 $0x280, s1;
	s1 =	rddreg [dreg:$0x3];
	_ =	strace $0x8000004A  }
0xa: {  	s24 =	smul.u32 $0x2710, s14;
	s25 =	ssub.s32 s21, s16;
	s8 =	ssub.s32 s7, s5  }
0xb: {  	s31 =	sadd.s32 s18, s17;
	s16 =	sshrl.u32 s28, $0x2;
	s4 =	sshll.u32 s8, $0x10  }
0xc: {  	s17 =	simm.s32 $0x100;
	s18 =	simm.s32 $0x10;
	s10 =	sshra.s32 s4, $0x10  }
0xd: {  	p0 =	sne.s32 s7, s5;
	s5 =	simm.s32 $0x1;
	s10 =	smul.u32 $0x6667, s10  }
0xe: {  	s9 =	smax.u32 s25, $0x1;
	s14 =	sshrl.u32 s31, $0x3;
	s23 =	sshra.s32 s8, $0x1F  }
0xf: {  	s5 =	simm.s32 @!p0 $0x0;
	s15 =	sshrl.u32 s10, $0x1F;
	s10 =	sshra.s32 s10, $0x15  }
0x10: {  	s8 =	ssub.s32 $0x0, s8;
	s4 =	sadd.s32 $0xB1400, s6;
	s10 =	sadd.s32 s15, s10  }
0x11: {  	s5 =	sor.u32 s5, s23;
	s8 =	sand.u32 $0xFFFF, s8;
	s22 =	smul.u32 $0xFFFFFFB0, s10  }
0x12: {  	s6 =	simm.s32 $0x1;
	p6 =	sne.s32 s5, $0x1;
	s15 =	sadd.s32 s30, s26  }
0x13: {  	s5 =	simm.s32 $0x1;
	s15 =	sshrl.u32 s15, $0x3;
	s7 =	sand.u32 $0xFFF0, s22  }
0x14: {  	s13 =	sadd.s32 s15, s13;
	p1 =	sne.s32 s7, s8;
	s7 =	sshrl.u32 s24, $0x3  }
.Ltmp0:
0x15: {  	p0 =	por !p6, !p1;
	s29 =	sadd.s32 $0x4E0, s7;
	(pc) =	sbr.rel .LBB2_1-.Ltmp0, $4  }
0x16: {  	s15 =	simm.s32 $0x2;
	p0 =	por !p0, !p0;
	s7 =	sadd.s32 s12, s29  }
0x17: {  	s8 =	sadd.s32 s11, s29;
	s11 =	sadd.s32 s14, s11;
	s6 =	simm.s32 @!p0 $0x0  }
0x18: {  	s12 =	sadd.s32 s14, s12;
	s14 =	simm.s32 $0x4100;
	s6 =	ssub.s32 s10, s6  }
0x19: {  	v0 =	vimm.f32 $0.0e+00;
	s10 =	sadd.s32 s16, s2;
	s16 =	simm.s32 $0x80;
	p0 =	slt.s32 s6, $0x1  }
.LBB2_12:
0x1a: {  	[sflag:s15] =	ssyncadd.s32 $0xFFFFD800  }
.LBB2_13:
0x1b: {  	s19 =	sadd.s32 $0x1, s19  }
0x1c: {  	p1 =	sne.s32 s19, s9  }
.Ltmp1:
0x1d: {  	_ = 	snop;
	(pc) =	sbr.rel @!p1 .LBB2_14-.Ltmp1, $1  }
0x1e: {  	_ =	sdelay $0x3  }
.LBB2_1:
0x1f: {  	s20 =	simm.s32 $0x0;
	s21 =	simm.s32 $0x200  }
.LBB2_2:
0x20: {  	p1 =	seq.s32 s21, $0x9E00;
	[tilespmem:s20+$0x4170] =	vst v0  }
0x21: {  	[tilespmem:s20+$0x4100] =	vst v0  }
0x22: {  	[tilespmem:s20+$0x4110] =	vst v0  }
.Ltmp2:
0x23: {  	[tilespmem:s20+$0x4120] =	vst v0;
	(pc) =	sbr.rel @!p1 .LBB2_2-.Ltmp2, $4  }
0x24: {  	[tilespmem:s20+$0x4130] =	vst v0  }
0x25: {  	[tilespmem:s20+$0x4140] =	vst v0  }
0x26: {  	[tilespmem:s20+$0x4150] =	vst v0  }
0x27: {  	[tilespmem:s20+$0x4160] =	vst v0;
	s20 =	sshra.s32 s21, $0x2;
	s21 =	sadd.s32 $0x200, s21  }
0x28: {  	[tilespmem:s20+$0x4170] =	vst v0  }
0x29: {  	[tilespmem:s20+$0x4100] =	vst v0  }
0x2a: {  	[tilespmem:s20+$0x4110] =	vst v0  }
.Ltmp3:
0x2b: {  	[tilespmem:s20+$0x4120] =	vst v0;
	(pc) =	sbr.rel @p0 .LBB2_7-.Ltmp3, $4  }
0x2c: {  	[tilespmem:s20+$0x4130] =	vst v0  }
0x2d: {  	[tilespmem:s20+$0x4140] =	vst v0  }
0x2e: {  	[tilespmem:s20+$0x4150] =	vst v0  }
0x2f: {  	[tilespmem:s20+$0x4160] =	vst v0  }
0x30: {  	p1 =	sne.s32 s6, $0x1  }
.Ltmp4:
0x31: {  	_ = 	snop;
	(pc) =	sbr.rel @!p1 .LBB2_6-.Ltmp4, $4  }
0x32: {  	_ = 	snop  }
0x33: {  	[spmem:s10] =	stream.linear.scatter [tilespmem:s14], [sflag:$0x2], $0x2800, $0x38;
	[tilespmem:$0x1A180] =	vst v63  }
0x34: {  	_ =	swait.ge [sflag:s15], $0x2800  }
0x35: {  	s20 =	sadd.s32 $0xFFFFFFFF, s6;
	s21 =	smov.u32 s10;
	[sflag:s15] =	ssyncset.done $0x0  }
.LBB2_5:
0x36: {  	p1 =	sne.s32 s20, $0x1;
	[sflag:s15] =	ssyncadd.s32 $0xFFFFD800;
	s21 =	sadd.s32 $0x2800, s21  }
.Ltmp5:
0x37: {  	s20 =	sadd.s32 $0xFFFFFFFF, s20;
	(pc) =	sbr.rel @p1 .LBB2_5-.Ltmp5, $4  }
0x38: {  	_ = 	snop  }
0x39: {  	[spmem:s21] =	stream.linear.scatter [tilespmem:s14], [sflag:$0x2], $0x2800, $0x38;
	[tilespmem:$0x1A180] =	vst v63  }
0x3a: {  	_ =	swait.ge [sflag:s15], $0x2800  }
0x3b: {  	[sflag:s15] =	ssyncset.done $0x0  }
.LBB2_6:
0x3c: {  	[sflag:s15] =	ssyncadd.s32 $0xFFFFD800  }
.LBB2_7:
0x3d: {  	[bflag:$0x0] =	sbarrier.arrive $0xFFFF;
	s20 =	sadd.s32 $0x0, s12  }
0x3e: {  	[tilespmem:s3], [sflag:$0x2] =	stream.linear.gather [hbm4b:s20+s3], $0x80, $0x38;
	[tilespmem:$0x1A180] =	vst v63  }
0x3f: {  	_ =	swait.ge [sflag:s15], $0x80  }
0x40: {  	[sflag:s15] =	ssyncset.done $0x0  }
0x41: {  	s31 =	sadd.s32 $0x0, s11;
	[sflag:s15] =	ssyncadd.s32 $0xFFFFFF80  }
0x42: {  	[tilespmem:s16], [sflag:$0x2] =	stream.linear.gather [hbm4b:s31+s3], $0x80, $0x38;
	[tilespmem:$0x1A180] =	vst v63  }
0x43: {  	_ =	swait.ge [sflag:s15], $0x80  }
0x44: {  	[sflag:s15] =	ssyncset.done $0x0  }
0x45: {  	[sflag:s15] =	ssyncadd.s32 $0xFFFFFF80  }
0x46: {  	[tilespmem:s17], [sflag:$0x1] =	stream.indirect.gather [hbm4b:s4+s16], $0x80, s3, s16, $0xb8;
	[tilespmem:$0x1A180] =	vst v63  }
0x47: {  	_ =	swait.ge [sflag:s5], $0x4000  }
0x48: {  	[sflag:s5] =	ssyncset.done $0x0  }
0x49: {  	[sflag:s5] =	ssyncadd.s32 $0xFFFFC000  }
0x4a: {  	[spmem:s2] =	stream.indirect.scatter.add.f32 [tilespmem:s17], [sflag:$0x2], $0x80, s16, s16, $0xb8;
	[tilespmem:$0x1A180] =	vst v63  }
0x4b: {  	_ =	swait.ge [sflag:s15], $0x4000  }
0x4c: {  	s21 =	simm.s32 $0x20;
	s20 =	simm.s32 $0x10;
	[sflag:s15] =	ssyncset.done $0x0  }
.LBB2_8:
0x4d: {  	s22 =	sadd.s32 s20, s12  }
0x4e: {  	[sflag:s15] =	ssyncadd.s32 $0xFFFFC000;
	s23 =	smov.u32 s21;
	s24 =	sadd.s32 $0x10, s21  }
0x4f: {  	[tilespmem:s3], [sflag:$0x2] =	stream.linear.gather [hbm4b:s22+s3], $0x80, $0x38;
	[tilespmem:$0x1A180] =	vst v63  }
0x50: {  	p1 =	sne.s32 s21, $0x4D0;
	_ =	swait.ge [sflag:s15], $0x80  }
0x51: {  	[sflag:s15] =	ssyncset.done $0x0  }
0x52: {  	s21 =	sadd.s32 s20, s11;
	s20 =	smov.u32 s23;
	[sflag:s15] =	ssyncadd.s32 $0xFFFFFF80  }
0x53: {  	[tilespmem:s16], [sflag:$0x2] =	stream.linear.gather [hbm4b:s21+s3], $0x80, $0x38;
	[tilespmem:$0x1A180] =	vst v63  }
0x54: {  	_ =	swait.ge [sflag:s15], $0x80  }
0x55: {  	[sflag:s15] =	ssyncset.done $0x0  }
0x56: {  	[sflag:s15] =	ssyncadd.s32 $0xFFFFFF80  }
0x57: {  	[tilespmem:s17], [sflag:$0x1] =	stream.indirect.gather [hbm4b:s4+s16], $0x80, s3, s16, $0xb8;
	[tilespmem:$0x1A180] =	vst v63  }
0x58: {  	_ =	swait.ge [sflag:s5], $0x4000  }
.Ltmp6:
0x59: {  	[sflag:s5] =	ssyncset.done $0x0;
	(pc) =	sbr.rel @p1 .LBB2_8-.Ltmp6, $4  }
0x5a: {  	[sflag:s5] =	ssyncadd.s32 $0xFFFFC000  }
0x5b: {  	[spmem:s2] =	stream.indirect.scatter.add.f32 [tilespmem:s17], [sflag:$0x2], $0x80, s16, s16, $0xb8;
	[tilespmem:$0x1A180] =	vst v63  }
0x5c: {  	_ =	swait.ge [sflag:s15], $0x4000  }
0x5d: {  	s21 =	smov.u32 s24;
	[sflag:s15] =	ssyncset.done $0x0  }
0x5e: {  	s21 =	sadd.s32 s20, s12;
	[sflag:s15] =	ssyncadd.s32 $0xFFFFC000  }
0x5f: {  	[tilespmem:s3], [sflag:$0x2] =	stream.linear.gather [hbm4b:s21+s3], $0x80, $0x38;
	[tilespmem:$0x1A180] =	vst v63  }
0x60: {  	_ =	swait.ge [sflag:s15], $0x80  }
0x61: {  	[sflag:s15] =	ssyncset.done $0x0  }
0x62: {  	s31 =	sadd.s32 s20, s11;
	[sflag:s15] =	ssyncadd.s32 $0xFFFFFF80  }
0x63: {  	[tilespmem:s16], [sflag:$0x2] =	stream.linear.gather [hbm4b:s31+s3], $0x80, $0x38;
	[tilespmem:$0x1A180] =	vst v63  }
0x64: {  	_ =	swait.ge [sflag:s15], $0x80  }
0x65: {  	[sflag:s15] =	ssyncset.done $0x0  }
0x66: {  	[sflag:s15] =	ssyncadd.s32 $0xFFFFFF80  }
0x67: {  	[tilespmem:s17], [sflag:$0x1] =	stream.indirect.gather [hbm4b:s4+s16], $0x80, s3, s16, $0xb8;
	[tilespmem:$0x1A180] =	vst v63  }
0x68: {  	_ =	swait.ge [sflag:s5], $0x4000  }
0x69: {  	[sflag:s5] =	ssyncset.done $0x0  }
0x6a: {  	[sflag:s5] =	ssyncadd.s32 $0xFFFFC000  }
0x6b: {  	[spmem:s2] =	stream.indirect.scatter.add.f32 [tilespmem:s17], [sflag:$0x2], $0x80, s16, s16, $0xb8;
	[tilespmem:$0x1A180] =	vst v63  }
0x6c: {  	_ =	swait.ge [sflag:s15], $0x4000  }
0x6d: {  	[sflag:s15] =	ssyncset.done $0x0  }
0x6e: {  	[sflag:s15] =	ssyncadd.s32 $0xFFFFC000  }
0x6f: {  	[tilespmem:s3], [sflag:$0x2] =	stream.linear.gather [hbm4b:s7+s3], $0x10, $0x38;
	[tilespmem:$0x1A180] =	vst v63  }
0x70: {  	_ =	swait.ge [sflag:s15], $0x10  }
0x71: {  	[sflag:s15] =	ssyncset.done $0x0  }
0x72: {  	[sflag:s15] =	ssyncadd.s32 $0xFFFFFFF0  }
0x73: {  	[tilespmem:s16], [sflag:$0x2] =	stream.linear.gather [hbm4b:s8+s3], $0x10, $0x38;
	[tilespmem:$0x1A180] =	vst v63  }
0x74: {  	_ =	swait.ge [sflag:s15], $0x10  }
0x75: {  	[sflag:s15] =	ssyncset.done $0x0  }
0x76: {  	[sflag:s15] =	ssyncadd.s32 $0xFFFFFFF0  }
0x77: {  	[tilespmem:s17], [sflag:$0x1] =	stream.indirect.gather [hbm4b:s4+s18], $0x80, s3, s18, $0xb8;
	[tilespmem:$0x1A180] =	vst v63  }
0x78: {  	_ =	swait.ge [sflag:s5], $0x800  }
0x79: {  	[sflag:s5] =	ssyncset.done $0x0  }
0x7a: {  	[sflag:s5] =	ssyncadd.s32 $0xFFFFF800  }
0x7b: {  	[spmem:s2] =	stream.indirect.scatter.add.f32 [tilespmem:s17], [sflag:$0x2], $0x80, s16, s18, $0xb8;
	[tilespmem:$0x1A180] =	vst v63  }
.Ltmp7:
0x7c: {  	_ =	swait.ge [sflag:s15], $0x800;
	(pc) =	sbr.rel @p0 .LBB2_13-.Ltmp7, $3  }
0x7d: {  	[sflag:s15] =	ssyncset.done $0x0  }
0x7e: {  	[sflag:s15] =	ssyncadd.s32 $0xFFFFF800  }
0x7f: {  	[bflag:$0x0] =	sbarrier.arrive $0xFFFF;
	_ =	sdelay $0x1  }
0x80: {  	[tilespmem:s14], [sflag:$0x2] =	stream.linear.gather [spmem:s10], $0x2800, $0x38;
	[tilespmem:$0x1A180] =	vst v63  }
0x81: {  	p1 =	sne.s32 s6, $0x1;
	_ =	swait.ge [sflag:s15], $0x2800  }
.Ltmp8:
0x82: {  	[sflag:s15] =	ssyncset.done $0x0;
	(pc) =	sbr.rel @!p1 .LBB2_12-.Ltmp8, $4  }
0x83: {  	[sflag:s15] =	ssyncadd.s32 $0xFFFFD800  }
0x84: {  	[hbm4b:s13+s3] =	stream.linear.scatter [tilespmem:s14], [sflag:$0x2], $0x2800, $0x38;
	[tilespmem:$0x1A180] =	vst v63  }
0x85: {  	s20 =	sadd.s32 $0xFFFFFFFF, s6;
	_ =	swait.ge [sflag:s15], $0x2800  }
0x86: {  	s21 =	smov.u32 s10;
	s22 =	smov.u32 s13;
	[sflag:s15] =	ssyncset.done $0x0  }
.LBB2_11:
0x87: {  	[sflag:s15] =	ssyncadd.s32 $0xFFFFD800;
	s21 =	sadd.s32 $0x2800, s21;
	s22 =	sadd.s32 $0x500, s22  }
0x88: {  	[tilespmem:s14], [sflag:$0x2] =	stream.linear.gather [spmem:s21], $0x2800, $0x38;
	[tilespmem:$0x1A180] =	vst v63  }
0x89: {  	p1 =	sne.s32 s20, $0x1;
	s20 =	sadd.s32 $0xFFFFFFFF, s20;
	_ =	swait.ge [sflag:s15], $0x2800  }
.Ltmp9:
0x8a: {  	[sflag:s15] =	ssyncset.done $0x0;
	(pc) =	sbr.rel @p1 .LBB2_11-.Ltmp9, $4  }
0x8b: {  	[sflag:s15] =	ssyncadd.s32 $0xFFFFD800  }
0x8c: {  	[hbm4b:s22+s3] =	stream.linear.scatter [tilespmem:s14], [sflag:$0x2], $0x2800, $0x38;
	[tilespmem:$0x1A180] =	vst v63  }
0x8d: {  	_ =	swait.ge [sflag:s15], $0x2800  }
0x8e: {  	[sflag:s15] =	ssyncset.done $0x0  }
.Ltmp10:
0x8f: {  	_ = 	snop;
	(pc) =	sbr.rel .LBB2_12-.Ltmp10, $1  }
0x90: {  	_ =	sdelay $0x3  }
.LBB2_14:
0x91: {  	_ =	sfence.sel $0x180000  }
0x92: {  	[bflag:$0x0] =	sbarrier.arrive $0xFFFF  }
0x93: {  	p0 =	sne.s32 s0, $0x0;
	_ =	strace $0x9000004A  }
0x94: {  	s0 =	sadd.s32 @!p0 $0x100000, s1;
	[bflag:$0x2] =	sbarrier.arrive $0xFFFF  }
0x95: {  	[sflag:s0] =	ssyncadd.tile.s32 @!p0 $0x1;
	_ =	shalt  }
.Lfunc_end2:
_tile_overlayer_lowered:
.L_overlay_start_2:
0x96: {  	(tag) =	ssettag $0x2  }
0x97: {  	s0 =	rddreg [dreg:$0x0];
	s2 =	stileid.u32  }
0x98: {  	s1 =	rddreg [dreg:$0x1];
	p0 =	sne.s32 s2, $0x0  }
0x99: {  	s3 =	rddreg [dreg:$0x2];
	[bflag:$0x3] =	sbarrier.arrive $0xFFFF;
	s2 =	simm.s32 @!p0 $0x1C02  }
0x9a: {  	[timem:s3], [sflag:s2] =	dma.local @!p0 [hbm:s0], s1  }
0x9b: {  	s0 =	simm.s32 @!p0 $0x2  }
0x9c: {  	_ =	swait.ge @!p0 [sflag:s0], s1  }
0x9d: {  	s1 =	ssub.s32 @!p0 $0x0, s1;
	[sflag:s0] =	ssyncset.done @!p0 $0x0  }
0x9e: {  	[sflag:s0] =	ssyncadd.s32 @!p0 s1  }
0x9f: {  	[bflag:$0x3] =	sbarrier.arrive $0xFFFF  }
0xa0: {  	_ =	shalt  }

// kernel: kernel.14.cloned.1.call-start
scs
__scs_entry_jumppad:
0x0: {  	(pc) =	sbr.rel $0x88, $3  }
0x1: {  	(tag) =	ssettag $0x0;
	lr =	simm.s32 $0x1  }
0x2: {  	[smem:$0x3F9D] =	sst lr;
	_ =	strace $0xD0000000  }
0x3: {  	_ = 	snop  }
0x4: {  	_ = 	snop  }
0x5: {  	_ = 	snop  }
0x6: {  	_ = 	snop  }
0x7: {  	_ = 	snop  }
__scs_overlays_trampoline_lowered:
0x8: {  	[smem:$0x3FAC] =	sst s0  }
0x9: {  	[smem:$0x3FAD] =	sst s1  }
0xa: {  	[smem:$0x3FAE] =	sst s2  }
0xb: {  	[smem:$0x3FAF] =	sst s3  }
0xc: {  	[smem:$0x3FB0] =	sst s4  }
0xd: {  	[smem:$0x3FB1] =	sst s5  }
0xe: {  	[smem:$0x3FB2] =	sst s6  }
0xf: {  	[smem:$0x3FB3] =	sst s7  }
0x10: {  	[smem:$0x3FB4] =	sst s8  }
0x11: {  	[smem:$0x3FB5] =	sst s9;
	s0 =	simm.s32 @!p0 $0x0  }
0x12: {  	s1 =	sld [smem:$0x3F9B];
	s0 =	simm.s32 @p0 $0x1  }
0x13: {  	[smem:$0x3FB6] =	sst s0;
	s0 =	simm.s32 @!p1 $0x0  }
0x14: {  	s2 =	sld [smem:$0x3F9A];
	s0 =	simm.s32 @p1 $0x1  }
0x15: {  	[smem:$0x3FB7] =	sst s0;
	s0 =	simm.s32 @!p2 $0x0  }
0x16: {  	s3 =	sld [smem:$0x3FDB];
	s0 =	simm.s32 @p2 $0x1  }
0x17: {  	s4 =	simm.s32 $0x1BF5;
	[smem:$0x3FB9] =	sst s0  }
0x18: {  	s0 =	sld [smem:$0x3F9C];
	_ =	swait.ge [sflag:s4], $0x0  }
0x19: {  	s7 =	sld [smem:$0x3F9D]  }
0x1a: {  	s8 =	sadd.s32 $0xFFFFE003, lr  }
0x1b: {  	s9 =	sadd.s32 $0xFFFFFEF7, lr;
	s5 =	simm.s32 $0xFFFFFFFF;
	p2 =	slt.u32 s8, $0xFFFFF086  }
0x1c: {  	p1 =	slt.u32 s9, $0xF7A;
	s5 =	simm.s32 @!p2 $0x0  }
0x1d: {  	s5 =	simm.s32 @p1 $0x1;
	p0 =	seq.s32 s7, s2  }
0x1e: {  	s7 =	smul.u32 @!p0 $0xF7A, s2;
	p2 =	seq.s32 @!p0 s5, $0x0  }
0x1f: {  	s9 =	smul.u32 $0xF7A, s1;
	s8 =	simm.s32 @!p0 $0x1BF5;
	p2 =	por !p2, p0  }
0x20: {  	[sflag:s8] =	ssyncset.s32 @!p0 $0xFFFFF086;
	s6 =	sadd.s32 @!p0 s3, s7;
	s7 =	simm.s32 @!p0 $0x108  }
0x21: {  	s3 =	sadd.s32 s3, s9;
	s6 =	sadd.s32 @!p0 $0x88, s6;
	s7 =	simm.s32 @p2 $0x1082  }
0x22: {  	[simem:s7], [sflag:s8] =	dma.local @!p0 [hbm:s6], $0xF7A  }
0x23: {  	s9 =	sor.u32 $0xD0000000, s2;
	s6 =	simm.s32 $0x108;
	_ =	swait.ge @!p0 [sflag:s8], $0x0  }
0x24: {  	s3 =	sadd.s32 $0x88, s3;
	s6 =	simm.s32 @!p1 $0x1082;
	[sflag:s4] =	ssyncset.s32 $0xFFFFF086  }
0x25: {  	[simem:s6], [sflag:s4] =	dma.local [hbm:s3], $0xF7A  }
0x26: {  	[smem:$0x3F9D] =	sst s1;
	(tag) =	ssettag s2;
	_ =	strace s9  }
0x27: {  	s1 =	sld [smem:$0x3FAD]  }
0x28: {  	s2 =	sld [smem:$0x3FAE]  }
0x29: {  	s4 =	sld [smem:$0x3FB0]  }
0x2a: {  	p0 =	seq.s32 s5, $0x0;
	s5 =	sld [smem:$0x3FB1]  }
0x2b: {  	s6 =	sld [smem:$0x3FB2]  }
0x2c: {  	s7 =	sld [smem:$0x3FB3]  }
0x2d: {  	s3 =	simm.s32 $0x108;
	s8 =	sld [smem:$0x3FB4]  }
0x2e: {  	s3 =	simm.s32 @!p0 $0x1082;
	s9 =	sld [smem:$0x3FB5]  }
0x2f: {  	lr =	sadd.s32 s0, s3;
	s0 =	sld [smem:$0x3FAC]  }
0x30: {  	s3 =	sld [smem:$0x3FAF]  }
0x31: {  	[smem:$0x3FB8] =	sst s10  }
0x32: {  	s10 =	sld [smem:$0x3FB6];
	_ =	sdelay $0x3  }
0x33: {  	p0 =	seq.s32 s10, $0x1;
	s10 =	sld [smem:$0x3FB8];
	_ =	sdelay $0x3  }
0x34: {  	[smem:$0x3FB8] =	sst s10  }
0x35: {  	s10 =	sld [smem:$0x3FB7];
	_ =	sdelay $0x3  }
0x36: {  	p1 =	seq.s32 s10, $0x1;
	s10 =	sld [smem:$0x3FB8];
	_ =	sdelay $0x3  }
0x37: {  	[smem:$0x3FB8] =	sst s10  }
0x38: {  	s10 =	sld [smem:$0x3FB9]  }
0x39: {  	_ = 	snop;
	(pc) =	sbr.ind lr, $3  }
0x3a: {  	_ = 	snop  }
0x3b: {  	_ = 	snop  }
0x3c: {  	p2 =	seq.s32 s10, $0x1;
	s10 =	sld [smem:$0x3FB8]  }
0x3d: {  	_ =	shalt  }
0x3e: {  	_ =	shalt  }
0x3f: {  	_ =	shalt  }
0x40: {  	_ =	shalt  }
0x41: {  	_ =	shalt  }
0x42: {  	_ =	shalt  }
0x43: {  	_ =	shalt  }
0x44: {  	_ =	shalt  }
0x45: {  	_ =	shalt  }
0x46: {  	_ =	shalt  }
0x47: {  	_ =	shalt  }
0x48: {  	_ =	shalt  }
0x49: {  	_ =	shalt  }
0x4a: {  	_ =	shalt  }
0x4b: {  	_ =	shalt  }
0x4c: {  	_ =	shalt  }
0x4d: {  	_ =	shalt  }
0x4e: {  	_ =	shalt  }
0x4f: {  	_ =	shalt  }
0x50: {  	_ =	shalt  }
0x51: {  	_ =	shalt  }
0x52: {  	_ =	shalt  }
0x53: {  	_ =	shalt  }
0x54: {  	_ =	shalt  }
0x55: {  	_ =	shalt  }
0x56: {  	_ =	shalt  }
0x57: {  	_ =	shalt  }
0x58: {  	_ =	shalt  }
0x59: {  	_ =	shalt  }
0x5a: {  	_ =	shalt  }
0x5b: {  	_ =	shalt  }
0x5c: {  	_ =	shalt  }
0x5d: {  	_ =	shalt  }
0x5e: {  	_ =	shalt  }
0x5f: {  	_ =	shalt  }
0x60: {  	_ =	shalt  }
0x61: {  	_ =	shalt  }
0x62: {  	_ =	shalt  }
0x63: {  	_ =	shalt  }
0x64: {  	_ =	shalt  }
0x65: {  	_ =	shalt  }
0x66: {  	_ =	shalt  }
0x67: {  	_ =	shalt  }
0x68: {  	_ =	shalt  }
0x69: {  	_ =	shalt  }
0x6a: {  	_ =	shalt  }
0x6b: {  	_ =	shalt  }
0x6c: {  	_ =	shalt  }
0x6d: {  	_ =	shalt  }
0x6e: {  	_ =	shalt  }
0x6f: {  	_ =	shalt  }
0x70: {  	_ =	shalt  }
0x71: {  	_ =	shalt  }
0x72: {  	_ =	shalt  }
0x73: {  	_ =	shalt  }
0x74: {  	_ =	shalt  }
0x75: {  	_ =	shalt  }
0x76: {  	_ =	shalt  }
0x77: {  	_ =	shalt  }
0x78: {  	_ =	shalt  }
0x79: {  	_ =	shalt  }
0x7a: {  	_ =	shalt  }
0x7b: {  	_ =	shalt  }
0x7c: {  	_ =	shalt  }
0x7d: {  	_ =	shalt  }
0x7e: {  	_ =	shalt  }
0x7f: {  	_ =	shalt  }
0x80: {  	_ =	shalt  }
0x81: {  	_ =	shalt  }
0x82: {  	_ =	shalt  }
0x83: {  	_ =	shalt  }
0x84: {  	_ =	shalt  }
0x85: {  	_ =	shalt  }
0x86: {  	_ =	shalt  }
0x87: {  	_ =	shalt  }
.Lfunc_end0:
.L_simem_size_0:
called_computation.2_lowered:
.L_overlay_start_0:
0x88: {  	s2 =	sld [smem:$0x3FD9]  }
0x89: {  	s3 =	sld [smem:$0x3FFE];
	_ =	sdelay $0x1  }
0x8a: {  	s1 =	srdreg.scid  }
0x8b: {  	s0 =	sand.u32 $0x1, s1  }
0x8c: {  	s17 =	sshll.u32 s0, $0xA;
	s2 =	sadd.s32 s3, s2  }
0x8d: {  	s2 =	sadd.s32 s2, s17  }
0x8e: {  	[smem:$0x3FC4] =	sst s2  }
0x8f: {  	_ = 	snop  }
0x90: {  	s2 =	sld [smem:$0x3FD0];
	(tm) =	ssettm $0x1  }
0x91: {  	s18 =	sld [smem:$0x3FFB];
	_ =	sdelay $0x3  }
0x92: {  	_ =	strace s18  }
0x93: {  	s3 =	sld [smem:$0x3FFC];
	_ =	sdelay $0x3  }
0x94: {  	_ =	strace s3  }
0x95: {  	s3 =	sld [smem:$0x3FFD];
	_ =	sdelay $0x3  }
0x96: {  	_ =	strace s3  }
0x97: {  	_ =	strace $0x8FFFFFFF  }
0x98: {  	s19 =	sld [smem:$0x3FDB];
	_ =	sdelay $0x1  }
0x99: {  	s4 =	simm.s32 $_scs_section_size  }
0x9a: {  	s5 =	simm.s32 $_size__tile_overlayer_lowered;
	s6 =	simm.s32 $_tile_overlayer_lowered  }
0x9b: {  	s22 =	simm.s32 $0x1BFF;
	s21 =	sshll.u32 s6, $0x1;
	s3 =	sadd.s32 s4, s19  }
0x9c: {  	s7 =	simm.s32 $0x0;
	s20 =	sshll.u32 s5, $0x1;
	s5 =	sadd.s32 s21, s3  }
0x9d: {  	[timem:s7], [sflag:s22] =	dma.local [hbm:s5], s20  }
0x9e: {  	_ =	swait.ge [sflag:s22], s20  }
0x9f: {  	s4 =	ssub.s32 $0x0, s20;
	[sflag:s22] =	ssyncset.done $0x0  }
0xa0: {  	[sflag:s22] =	ssyncadd.s32 s4;
	_ =	sdelay $0x1  }
0xa1: {  	s23 =	simm.s32 $0x1B8B  }
0xa2: {  	_ =	swait.ge [sflag:s23], $0x1  }
0xa3: {  	[sflag:s23] =	ssyncset.done $0x0  }
0xa4: {  	s25 =	simm.s32 $0x1B8E;
	s24 =	sld [smem:$0x3FFE];
	[sflag:s23] =	ssyncadd.s32 $0xFFFFFFFF  }
0xa5: {  	s26 =	simm.s32 $execute0_lowered;
	[smem:$0x3FD2] =	sst s25  }
0xa6: {  	s5 =	sshll.u32 s26, $0x1;
	_ =	strace $0x8000004C;
	[dreg:$0x1] =	wrdreg $0xFFFFFFFF  }
0xa7: {  	s28 =	simm.s32 $_size_execute0_lowered;
	s3 =	sadd.s32 s3, s5;
	[dreg:$0x0] =	wrdreg $0x0  }
0xa8: {  	s5 =	sshll.u32 s28, $0x1;
	[dreg:$0x2] =	wrdreg s3  }
0xa9: {  	[dreg:$0x3] =	wrdreg s5  }
0xaa: {  	[dreg:$0x4] =	wrdreg $0xC0  }
0xab: {  	_ =	task [dreg:s7], $0x5FFFF  }
0xac: {  	[dreg:$0x1] =	wrdreg $0xFFFFFFFF  }
0xad: {  	[dreg:$0x0] =	wrdreg $0x60  }
0xae: {  	[dreg:$0x2] =	wrdreg s24  }
0xaf: {  	[dreg:$0x3] =	wrdreg s2  }
0xb0: {  	[dreg:$0x4] =	wrdreg $0xE000  }
0xb1: {  	[dreg:$0x5] =	wrdreg $0x9  }
0xb2: {  	_ =	task.clear_ibuf [dreg:s7], $0x6FFFF;
	_ =	strace $0x9000004C  }
0xb3: {  	s29 =	simm.s32 $0x9;
	_ =	strace $0x8000004E  }
0xb4: {  	_ =	swait.ge [sflag:s29], $0x1  }
0xb5: {  	[sflag:s29] =	ssyncadd.s32 $0xFFFFFFFF  }
0xb6: {  	_ =	strace $0x9000004E  }
0xb7: {  	_ =	sfence  }
0xb8: {  	s30 =	sld [smem:$0x0];
	_ =	sdelay $0x2  }
0xb9: {  	s31 =	sshll.u32 s1, $0xD;
	s1 =	sshrl.u32 s1, $0x2  }
0xba: {  	s3 =	sand.u32 $0x4000, s31;
	s1 =	sadd.s32 s1, s30  }
0xbb: {  	s0 =	sor.u32 s3, s0;
	s1 =	sshll.u32 s1, $0x11  }
0xbc: {  	s0 =	sor.u32 s1, s0  }
0xbd: {  	s0 =	sadd.s32 $0x8F2B, s0  }
0xbe: {  	[sflag:s0] =	ssyncadd.remote.s32 $0x1  }
0xbf: {  	_ =	sfence.sel $0xFFFF  }
0xc0: {  	[dreg:$0x0] =	wrdreg $0xFFFFFFFF;
	(pc) =	sbr.abs _section_cstart, $3  }
0xc1: {  	[dreg:$0x1] =	wrdreg $0xFFFFFFFF  }
0xc2: {  	_ =	task.clear_ibuf [dreg:s7], $0x2FFFF;
	_ =	strace $0x9FFFFFFF  }
0xc3: {  	(tm) =	ssettm $0x7FFFFFFF  }
tec
execute0_lowered:
.L_overlay_start_1:
0x0: {  	(tag) =	ssettag $0x1  }
0x1: {  	s6 =	rddreg [dreg:$0x0]  }
0x2: {  	s0 =	stileid.u32;
	s13 =	rddreg [dreg:$0x1]  }
0x3: {  	s2 =	rddreg [dreg:$0x2];
	s3 =	simm.s32 $0x0;
	s10 =	srdreg.scid  }
0x4: {  	s18 =	simm.s32 $0x10;
	s19 =	simm.s32 $0x0;
	s5 =	smul.u32 $0x280, s0  }
0x5: {  	[smem:$0x7FF] =	sst s3;
	s12 =	sadd.s32 $0xB200, s6;
	s28 =	smul.u32 $0xA000, s0  }
0x6: {  	s11 =	sadd.s32 $0x1400, s6;
	s21 =	sand.u32 $0x1, s10;
	s30 =	smul.u32 $0x2710, s0  }
0x7: {  	s17 =	smul.u32 $0x2800, s0;
	s10 =	ssub.s32 $0x2, s21;
	s16 =	sshll.u32 s21, $0x4  }
0x8: {  	s26 =	smul.u32 $0x27100, s21;
	s1 =	smin.u32 s5, $0x2490;
	s15 =	sshrl.u32 s10, $0x1  }
0x9: {  	s24 =	sor.u32 s0, s16;
	s7 =	sadd.s32 $0x280, s1;
	s1 =	rddreg [dreg:$0x3]  }
0xa: {  	_ =	strace $0x8000004D;
	s10 =	ssub.s32 s10, s15;
	s8 =	ssub.s32 s7, s5  }
0xb: {  	s25 =	smul.u32 $0x2710, s24;
	s31 =	sadd.s32 s30, s26;
	s4 =	sshll.u32 s8, $0x10  }
0xc: {  	s15 =	sshrl.u32 s28, $0x2;
	p0 =	sne.s32 s7, s5;
	s9 =	sshra.s32 s4, $0x10  }
0xd: {  	s5 =	simm.s32 $0x1;
	s16 =	sshrl.u32 s31, $0x3;
	s9 =	smul.u32 $0x6667, s9  }
0xe: {  	s23 =	sshra.s32 s8, $0x1F;
	s5 =	simm.s32 @!p0 $0x0;
	s8 =	ssub.s32 $0x0, s8  }
0xf: {  	s4 =	sadd.s32 $0xB1400, s6;
	s14 =	sshrl.u32 s9, $0x1F;
	s9 =	sshra.s32 s9, $0x15  }
0x10: {  	s5 =	sor.u32 s5, s23;
	s8 =	sand.u32 $0xFFFF, s8;
	s9 =	sadd.s32 s14, s9  }
0x11: {  	s6 =	simm.s32 $0x1;
	s14 =	sadd.s32 s17, s26;
	s22 =	smul.u32 $0xFFFFFFB0, s9  }
0x12: {  	p6 =	sne.s32 s5, $0x1;
	s5 =	simm.s32 $0x1;
	s14 =	sshrl.u32 s14, $0x3  }
0x13: {  	s17 =	simm.s32 $0x100;
	s13 =	sadd.s32 s14, s13;
	s7 =	sand.u32 $0xFFF0, s22  }
0x14: {  	s14 =	simm.s32 $0x900;
	p1 =	sne.s32 s7, s8;
	s7 =	sshrl.u32 s25, $0x3  }
.Ltmp0:
0x15: {  	p0 =	por !p6, !p1;
	s29 =	sadd.s32 $0x4E0, s7;
	(pc) =	sbr.rel .LBB2_1-.Ltmp0, $4  }
0x16: {  	p0 =	por !p0, !p0;
	s7 =	sadd.s32 s12, s29;
	s8 =	sadd.s32 s11, s29  }
0x17: {  	s11 =	sadd.s32 s16, s11;
	s12 =	sadd.s32 s16, s12;
	s6 =	simm.s32 @!p0 $0x0  }
0x18: {  	s16 =	simm.s32 $0x80;
	s6 =	ssub.s32 s9, s6;
	s9 =	smax.u32 s10, $0x1  }
0x19: {  	v0 =	vimm.f32 $0.0e+00;
	s10 =	sadd.s32 s15, s2;
	s15 =	simm.s32 $0x2;
	p0 =	slt.s32 s6, $0x1  }
.LBB2_12:
0x1a: {  	[sflag:s15] =	ssyncadd.s32 $0xFFFFFB00  }
.LBB2_13:
0x1b: {  	s19 =	sadd.s32 $0x1, s19  }
0x1c: {  	p1 =	sne.s32 s19, s9  }
.Ltmp1:
0x1d: {  	_ = 	snop;
	(pc) =	sbr.rel @!p1 .LBB2_14-.Ltmp1, $1  }
0x1e: {  	_ =	sdelay $0x3  }
.LBB2_1:
0x1f: {  	s20 =	simm.s32 $0x40;
	s21 =	simm.s32 $0x0  }
.LBB2_2:
0x20: {  	p1 =	seq.s32 s20, $0x13C0;
	[tilespmem:s21+$0x900] =	vst v0;
	s21 =	smov.u32 s20;
	s20 =	sadd.s32 $0x40, s20  }
.Ltmp2:
0x21: {  	(pc) =	sbr.rel @!p1 .LBB2_2-.Ltmp2, $2  }
0x22: {  	_ =	sdelay $0x2  }
0x23: {  	s21 =	sshra.s32 s21, $0x2  }
.Ltmp3:
0x24: {  	(pc) =	sbr.rel @p0 .LBB2_7-.Ltmp3, $2  }
0x25: {  	_ =	sdelay $0x2  }
0x26: {  	[tilespmem:s21+$0x900] =	vst v0  }
0x27: {  	p1 =	sne.s32 s6, $0x1  }
.Ltmp4:
0x28: {  	_ = 	snop;
	(pc) =	sbr.rel @!p1 .LBB2_6-.Ltmp4, $4  }
0x29: {  	_ = 	snop  }
0x2a: {  	[spmem:s10] =	stream.linear.scatter [tilespmem:s14], [sflag:$0x2], $0x500, $0x38;
	[tilespmem:$0x3510] =	vst v63  }
0x2b: {  	_ =	swait.ge [sflag:s15], $0x500  }
0x2c: {  	s20 =	sadd.s32 $0xFFFFFFFF, s6;
	s21 =	smov.u32 s10;
	[sflag:s15] =	ssyncset.done $0x0  }
.LBB2_5:
0x2d: {  	p1 =	sne.s32 s20, $0x1;
	[sflag:s15] =	ssyncadd.s32 $0xFFFFFB00;
	s21 =	sadd.s32 $0x500, s21  }
.Ltmp5:
0x2e: {  	s20 =	sadd.s32 $0xFFFFFFFF, s20;
	(pc) =	sbr.rel @p1 .LBB2_5-.Ltmp5, $4  }
0x2f: {  	_ = 	snop  }
0x30: {  	[spmem:s21] =	stream.linear.scatter [tilespmem:s14], [sflag:$0x2], $0x500, $0x38;
	[tilespmem:$0x3510] =	vst v63  }
0x31: {  	_ =	swait.ge [sflag:s15], $0x500  }
0x32: {  	[sflag:s15] =	ssyncset.done $0x0  }
.LBB2_6:
0x33: {  	[sflag:s15] =	ssyncadd.s32 $0xFFFFFB00  }
.LBB2_7:
0x34: {  	[bflag:$0x0] =	sbarrier.arrive $0xFFFF;
	s20 =	sadd.s32 $0x0, s12  }
0x35: {  	[tilespmem:s3], [sflag:$0x2] =	stream.linear.gather [hbm4b:s20+s3], $0x80, $0x38;
	[tilespmem:$0x3510] =	vst v63  }
0x36: {  	_ =	swait.ge [sflag:s15], $0x80  }
0x37: {  	[sflag:s15] =	ssyncset.done $0x0  }
0x38: {  	s31 =	sadd.s32 $0x0, s11;
	[sflag:s15] =	ssyncadd.s32 $0xFFFFFF80  }
0x39: {  	[tilespmem:s16], [sflag:$0x2] =	stream.linear.gather [hbm4b:s31+s3], $0x80, $0x38;
	[tilespmem:$0x3510] =	vst v63  }
0x3a: {  	_ =	swait.ge [sflag:s15], $0x80  }
0x3b: {  	[sflag:s15] =	ssyncset.done $0x0  }
0x3c: {  	[sflag:s15] =	ssyncadd.s32 $0xFFFFFF80  }
0x3d: {  	[tilespmem:s17], [sflag:$0x1] =	stream.indirect.gather [hbm4b:s4+s16], $0x10, s3, s16, $0xb8;
	[tilespmem:$0x3510] =	vst v63  }
0x3e: {  	_ =	swait.ge [sflag:s5], $0x800  }
0x3f: {  	[sflag:s5] =	ssyncset.done $0x0  }
0x40: {  	[sflag:s5] =	ssyncadd.s32 $0xFFFFF800  }
0x41: {  	[spmem:s2] =	stream.indirect.scatter.add.f32 [tilespmem:s17], [sflag:$0x2], $0x10, s16, s16, $0xb8;
	[tilespmem:$0x3510] =	vst v63  }
0x42: {  	_ =	swait.ge [sflag:s15], $0x800  }
0x43: {  	s21 =	simm.s32 $0x20;
	s20 =	simm.s32 $0x10;
	[sflag:s15] =	ssyncset.done $0x0  }
.LBB2_8:
0x44: {  	s22 =	sadd.s32 s20, s12  }
0x45: {  	[sflag:s15] =	ssyncadd.s32 $0xFFFFF800;
	s23 =	smov.u32 s21;
	s24 =	sadd.s32 $0x10, s21  }
0x46: {  	[tilespmem:s3], [sflag:$0x2] =	stream.linear.gather [hbm4b:s22+s3], $0x80, $0x38;
	[tilespmem:$0x3510] =	vst v63  }
0x47: {  	p1 =	sne.s32 s21, $0x4D0;
	_ =	swait.ge [sflag:s15], $0x80  }
0x48: {  	[sflag:s15] =	ssyncset.done $0x0  }
0x49: {  	s21 =	sadd.s32 s20, s11;
	s20 =	smov.u32 s23;
	[sflag:s15] =	ssyncadd.s32 $0xFFFFFF80  }
0x4a: {  	[tilespmem:s16], [sflag:$0x2] =	stream.linear.gather [hbm4b:s21+s3], $0x80, $0x38;
	[tilespmem:$0x3510] =	vst v63  }
0x4b: {  	_ =	swait.ge [sflag:s15], $0x80  }
0x4c: {  	[sflag:s15] =	ssyncset.done $0x0  }
0x4d: {  	[sflag:s15] =	ssyncadd.s32 $0xFFFFFF80  }
0x4e: {  	[tilespmem:s17], [sflag:$0x1] =	stream.indirect.gather [hbm4b:s4+s16], $0x10, s3, s16, $0xb8;
	[tilespmem:$0x3510] =	vst v63  }
0x4f: {  	_ =	swait.ge [sflag:s5], $0x800  }
.Ltmp6:
0x50: {  	[sflag:s5] =	ssyncset.done $0x0;
	(pc) =	sbr.rel @p1 .LBB2_8-.Ltmp6, $4  }
0x51: {  	[sflag:s5] =	ssyncadd.s32 $0xFFFFF800  }
0x52: {  	[spmem:s2] =	stream.indirect.scatter.add.f32 [tilespmem:s17], [sflag:$0x2], $0x10, s16, s16, $0xb8;
	[tilespmem:$0x3510] =	vst v63  }
0x53: {  	_ =	swait.ge [sflag:s15], $0x800  }
0x54: {  	s21 =	smov.u32 s24;
	[sflag:s15] =	ssyncset.done $0x0  }
0x55: {  	s21 =	sadd.s32 s20, s12;
	[sflag:s15] =	ssyncadd.s32 $0xFFFFF800  }
0x56: {  	[tilespmem:s3], [sflag:$0x2] =	stream.linear.gather [hbm4b:s21+s3], $0x80, $0x38;
	[tilespmem:$0x3510] =	vst v63  }
0x57: {  	_ =	swait.ge [sflag:s15], $0x80  }
0x58: {  	[sflag:s15] =	ssyncset.done $0x0  }
0x59: {  	s31 =	sadd.s32 s20, s11;
	[sflag:s15] =	ssyncadd.s32 $0xFFFFFF80  }
0x5a: {  	[tilespmem:s16], [sflag:$0x2] =	stream.linear.gather [hbm4b:s31+s3], $0x80, $0x38;
	[tilespmem:$0x3510] =	vst v63  }
0x5b: {  	_ =	swait.ge [sflag:s15], $0x80  }
0x5c: {  	[sflag:s15] =	ssyncset.done $0x0  }
0x5d: {  	[sflag:s15] =	ssyncadd.s32 $0xFFFFFF80  }
0x5e: {  	[tilespmem:s17], [sflag:$0x1] =	stream.indirect.gather [hbm4b:s4+s16], $0x10, s3, s16, $0xb8;
	[tilespmem:$0x3510] =	vst v63  }
0x5f: {  	_ =	swait.ge [sflag:s5], $0x800  }
0x60: {  	[sflag:s5] =	ssyncset.done $0x0  }
0x61: {  	[sflag:s5] =	ssyncadd.s32 $0xFFFFF800  }
0x62: {  	[spmem:s2] =	stream.indirect.scatter.add.f32 [tilespmem:s17], [sflag:$0x2], $0x10, s16, s16, $0xb8;
	[tilespmem:$0x3510] =	vst v63  }
0x63: {  	_ =	swait.ge [sflag:s15], $0x800  }
0x64: {  	[sflag:s15] =	ssyncset.done $0x0  }
0x65: {  	[sflag:s15] =	ssyncadd.s32 $0xFFFFF800  }
0x66: {  	[tilespmem:s3], [sflag:$0x2] =	stream.linear.gather [hbm4b:s7+s3], $0x10, $0x38;
	[tilespmem:$0x3510] =	vst v63  }
0x67: {  	_ =	swait.ge [sflag:s15], $0x10  }
0x68: {  	[sflag:s15] =	ssyncset.done $0x0  }
0x69: {  	[sflag:s15] =	ssyncadd.s32 $0xFFFFFFF0  }
0x6a: {  	[tilespmem:s16], [sflag:$0x2] =	stream.linear.gather [hbm4b:s8+s3], $0x10, $0x38;
	[tilespmem:$0x3510] =	vst v63  }
0x6b: {  	_ =	swait.ge [sflag:s15], $0x10  }
0x6c: {  	[sflag:s15] =	ssyncset.done $0x0  }
0x6d: {  	[sflag:s15] =	ssyncadd.s32 $0xFFFFFFF0  }
0x6e: {  	[tilespmem:s17], [sflag:$0x1] =	stream.indirect.gather [hbm4b:s4+s18], $0x10, s3, s18, $0xb8;
	[tilespmem:$0x3510] =	vst v63  }
0x6f: {  	_ =	swait.ge [sflag:s5], $0x100  }
0x70: {  	[sflag:s5] =	ssyncset.done $0x0  }
0x71: {  	[sflag:s5] =	ssyncadd.s32 $0xFFFFFF00  }
0x72: {  	[spmem:s2] =	stream.indirect.scatter.add.f32 [tilespmem:s17], [sflag:$0x2], $0x10, s16, s18, $0xb8;
	[tilespmem:$0x3510] =	vst v63  }
.Ltmp7:
0x73: {  	_ =	swait.ge [sflag:s15], $0x100;
	(pc) =	sbr.rel @p0 .LBB2_13-.Ltmp7, $3  }
0x74: {  	[sflag:s15] =	ssyncset.done $0x0  }
0x75: {  	[sflag:s15] =	ssyncadd.s32 $0xFFFFFF00  }
0x76: {  	[bflag:$0x0] =	sbarrier.arrive $0xFFFF;
	_ =	sdelay $0x1  }
0x77: {  	[tilespmem:s14], [sflag:$0x2] =	stream.linear.gather [spmem:s10], $0x500, $0x38;
	[tilespmem:$0x3510] =	vst v63  }
0x78: {  	p1 =	sne.s32 s6, $0x1;
	_ =	swait.ge [sflag:s15], $0x500  }
.Ltmp8:
0x79: {  	[sflag:s15] =	ssyncset.done $0x0;
	(pc) =	sbr.rel @!p1 .LBB2_12-.Ltmp8, $4  }
0x7a: {  	[sflag:s15] =	ssyncadd.s32 $0xFFFFFB00  }
0x7b: {  	[hbm4b:s13+s3] =	stream.linear.scatter [tilespmem:s14], [sflag:$0x2], $0x500, $0x38;
	[tilespmem:$0x3510] =	vst v63  }
0x7c: {  	s20 =	sadd.s32 $0xFFFFFFFF, s6;
	_ =	swait.ge [sflag:s15], $0x500  }
0x7d: {  	s21 =	smov.u32 s10;
	s22 =	smov.u32 s13;
	[sflag:s15] =	ssyncset.done $0x0  }
.LBB2_11:
0x7e: {  	[sflag:s15] =	ssyncadd.s32 $0xFFFFFB00;
	s21 =	sadd.s32 $0x500, s21;
	s22 =	sadd.s32 $0xA0, s22  }
0x7f: {  	[tilespmem:s14], [sflag:$0x2] =	stream.linear.gather [spmem:s21], $0x500, $0x38;
	[tilespmem:$0x3510] =	vst v63  }
0x80: {  	p1 =	sne.s32 s20, $0x1;
	s20 =	sadd.s32 $0xFFFFFFFF, s20;
	_ =	swait.ge [sflag:s15], $0x500  }
.Ltmp9:
0x81: {  	[sflag:s15] =	ssyncset.done $0x0;
	(pc) =	sbr.rel @p1 .LBB2_11-.Ltmp9, $4  }
0x82: {  	[sflag:s15] =	ssyncadd.s32 $0xFFFFFB00  }
0x83: {  	[hbm4b:s22+s3] =	stream.linear.scatter [tilespmem:s14], [sflag:$0x2], $0x500, $0x38;
	[tilespmem:$0x3510] =	vst v63  }
0x84: {  	_ =	swait.ge [sflag:s15], $0x500  }
0x85: {  	[sflag:s15] =	ssyncset.done $0x0  }
.Ltmp10:
0x86: {  	_ = 	snop;
	(pc) =	sbr.rel .LBB2_12-.Ltmp10, $1  }
0x87: {  	_ =	sdelay $0x3  }
.LBB2_14:
0x88: {  	_ =	sfence.sel $0x180000  }
0x89: {  	[bflag:$0x0] =	sbarrier.arrive $0xFFFF  }
0x8a: {  	p0 =	sne.s32 s0, $0x0;
	_ =	strace $0x9000004D  }
0x8b: {  	s0 =	sadd.s32 @!p0 $0x100000, s1;
	[bflag:$0x2] =	sbarrier.arrive $0xFFFF  }
0x8c: {  	[sflag:s0] =	ssyncadd.tile.s32 @!p0 $0x1;
	_ =	shalt  }
.Lfunc_end2:
_tile_overlayer_lowered:
.L_overlay_start_2:
0x8d: {  	(tag) =	ssettag $0x2  }
0x8e: {  	s0 =	rddreg [dreg:$0x0];
	s2 =	stileid.u32  }
0x8f: {  	s1 =	rddreg [dreg:$0x1];
	p0 =	sne.s32 s2, $0x0  }
0x90: {  	s3 =	rddreg [dreg:$0x2];
	[bflag:$0x3] =	sbarrier.arrive $0xFFFF;
	s2 =	simm.s32 @!p0 $0x1C02  }
0x91: {  	[timem:s3], [sflag:s2] =	dma.local @!p0 [hbm:s0], s1  }
0x92: {  	s0 =	simm.s32 @!p0 $0x2  }
0x93: {  	_ =	swait.ge @!p0 [sflag:s0], s1  }
0x94: {  	s1 =	ssub.s32 @!p0 $0x0, s1;
	[sflag:s0] =	ssyncset.done @!p0 $0x0  }
0x95: {  	[sflag:s0] =	ssyncadd.s32 @!p0 s1  }
0x96: {  	[bflag:$0x3] =	sbarrier.arrive $0xFFFF  }
0x97: {  	_ =	shalt  }

// kernel: kernel.8.cloned.1.call-start
scs
__scs_entry_jumppad:
0x0: {  	(pc) =	sbr.rel $0x88, $3  }
0x1: {  	(tag) =	ssettag $0x0;
	lr =	simm.s32 $0x1  }
0x2: {  	[smem:$0x3F9D] =	sst lr;
	_ =	strace $0xD0000000  }
0x3: {  	_ = 	snop  }
0x4: {  	_ = 	snop  }
0x5: {  	_ = 	snop  }
0x6: {  	_ = 	snop  }
0x7: {  	_ = 	snop  }
__scs_overlays_trampoline_lowered:
0x8: {  	[smem:$0x3FAC] =	sst s0  }
0x9: {  	[smem:$0x3FAD] =	sst s1  }
0xa: {  	[smem:$0x3FAE] =	sst s2  }
0xb: {  	[smem:$0x3FAF] =	sst s3  }
0xc: {  	[smem:$0x3FB0] =	sst s4  }
0xd: {  	[smem:$0x3FB1] =	sst s5  }
0xe: {  	[smem:$0x3FB2] =	sst s6  }
0xf: {  	[smem:$0x3FB3] =	sst s7  }
0x10: {  	[smem:$0x3FB4] =	sst s8  }
0x11: {  	[smem:$0x3FB5] =	sst s9;
	s0 =	simm.s32 @!p0 $0x0  }
0x12: {  	s1 =	sld [smem:$0x3F9B];
	s0 =	simm.s32 @p0 $0x1  }
0x13: {  	[smem:$0x3FB6] =	sst s0;
	s0 =	simm.s32 @!p1 $0x0  }
0x14: {  	s2 =	sld [smem:$0x3F9A];
	s0 =	simm.s32 @p1 $0x1  }
0x15: {  	[smem:$0x3FB7] =	sst s0;
	s0 =	simm.s32 @!p2 $0x0  }
0x16: {  	s3 =	sld [smem:$0x3FDB];
	s0 =	simm.s32 @p2 $0x1  }
0x17: {  	s4 =	simm.s32 $0x1BF5;
	[smem:$0x3FB9] =	sst s0  }
0x18: {  	s0 =	sld [smem:$0x3F9C];
	_ =	swait.ge [sflag:s4], $0x0  }
0x19: {  	s7 =	sld [smem:$0x3F9D]  }
0x1a: {  	s8 =	sadd.s32 $0xFFFFE003, lr  }
0x1b: {  	s9 =	sadd.s32 $0xFFFFFEF7, lr;
	s5 =	simm.s32 $0xFFFFFFFF;
	p2 =	slt.u32 s8, $0xFFFFF086  }
0x1c: {  	p1 =	slt.u32 s9, $0xF7A;
	s5 =	simm.s32 @!p2 $0x0  }
0x1d: {  	s5 =	simm.s32 @p1 $0x1;
	p0 =	seq.s32 s7, s2  }
0x1e: {  	s7 =	smul.u32 @!p0 $0xF7A, s2;
	p2 =	seq.s32 @!p0 s5, $0x0  }
0x1f: {  	s9 =	smul.u32 $0xF7A, s1;
	s8 =	simm.s32 @!p0 $0x1BF5;
	p2 =	por !p2, p0  }
0x20: {  	[sflag:s8] =	ssyncset.s32 @!p0 $0xFFFFF086;
	s6 =	sadd.s32 @!p0 s3, s7;
	s7 =	simm.s32 @!p0 $0x108  }
0x21: {  	s3 =	sadd.s32 s3, s9;
	s6 =	sadd.s32 @!p0 $0x88, s6;
	s7 =	simm.s32 @p2 $0x1082  }
0x22: {  	[simem:s7], [sflag:s8] =	dma.local @!p0 [hbm:s6], $0xF7A  }
0x23: {  	s9 =	sor.u32 $0xD0000000, s2;
	s6 =	simm.s32 $0x108;
	_ =	swait.ge @!p0 [sflag:s8], $0x0  }
0x24: {  	s3 =	sadd.s32 $0x88, s3;
	s6 =	simm.s32 @!p1 $0x1082;
	[sflag:s4] =	ssyncset.s32 $0xFFFFF086  }
0x25: {  	[simem:s6], [sflag:s4] =	dma.local [hbm:s3], $0xF7A  }
0x26: {  	[smem:$0x3F9D] =	sst s1;
	(tag) =	ssettag s2;
	_ =	strace s9  }
0x27: {  	s1 =	sld [smem:$0x3FAD]  }
0x28: {  	s2 =	sld [smem:$0x3FAE]  }
0x29: {  	s4 =	sld [smem:$0x3FB0]  }
0x2a: {  	p0 =	seq.s32 s5, $0x0;
	s5 =	sld [smem:$0x3FB1]  }
0x2b: {  	s6 =	sld [smem:$0x3FB2]  }
0x2c: {  	s7 =	sld [smem:$0x3FB3]  }
0x2d: {  	s3 =	simm.s32 $0x108;
	s8 =	sld [smem:$0x3FB4]  }
0x2e: {  	s3 =	simm.s32 @!p0 $0x1082;
	s9 =	sld [smem:$0x3FB5]  }
0x2f: {  	lr =	sadd.s32 s0, s3;
	s0 =	sld [smem:$0x3FAC]  }
0x30: {  	s3 =	sld [smem:$0x3FAF]  }
0x31: {  	[smem:$0x3FB8] =	sst s10  }
0x32: {  	s10 =	sld [smem:$0x3FB6];
	_ =	sdelay $0x3  }
0x33: {  	p0 =	seq.s32 s10, $0x1;
	s10 =	sld [smem:$0x3FB8];
	_ =	sdelay $0x3  }
0x34: {  	[smem:$0x3FB8] =	sst s10  }
0x35: {  	s10 =	sld [smem:$0x3FB7];
	_ =	sdelay $0x3  }
0x36: {  	p1 =	seq.s32 s10, $0x1;
	s10 =	sld [smem:$0x3FB8];
	_ =	sdelay $0x3  }
0x37: {  	[smem:$0x3FB8] =	sst s10  }
0x38: {  	s10 =	sld [smem:$0x3FB9]  }
0x39: {  	_ = 	snop;
	(pc) =	sbr.ind lr, $3  }
0x3a: {  	_ = 	snop  }
0x3b: {  	_ = 	snop  }
0x3c: {  	p2 =	seq.s32 s10, $0x1;
	s10 =	sld [smem:$0x3FB8]  }
0x3d: {  	_ =	shalt  }
0x3e: {  	_ =	shalt  }
0x3f: {  	_ =	shalt  }
0x40: {  	_ =	shalt  }
0x41: {  	_ =	shalt  }
0x42: {  	_ =	shalt  }
0x43: {  	_ =	shalt  }
0x44: {  	_ =	shalt  }
0x45: {  	_ =	shalt  }
0x46: {  	_ =	shalt  }
0x47: {  	_ =	shalt  }
0x48: {  	_ =	shalt  }
0x49: {  	_ =	shalt  }
0x4a: {  	_ =	shalt  }
0x4b: {  	_ =	shalt  }
0x4c: {  	_ =	shalt  }
0x4d: {  	_ =	shalt  }
0x4e: {  	_ =	shalt  }
0x4f: {  	_ =	shalt  }
0x50: {  	_ =	shalt  }
0x51: {  	_ =	shalt  }
0x52: {  	_ =	shalt  }
0x53: {  	_ =	shalt  }
0x54: {  	_ =	shalt  }
0x55: {  	_ =	shalt  }
0x56: {  	_ =	shalt  }
0x57: {  	_ =	shalt  }
0x58: {  	_ =	shalt  }
0x59: {  	_ =	shalt  }
0x5a: {  	_ =	shalt  }
0x5b: {  	_ =	shalt  }
0x5c: {  	_ =	shalt  }
0x5d: {  	_ =	shalt  }
0x5e: {  	_ =	shalt  }
0x5f: {  	_ =	shalt  }
0x60: {  	_ =	shalt  }
0x61: {  	_ =	shalt  }
0x62: {  	_ =	shalt  }
0x63: {  	_ =	shalt  }
0x64: {  	_ =	shalt  }
0x65: {  	_ =	shalt  }
0x66: {  	_ =	shalt  }
0x67: {  	_ =	shalt  }
0x68: {  	_ =	shalt  }
0x69: {  	_ =	shalt  }
0x6a: {  	_ =	shalt  }
0x6b: {  	_ =	shalt  }
0x6c: {  	_ =	shalt  }
0x6d: {  	_ =	shalt  }
0x6e: {  	_ =	shalt  }
0x6f: {  	_ =	shalt  }
0x70: {  	_ =	shalt  }
0x71: {  	_ =	shalt  }
0x72: {  	_ =	shalt  }
0x73: {  	_ =	shalt  }
0x74: {  	_ =	shalt  }
0x75: {  	_ =	shalt  }
0x76: {  	_ =	shalt  }
0x77: {  	_ =	shalt  }
0x78: {  	_ =	shalt  }
0x79: {  	_ =	shalt  }
0x7a: {  	_ =	shalt  }
0x7b: {  	_ =	shalt  }
0x7c: {  	_ =	shalt  }
0x7d: {  	_ =	shalt  }
0x7e: {  	_ =	shalt  }
0x7f: {  	_ =	shalt  }
0x80: {  	_ =	shalt  }
0x81: {  	_ =	shalt  }
0x82: {  	_ =	shalt  }
0x83: {  	_ =	shalt  }
0x84: {  	_ =	shalt  }
0x85: {  	_ =	shalt  }
0x86: {  	_ =	shalt  }
0x87: {  	_ =	shalt  }
.Lfunc_end0:
.L_simem_size_0:
called_computation_lowered:
.L_overlay_start_0:
0x88: {  	s2 =	sld [smem:$0x3FD9]  }
0x89: {  	s3 =	sld [smem:$0x3FFE];
	_ =	sdelay $0x1  }
0x8a: {  	s1 =	srdreg.scid  }
0x8b: {  	s0 =	sand.u32 $0x1, s1  }
0x8c: {  	s16 =	sshll.u32 s0, $0xA;
	s2 =	sadd.s32 s3, s2  }
0x8d: {  	s2 =	sadd.s32 s2, s16  }
0x8e: {  	[smem:$0x3FC4] =	sst s2  }
0x8f: {  	_ = 	snop  }
0x90: {  	(tm) =	ssettm $0x1  }
0x91: {  	s17 =	sld [smem:$0x3FFB];
	_ =	sdelay $0x3  }
0x92: {  	_ =	strace s17  }
0x93: {  	s2 =	sld [smem:$0x3FFC];
	_ =	sdelay $0x3  }
0x94: {  	_ =	strace s2  }
0x95: {  	s2 =	sld [smem:$0x3FFD];
	_ =	sdelay $0x3  }
0x96: {  	_ =	strace s2  }
0x97: {  	_ =	strace $0x8FFFFFFF  }
0x98: {  	s18 =	sld [smem:$0x3FDB];
	_ =	sdelay $0x1  }
0x99: {  	s19 =	simm.s32 $_scs_section_size  }
0x9a: {  	s4 =	simm.s32 $_size__tile_overlayer_lowered;
	s5 =	simm.s32 $_tile_overlayer_lowered  }
0x9b: {  	s22 =	simm.s32 $0x1BFF;
	s21 =	sshll.u32 s5, $0x1;
	s2 =	sadd.s32 s19, s18  }
0x9c: {  	s6 =	simm.s32 $0x0;
	s20 =	sshll.u32 s4, $0x1;
	s4 =	sadd.s32 s21, s2  }
0x9d: {  	[timem:s6], [sflag:s22] =	dma.local [hbm:s4], s20  }
0x9e: {  	_ =	swait.ge [sflag:s22], s20  }
0x9f: {  	s3 =	ssub.s32 $0x0, s20;
	[sflag:s22] =	ssyncset.done $0x0  }
0xa0: {  	[sflag:s22] =	ssyncadd.s32 s3;
	_ =	sdelay $0x1  }
0xa1: {  	s23 =	simm.s32 $0x1B8B  }
0xa2: {  	_ =	swait.ge [sflag:s23], $0x1  }
0xa3: {  	[sflag:s23] =	ssyncset.done $0x0  }
0xa4: {  	s25 =	simm.s32 $0x1B8E;
	s24 =	sld [smem:$0x3FFE];
	[sflag:s23] =	ssyncadd.s32 $0xFFFFFFFF  }
0xa5: {  	s26 =	simm.s32 $execute0_lowered;
	[smem:$0x3FD2] =	sst s25  }
0xa6: {  	s4 =	sshll.u32 s26, $0x1;
	_ =	strace $0x80000046;
	[dreg:$0x1] =	wrdreg $0xFFFFFFFF  }
0xa7: {  	s28 =	simm.s32 $_size_execute0_lowered;
	s2 =	sadd.s32 s2, s4;
	[dreg:$0x0] =	wrdreg $0x0  }
0xa8: {  	s4 =	sshll.u32 s28, $0x1;
	[dreg:$0x2] =	wrdreg s2  }
0xa9: {  	[dreg:$0x3] =	wrdreg s4  }
0xaa: {  	[dreg:$0x4] =	wrdreg $0xC0  }
0xab: {  	_ =	task [dreg:s6], $0x5FFFF  }
0xac: {  	[dreg:$0x1] =	wrdreg $0xFFFFFFFF  }
0xad: {  	[dreg:$0x0] =	wrdreg $0x60  }
0xae: {  	[dreg:$0x2] =	wrdreg s24  }
0xaf: {  	[dreg:$0x3] =	wrdreg $0x68800  }
0xb0: {  	[dreg:$0x4] =	wrdreg $0x8F900  }
0xb1: {  	[dreg:$0x5] =	wrdreg $0x9  }
0xb2: {  	_ =	task.clear_ibuf [dreg:s6], $0x6FFFF;
	_ =	strace $0x90000046  }
0xb3: {  	s29 =	simm.s32 $0x9;
	_ =	strace $0x80000048  }
0xb4: {  	_ =	swait.ge [sflag:s29], $0x1  }
0xb5: {  	[sflag:s29] =	ssyncadd.s32 $0xFFFFFFFF  }
0xb6: {  	_ =	strace $0x90000048  }
0xb7: {  	_ =	sfence  }
0xb8: {  	s30 =	sld [smem:$0x0];
	_ =	sdelay $0x2  }
0xb9: {  	s31 =	sshll.u32 s1, $0xD;
	s1 =	sshrl.u32 s1, $0x2  }
0xba: {  	s3 =	sand.u32 $0x4000, s31;
	s1 =	sadd.s32 s1, s30  }
0xbb: {  	s0 =	sor.u32 s3, s0;
	s1 =	sshll.u32 s1, $0x11  }
0xbc: {  	s0 =	sor.u32 s1, s0  }
0xbd: {  	s0 =	sadd.s32 $0x8F2B, s0  }
0xbe: {  	[sflag:s0] =	ssyncadd.remote.s32 $0x1  }
0xbf: {  	_ =	sfence.sel $0xFFFF  }
0xc0: {  	[dreg:$0x0] =	wrdreg $0xFFFFFFFF;
	(pc) =	sbr.abs _section_cstart, $3  }
0xc1: {  	[dreg:$0x1] =	wrdreg $0xFFFFFFFF  }
0xc2: {  	_ =	task.clear_ibuf [dreg:s6], $0x2FFFF;
	_ =	strace $0x9FFFFFFF  }
0xc3: {  	(tm) =	ssettm $0x7FFFFFFF  }
tec
execute0_lowered:
.L_overlay_start_1:
0x0: {  	(tag) =	ssettag $0x1  }
0x1: {  	s6 =	rddreg [dreg:$0x0]  }
0x2: {  	s0 =	stileid.u32;
	s2 =	rddreg [dreg:$0x1]  }
0x3: {  	s3 =	rddreg [dreg:$0x2];
	s4 =	simm.s32 $0x0;
	s5 =	smul.u32 $0x280, s0  }
0x4: {  	s10 =	srdreg.scid;
	s19 =	simm.s32 $0x0;
	s26 =	smul.u32 $0x50000, s0  }
0x5: {  	[smem:$0x7FF] =	sst s4;
	s13 =	sadd.s32 $0xB200, s6;
	s18 =	smul.u32 $0x2710, s0  }
0x6: {  	s12 =	sadd.s32 $0x1400, s6;
	s20 =	sand.u32 $0x1, s10;
	s29 =	smul.u32 $0x14000, s0  }
0x7: {  	s15 =	sadd.s32 $0x15000, s6;
	s10 =	ssub.s32 $0x2, s20;
	s25 =	smul.u32 $0x138800, s20  }
0x8: {  	s16 =	sshll.u32 s20, $0x4;
	s17 =	smul.u32 $0x27100, s20;
	s1 =	smin.u32 s5, $0x2490  }
0x9: {  	s14 =	sshrl.u32 s10, $0x1;
	s23 =	sor.u32 s0, s16;
	s7 =	sadd.s32 $0x280, s1  }
0xa: {  	s1 =	rddreg [dreg:$0x3];
	_ =	strace $0x80000047;
	s8 =	ssub.s32 s7, s5  }
0xb: {  	s10 =	ssub.s32 s10, s14;
	s24 =	smul.u32 $0x2710, s23;
	s9 =	sshll.u32 s8, $0x10  }
0xc: {  	s17 =	sadd.s32 s18, s17;
	s14 =	sadd.s32 s29, s25;
	s9 =	sshra.s32 s9, $0x10  }
0xd: {  	s18 =	simm.s32 $0x10;
	p0 =	sne.s32 s7, s5;
	s9 =	smul.u32 $0x6667, s9  }
0xe: {  	s5 =	simm.s32 $0x1;
	s17 =	sshrl.u32 s17, $0x3;
	s16 =	sshrl.u32 s14, $0x3  }
0xf: {  	s30 =	sadd.s32 $0x271000, s14;
	s11 =	sshrl.u32 s9, $0x1F;
	s9 =	sshra.s32 s9, $0x15  }
0x10: {  	s22 =	sshra.s32 s8, $0x1F;
	s5 =	simm.s32 @!p0 $0x0;
	s9 =	sadd.s32 s11, s9  }
0x11: {  	s8 =	ssub.s32 $0x0, s8;
	s14 =	sadd.s32 s16, s15;
	s21 =	smul.u32 $0xFFFFFFB0, s9  }
0x12: {  	s31 =	sshrl.u32 s30, $0x3;
	s16 =	simm.s32 $0x4080;
	s5 =	sor.u32 s5, s22  }
0x13: {  	s8 =	sand.u32 $0xFFFF, s8;
	s15 =	sadd.s32 s31, s15;
	s7 =	sand.u32 $0xFFF0, s21  }
0x14: {  	p6 =	sne.s32 s5, $0x1;
	s5 =	simm.s32 $0x1;
	p1 =	sne.s32 s7, s8  }
0x15: {  	s8 =	simm.s32 $0x1;
	s7 =	sshrl.u32 s24, $0x3;
	p0 =	por !p6, !p1  }
.Ltmp0:
0x16: {  	s28 =	sadd.s32 $0x4E0, s7;
	p0 =	por !p0, !p0;
	(pc) =	sbr.rel .LBB2_1-.Ltmp0, $4  }
0x17: {  	s11 =	sshrl.u32 s26, $0x2;
	s7 =	sadd.s32 s13, s28;
	s8 =	simm.s32 @!p0 $0x0  }
0x18: {  	s13 =	sadd.s32 s17, s13;
	s6 =	ssub.s32 s9, s8;
	s8 =	sadd.s32 s12, s28  }
0x19: {  	s9 =	smax.u32 s10, $0x1;
	s10 =	sadd.s32 s11, s2;
	s11 =	sadd.s32 s11, s3  }
0x1a: {  	v0 =	vimm.f32 $1.000000000e+00;
	v1 =	vimm.f32 $0.0e+00;
	s12 =	sadd.s32 s17, s12;
	s17 =	simm.s32 $0x80;
	p0 =	slt.s32 s6, $0x1  }
.LBB2_14:
0x1b: {  	[sflag:s5] =	ssyncadd.s32 $0xFFFFD800  }
.LBB2_15:
0x1c: {  	s19 =	sadd.s32 $0x1, s19  }
0x1d: {  	p1 =	sne.s32 s19, s9  }
.Ltmp1:
0x1e: {  	_ = 	snop;
	(pc) =	sbr.rel @!p1 .LBB2_16-.Ltmp1, $1  }
0x1f: {  	_ =	sdelay $0x3  }
.LBB2_1:
0x20: {  	s20 =	simm.s32 $0x0  }
.LBB2_2:
0x21: {  	p1 =	seq.s32 s20, $0xFE00  }
.Ltmp2:
0x22: {  	_ = 	snop;
	(pc) =	sbr.rel @!p1 .LBB2_2-.Ltmp2, $3  }
0x23: {  	_ =	sdelay $0x1  }
0x24: {  	s21 =	sshra.s32 s20, $0x2  }
0x25: {  	s20 =	sadd.s32 $0x200, s20;
	[tilespmem:s21+$0x80] =	vst v0  }
0x26: {  	s20 =	simm.s32 $0x200;
	s21 =	simm.s32 $0x0  }
.LBB2_4:
0x27: {  	p1 =	seq.s32 s20, $0x9E00;
	[tilespmem:s21+$0x4080] =	vst v1;
	s21 =	smov.u32 s20;
	s20 =	sadd.s32 $0x200, s20  }
.Ltmp3:
0x28: {  	(pc) =	sbr.rel @!p1 .LBB2_4-.Ltmp3, $2  }
0x29: {  	_ =	sdelay $0x2  }
0x2a: {  	s21 =	sshra.s32 s21, $0x2  }
.Ltmp4:
0x2b: {  	(pc) =	sbr.rel @p0 .LBB2_9-.Ltmp4, $2  }
0x2c: {  	_ =	sdelay $0x2  }
0x2d: {  	[tilespmem:s21+$0x4080] =	vst v1  }
0x2e: {  	[spmem:s10] =	stream.linear.scatter [tilespmem:s16], [sflag:$0x1], $0x2800, $0x38;
	[tilespmem:$0xB6A0] =	vst v63  }
0x2f: {  	p1 =	sne.s32 s6, $0x1;
	_ =	swait.ge [sflag:s5], $0x2800  }
.Ltmp5:
0x30: {  	[sflag:s5] =	ssyncset.done $0x0;
	(pc) =	sbr.rel @!p1 .LBB2_8-.Ltmp5, $4  }
0x31: {  	[sflag:s5] =	ssyncadd.s32 $0xFFFFD800  }
0x32: {  	[spmem:s11] =	stream.linear.scatter [tilespmem:s16], [sflag:$0x1], $0x2800, $0x38;
	[tilespmem:$0xB6A0] =	vst v63  }
0x33: {  	s20 =	sadd.s32 $0xFFFFFFFF, s6;
	_ =	swait.ge [sflag:s5], $0x2800  }
0x34: {  	s21 =	smov.u32 s10;
	s22 =	smov.u32 s11;
	[sflag:s5] =	ssyncset.done $0x0  }
.LBB2_7:
0x35: {  	[sflag:s5] =	ssyncadd.s32 $0xFFFFD800;
	s21 =	sadd.s32 $0x2800, s21;
	s22 =	sadd.s32 $0x2800, s22  }
0x36: {  	[spmem:s21] =	stream.linear.scatter [tilespmem:s16], [sflag:$0x1], $0x2800, $0x38;
	[tilespmem:$0xB6A0] =	vst v63  }
0x37: {  	p1 =	sne.s32 s20, $0x1;
	s20 =	sadd.s32 $0xFFFFFFFF, s20;
	_ =	swait.ge [sflag:s5], $0x2800  }
.Ltmp6:
0x38: {  	[sflag:s5] =	ssyncset.done $0x0;
	(pc) =	sbr.rel @p1 .LBB2_7-.Ltmp6, $4  }
0x39: {  	[sflag:s5] =	ssyncadd.s32 $0xFFFFD800  }
0x3a: {  	[spmem:s22] =	stream.linear.scatter [tilespmem:s16], [sflag:$0x1], $0x2800, $0x38;
	[tilespmem:$0xB6A0] =	vst v63  }
0x3b: {  	_ =	swait.ge [sflag:s5], $0x2800  }
0x3c: {  	[sflag:s5] =	ssyncset.done $0x0  }
.LBB2_8:
0x3d: {  	[sflag:s5] =	ssyncadd.s32 $0xFFFFD800  }
.LBB2_9:
0x3e: {  	[bflag:$0x0] =	sbarrier.arrive $0xFFFF;
	s20 =	sadd.s32 $0x0, s13  }
0x3f: {  	[tilespmem:s4], [sflag:$0x1] =	stream.linear.gather [hbm4b:s20+s4], $0x80, $0x38;
	[tilespmem:$0xB6A0] =	vst v63  }
0x40: {  	_ =	swait.ge [sflag:s5], $0x80  }
0x41: {  	[sflag:s5] =	ssyncset.done $0x0  }
0x42: {  	[sflag:s5] =	ssyncadd.s32 $0xFFFFFF80  }
0x43: {  	[spmem:s2] =	stream.indirect.scatter.add.f32 [tilespmem:s17], [sflag:$0x1], $0x10, s4, s17, $0xb8;
	[tilespmem:$0xB6A0] =	vst v63  }
0x44: {  	_ =	swait.ge [sflag:s5], $0x800  }
0x45: {  	[sflag:s5] =	ssyncset.done $0x0  }
0x46: {  	s31 =	sadd.s32 $0x0, s12;
	[sflag:s5] =	ssyncadd.s32 $0xFFFFF800  }
0x47: {  	[tilespmem:s4], [sflag:$0x1] =	stream.linear.gather [hbm4b:s31+s4], $0x80, $0x38;
	[tilespmem:$0xB6A0] =	vst v63  }
0x48: {  	_ =	swait.ge [sflag:s5], $0x80  }
0x49: {  	[sflag:s5] =	ssyncset.done $0x0  }
0x4a: {  	[sflag:s5] =	ssyncadd.s32 $0xFFFFFF80  }
0x4b: {  	[spmem:s3] =	stream.indirect.scatter.add.f32 [tilespmem:s17], [sflag:$0x1], $0x10, s4, s17, $0xb8;
	[tilespmem:$0xB6A0] =	vst v63  }
0x4c: {  	_ =	swait.ge [sflag:s5], $0x800  }
0x4d: {  	s21 =	simm.s32 $0x20;
	s20 =	simm.s32 $0x10;
	[sflag:s5] =	ssyncset.done $0x0  }
.LBB2_10:
0x4e: {  	s22 =	sadd.s32 s20, s13  }
0x4f: {  	[sflag:s5] =	ssyncadd.s32 $0xFFFFF800;
	s23 =	smov.u32 s21;
	s24 =	sadd.s32 $0x10, s21  }
0x50: {  	[tilespmem:s4], [sflag:$0x1] =	stream.linear.gather [hbm4b:s22+s4], $0x80, $0x38;
	[tilespmem:$0xB6A0] =	vst v63  }
0x51: {  	p1 =	sne.s32 s21, $0x4D0;
	_ =	swait.ge [sflag:s5], $0x80  }
0x52: {  	[sflag:s5] =	ssyncset.done $0x0  }
0x53: {  	[sflag:s5] =	ssyncadd.s32 $0xFFFFFF80  }
0x54: {  	[spmem:s2] =	stream.indirect.scatter.add.f32 [tilespmem:s17], [sflag:$0x1], $0x10, s4, s17, $0xb8;
	[tilespmem:$0xB6A0] =	vst v63  }
0x55: {  	_ =	swait.ge [sflag:s5], $0x800  }
0x56: {  	[sflag:s5] =	ssyncset.done $0x0  }
0x57: {  	s21 =	sadd.s32 s20, s12;
	s20 =	smov.u32 s23;
	[sflag:s5] =	ssyncadd.s32 $0xFFFFF800  }
0x58: {  	[tilespmem:s4], [sflag:$0x1] =	stream.linear.gather [hbm4b:s21+s4], $0x80, $0x38;
	[tilespmem:$0xB6A0] =	vst v63  }
0x59: {  	_ =	swait.ge [sflag:s5], $0x80  }
.Ltmp7:
0x5a: {  	[sflag:s5] =	ssyncset.done $0x0;
	(pc) =	sbr.rel @p1 .LBB2_10-.Ltmp7, $4  }
0x5b: {  	[sflag:s5] =	ssyncadd.s32 $0xFFFFFF80  }
0x5c: {  	[spmem:s3] =	stream.indirect.scatter.add.f32 [tilespmem:s17], [sflag:$0x1], $0x10, s4, s17, $0xb8;
	[tilespmem:$0xB6A0] =	vst v63  }
0x5d: {  	_ =	swait.ge [sflag:s5], $0x800  }
0x5e: {  	s21 =	smov.u32 s24;
	[sflag:s5] =	ssyncset.done $0x0  }
0x5f: {  	s21 =	sadd.s32 s20, s13;
	[sflag:s5] =	ssyncadd.s32 $0xFFFFF800  }
0x60: {  	[tilespmem:s4], [sflag:$0x1] =	stream.linear.gather [hbm4b:s21+s4], $0x80, $0x38;
	[tilespmem:$0xB6A0] =	vst v63  }
0x61: {  	_ =	swait.ge [sflag:s5], $0x80  }
0x62: {  	[sflag:s5] =	ssyncset.done $0x0  }
0x63: {  	[sflag:s5] =	ssyncadd.s32 $0xFFFFFF80  }
0x64: {  	[spmem:s2] =	stream.indirect.scatter.add.f32 [tilespmem:s17], [sflag:$0x1], $0x10, s4, s17, $0xb8;
	[tilespmem:$0xB6A0] =	vst v63  }
0x65: {  	_ =	swait.ge [sflag:s5], $0x800  }
0x66: {  	[sflag:s5] =	ssyncset.done $0x0  }
0x67: {  	s31 =	sadd.s32 s20, s12;
	[sflag:s5] =	ssyncadd.s32 $0xFFFFF800  }
0x68: {  	[tilespmem:s4], [sflag:$0x1] =	stream.linear.gather [hbm4b:s31+s4], $0x80, $0x38;
	[tilespmem:$0xB6A0] =	vst v63  }
0x69: {  	_ =	swait.ge [sflag:s5], $0x80  }
0x6a: {  	[sflag:s5] =	ssyncset.done $0x0  }
0x6b: {  	[sflag:s5] =	ssyncadd.s32 $0xFFFFFF80  }
0x6c: {  	[spmem:s3] =	stream.indirect.scatter.add.f32 [tilespmem:s17], [sflag:$0x1], $0x10, s4, s17, $0xb8;
	[tilespmem:$0xB6A0] =	vst v63  }
0x6d: {  	_ =	swait.ge [sflag:s5], $0x800  }
0x6e: {  	[sflag:s5] =	ssyncset.done $0x0  }
0x6f: {  	[sflag:s5] =	ssyncadd.s32 $0xFFFFF800  }
0x70: {  	[tilespmem:s4], [sflag:$0x1] =	stream.linear.gather [hbm4b:s7+s4], $0x10, $0x38;
	[tilespmem:$0xB6A0] =	vst v63  }
0x71: {  	_ =	swait.ge [sflag:s5], $0x10  }
0x72: {  	[sflag:s5] =	ssyncset.done $0x0  }
0x73: {  	[sflag:s5] =	ssyncadd.s32 $0xFFFFFFF0  }
0x74: {  	[spmem:s2] =	stream.indirect.scatter.add.f32 [tilespmem:s17], [sflag:$0x1], $0x10, s4, s18, $0xb8;
	[tilespmem:$0xB6A0] =	vst v63  }
0x75: {  	_ =	swait.ge [sflag:s5], $0x100  }
0x76: {  	[sflag:s5] =	ssyncset.done $0x0  }
0x77: {  	[sflag:s5] =	ssyncadd.s32 $0xFFFFFF00  }
0x78: {  	[tilespmem:s4], [sflag:$0x1] =	stream.linear.gather [hbm4b:s8+s4], $0x10, $0x38;
	[tilespmem:$0xB6A0] =	vst v63  }
0x79: {  	_ =	swait.ge [sflag:s5], $0x10  }
0x7a: {  	[sflag:s5] =	ssyncset.done $0x0  }
0x7b: {  	[sflag:s5] =	ssyncadd.s32 $0xFFFFFFF0  }
0x7c: {  	[spmem:s3] =	stream.indirect.scatter.add.f32 [tilespmem:s17], [sflag:$0x1], $0x10, s4, s18, $0xb8;
	[tilespmem:$0xB6A0] =	vst v63  }
.Ltmp8:
0x7d: {  	_ =	swait.ge [sflag:s5], $0x100;
	(pc) =	sbr.rel @p0 .LBB2_15-.Ltmp8, $3  }
0x7e: {  	[sflag:s5] =	ssyncset.done $0x0  }
0x7f: {  	[sflag:s5] =	ssyncadd.s32 $0xFFFFFF00  }
0x80: {  	[bflag:$0x0] =	sbarrier.arrive $0xFFFF;
	_ =	sdelay $0x1  }
0x81: {  	[tilespmem:s16], [sflag:$0x1] =	stream.linear.gather [spmem:s10], $0x2800, $0x38;
	[tilespmem:$0xB6A0] =	vst v63  }
0x82: {  	_ =	swait.ge [sflag:s5], $0x2800  }
0x83: {  	[sflag:s5] =	ssyncset.done $0x0  }
0x84: {  	[sflag:s5] =	ssyncadd.s32 $0xFFFFD800  }
0x85: {  	[hbm4b:s14+s4] =	stream.linear.scatter [tilespmem:s16], [sflag:$0x1], $0x2800, $0x38;
	[tilespmem:$0xB6A0] =	vst v63  }
0x86: {  	_ =	swait.ge [sflag:s5], $0x2800  }
0x87: {  	[sflag:s5] =	ssyncset.done $0x0  }
0x88: {  	[sflag:s5] =	ssyncadd.s32 $0xFFFFD800  }
0x89: {  	[tilespmem:s16], [sflag:$0x1] =	stream.linear.gather [spmem:s11], $0x2800, $0x38;
	[tilespmem:$0xB6A0] =	vst v63  }
0x8a: {  	p1 =	sne.s32 s6, $0x1;
	_ =	swait.ge [sflag:s5], $0x2800  }
.Ltmp9:
0x8b: {  	[sflag:s5] =	ssyncset.done $0x0;
	(pc) =	sbr.rel @!p1 .LBB2_14-.Ltmp9, $4  }
0x8c: {  	s20 =	sadd.s32 $0xFFFFFFFF, s6;
	[sflag:s5] =	ssyncadd.s32 $0xFFFFD800  }
0x8d: {  	[hbm4b:s15+s4] =	stream.linear.scatter [tilespmem:s16], [sflag:$0x1], $0x2800, $0x38;
	[tilespmem:$0xB6A0] =	vst v63  }
0x8e: {  	s21 =	sadd.s32 $0x2800, s10;
	s22 =	sadd.s32 $0x2800, s11;
	_ =	swait.ge [sflag:s5], $0x2800  }
0x8f: {  	s23 =	smov.u32 s14;
	s24 =	smov.u32 s15;
	[sflag:s5] =	ssyncset.done $0x0  }
.LBB2_13:
0x90: {  	[sflag:s5] =	ssyncadd.s32 $0xFFFFD800;
	s23 =	sadd.s32 $0x500, s23;
	s24 =	sadd.s32 $0x500, s24  }
0x91: {  	[tilespmem:s16], [sflag:$0x1] =	stream.linear.gather [spmem:s21], $0x2800, $0x38;
	[tilespmem:$0xB6A0] =	vst v63  }
0x92: {  	p1 =	sne.s32 s20, $0x1;
	s20 =	sadd.s32 $0xFFFFFFFF, s20;
	_ =	swait.ge [sflag:s5], $0x2800  }
0x93: {  	[sflag:s5] =	ssyncset.done $0x0  }
0x94: {  	[sflag:s5] =	ssyncadd.s32 $0xFFFFD800  }
0x95: {  	[hbm4b:s23+s4] =	stream.linear.scatter [tilespmem:s16], [sflag:$0x1], $0x2800, $0x38;
	[tilespmem:$0xB6A0] =	vst v63  }
0x96: {  	_ =	swait.ge [sflag:s5], $0x2800  }
0x97: {  	[sflag:s5] =	ssyncset.done $0x0  }
0x98: {  	[sflag:s5] =	ssyncadd.s32 $0xFFFFD800  }
0x99: {  	[tilespmem:s16], [sflag:$0x1] =	stream.linear.gather [spmem:s22], $0x2800, $0x38;
	[tilespmem:$0xB6A0] =	vst v63  }
0x9a: {  	_ =	swait.ge [sflag:s5], $0x2800  }
.Ltmp10:
0x9b: {  	[sflag:s5] =	ssyncset.done $0x0;
	(pc) =	sbr.rel @p1 .LBB2_13-.Ltmp10, $4  }
0x9c: {  	[sflag:s5] =	ssyncadd.s32 $0xFFFFD800  }
0x9d: {  	[hbm4b:s24+s4] =	stream.linear.scatter [tilespmem:s16], [sflag:$0x1], $0x2800, $0x38;
	[tilespmem:$0xB6A0] =	vst v63  }
0x9e: {  	_ =	swait.ge [sflag:s5], $0x2800  }
0x9f: {  	s21 =	sadd.s32 $0x2800, s21;
	s22 =	sadd.s32 $0x2800, s22;
	[sflag:s5] =	ssyncset.done $0x0  }
.Ltmp11:
0xa0: {  	_ = 	snop;
	(pc) =	sbr.rel .LBB2_14-.Ltmp11, $1  }
0xa1: {  	_ =	sdelay $0x3  }
.LBB2_16:
0xa2: {  	_ =	sfence.sel $0x180000  }
0xa3: {  	[bflag:$0x0] =	sbarrier.arrive $0xFFFF  }
0xa4: {  	p0 =	sne.s32 s0, $0x0;
	_ =	strace $0x90000047  }
0xa5: {  	s0 =	sadd.s32 @!p0 $0x100000, s1;
	[bflag:$0x2] =	sbarrier.arrive $0xFFFF  }
0xa6: {  	[sflag:s0] =	ssyncadd.tile.s32 @!p0 $0x1;
	_ =	shalt  }
.Lfunc_end2:
_tile_overlayer_lowered:
.L_overlay_start_2:
0xa7: {  	(tag) =	ssettag $0x2  }
0xa8: {  	s0 =	rddreg [dreg:$0x0];
	s2 =	stileid.u32  }
0xa9: {  	s1 =	rddreg [dreg:$0x1];
	p0 =	sne.s32 s2, $0x0  }
0xaa: {  	s3 =	rddreg [dreg:$0x2];
	[bflag:$0x3] =	sbarrier.arrive $0xFFFF;
	s2 =	simm.s32 @!p0 $0x1C01  }
0xab: {  	[timem:s3], [sflag:s2] =	dma.local @!p0 [hbm:s0], s1  }
0xac: {  	s0 =	simm.s32 @!p0 $0x1  }
0xad: {  	_ =	swait.ge @!p0 [sflag:s0], s1  }
0xae: {  	s1 =	ssub.s32 @!p0 $0x0, s1;
	[sflag:s0] =	ssyncset.done @!p0 $0x0  }
0xaf: {  	[sflag:s0] =	ssyncadd.s32 @!p0 s1  }
0xb0: {  	[bflag:$0x3] =	sbarrier.arrive $0xFFFF  }
0xb1: {  	_ =	shalt  }

</sc_bundles>
